<compile_context>
chip_gen: v7x
topology: tpu7x:2x2x1
jax: 0.10.2.dev20260603
libtpu: 0.0.44.dev20260713+nightly
codegen_flags: <defaults>
</compile_context>

<pallas_src>
import functools

import jax
import jax.numpy as jnp
import numpy as np
from jax import lax
from jax.experimental import pallas as pl
from jax.experimental.pallas import tpu as pltpu
from jax.experimental.pallas import tpu_sc as plsc

TIME_RES = 8
NL = 8
F = 4
H = 1 << 14
NB = 4
N_PTS = 1048576
_PLS = float(np.exp2(np.log2(32768 / 512) / (NL - 1)))
SCALES = np.array(
    [np.exp2(l * np.log2(_PLS)) * 512 - 1.0 for l in range(NL)], dtype=np.float32
)
PRIME1 = np.uint32(2654435761)
HMASK = np.uint32(H - 1)

NC = 2
NS = 16
LANES = 16
NW = NC * NS

NCHUNK = NW // NL
CHUNK_PTS = N_PTS // NCHUNK
PB = 8192
NKB = CHUNK_PTS // PB
HC = H // 128
CHC = 16
AW = CHC * F * 128
CROW = 160
LPW = F * 128


def _sc_body(s1_hbm, s2_hbm, const_hbm, x_hbm, out_hbm,
             comb_v, s1a, s2a, s1b, s2b, cbuf, xy0, xy1, ob0, ob1,
             sem0, sem1, osem0, osem1):
    cid = lax.axis_index("c")
    sid = lax.axis_index("s")
    wid = sid * NC + cid
    level = wid % NL
    chunk = wid // NL

    pltpu.sync_copy(const_hbm.at[pl.ds(wid * CROW, CROW)], cbuf)
    c1s = [cbuf[pl.ds(f * LANES, LANES)] for f in range(F)]
    c2s = [cbuf[pl.ds((F + f) * LANES, LANES)] for f in range(F)]
    scale = cbuf[pl.ds(2 * F * LANES, LANES)]
    iota = lax.iota(jnp.int32, LANES)

    lvl_off = level * (H * F)

    def dma_a(ci, b1, b2, sem):
        off = lvl_off + ci * AW
        pltpu.async_copy(s1_hbm.at[pl.ds(off, AW)], b1, sem)
        pltpu.async_copy(s2_hbm.at[pl.ds(off, AW)], b2, sem)

    def wait_a(b1, b2, sem):
        pltpu.make_async_copy(s1_hbm.at[pl.ds(0, AW)], b1, sem).wait()
        pltpu.make_async_copy(s1_hbm.at[pl.ds(0, AW)], b2, sem).wait()

    def compute_a(ci, sbuf1, sbuf2):
        def inner(hcl, c_):
            base0 = hcl * LPW
            cbase = ci * (CHC * 128) + hcl * 128
            s1buf, s2buf = sbuf1, sbuf2
            for q in range(8):
                base = base0 + q * LANES
                a0 = s1buf[pl.ds(base, LANES)] * c1s[0]
                a1 = s1buf[pl.ds(base + 128, LANES)] * c1s[1]
                a2 = s1buf[pl.ds(base + 256, LANES)] * c1s[2]
                a3 = s1buf[pl.ds(base + 384, LANES)] * c1s[3]
                b0 = s2buf[pl.ds(base, LANES)] * c2s[0]
                b1 = s2buf[pl.ds(base + 128, LANES)] * c2s[1]
                b2 = s2buf[pl.ds(base + 256, LANES)] * c2s[2]
                b3 = s2buf[pl.ds(base + 384, LANES)] * c2s[3]
                acc = ((a0 + a1) + (a2 + a3)) + ((b0 + b1) + (b2 + b3))
                comb_v[pl.ds(cbase + q * LANES, LANES)] = acc
            return c_

        lax.fori_loop(0, CHC, inner, 0)

    dma_a(0, s1a, s2a, sem0)

    def stage_a(kk, carry):
        ci0 = 2 * kk
        dma_a(ci0 + 1, s1b, s2b, sem1)
        wait_a(s1a, s2a, sem0)
        compute_a(ci0, s1a, s2a)

        @pl.when(ci0 + 2 < HC // CHC)
        def _():
            dma_a(ci0 + 2, s1a, s2a, sem0)

        wait_a(s1b, s2b, sem1)
        compute_a(ci0 + 1, s1b, s2b)
        return carry

    lax.fori_loop(0, HC // CHC // 2, stage_a, 0)

    pbase = chunk * CHUNK_PTS

    def dma_x(k, buf, sem):
        off = pl.multiple_of(2 * (pbase + k * PB), 2 * PB)
        pltpu.async_copy(x_hbm.at[pl.ds(off, 2 * PB)], buf, sem)

    def wait_x(buf, sem):
        pltpu.make_async_copy(x_hbm.at[pl.ds(0, 2 * PB)], buf, sem).wait()

    def fire_out(k, ob, osem):
        xoff = pbase + k * PB
        row0 = pl.multiple_of(xoff // 128, 64)
        pltpu.async_copy(
            ob, out_hbm.at[pl.ds(row0, PB // 128), pl.ds(level, 1), :], osem
        )

    def wait_out(ob, osem):
        pltpu.make_async_copy(
            ob, out_hbm.at[pl.ds(0, PB // 128), pl.ds(0, 1), :], osem
        ).wait()

    def process(k, buf, ob):
        def hashes(base0, q):
            base = base0 + q * LANES
            xs = buf[pl.ds(base, LANES)]
            ys = buf[pl.ds(base + 128, LANES)]
            px = xs * scale + 0.5
            py = ys * scale + 0.5
            ix = px.astype(jnp.int32)
            iy = py.astype(jnp.int32)
            wx = px - ix.astype(jnp.float32)
            wy = py - iy.astype(jnp.float32)
            ux = ix.astype(jnp.uint32)
            uy = iy.astype(jnp.uint32)
            hy0 = uy * PRIME1
            hy1 = hy0 + PRIME1
            ux1 = ux + np.uint32(1)
            h00 = ((ux ^ hy0) & HMASK).astype(jnp.int32)
            h10 = ((ux1 ^ hy0) & HMASK).astype(jnp.int32)
            h01 = ((ux ^ hy1) & HMASK).astype(jnp.int32)
            h11 = ((ux1 ^ hy1) & HMASK).astype(jnp.int32)
            return (h00, h10, h01, h11, wx, wy)

        def gathers(hs):
            h00, h10, h01, h11, wx, wy = hs
            g00 = plsc.load_gather(comb_v, [h00])
            g10 = plsc.load_gather(comb_v, [h10])
            g01 = plsc.load_gather(comb_v, [h01])
            g11 = plsc.load_gather(comb_v, [h11])
            return (g00, g10, g01, g11, wx, wy)

        def lerp(gs):
            g00, g10, g01, g11, wx, wy = gs
            gx0 = g00 + (g10 - g00) * wx
            gx1 = g01 + (g11 - g01) * wx
            return gx0 + (gx1 - gx0) * wy

        def inner(c, c_):
            base0 = c * 256
            pipe = [gathers(hashes(base0, q)) for q in range(4)]
            for q in range(4, 8):
                hs_next = hashes(base0, q)
                ob[c, 0, pl.ds((q - 4) * LANES, LANES)] = lerp(pipe[0])
                pipe = pipe[1:] + [gathers(hs_next)]
            for j in range(4):
                ob[c, 0, pl.ds((4 + j) * LANES, LANES)] = lerp(pipe[j])
            return c_

        lax.fori_loop(0, PB // 128, inner, 0)

    dma_x(0, xy0, sem0)

    def outer(kk, carry):
        k0 = 2 * kk
        dma_x(k0 + 1, xy1, sem1)
        wait_x(xy0, sem0)

        @pl.when(kk >= 1)
        def _():
            wait_out(ob0, osem0)

        process(k0, xy0, ob0)
        fire_out(k0, ob0, osem0)

        @pl.when(k0 + 2 < NKB)
        def _():
            dma_x(k0 + 2, xy0, sem0)

        wait_x(xy1, sem1)

        @pl.when(kk >= 1)
        def _():
            wait_out(ob1, osem1)

        process(k0 + 1, xy1, ob1)
        fire_out(k0 + 1, ob1, osem1)
        return carry

    lax.fori_loop(0, NKB // 2, outer, 0)
    wait_out(ob0, osem0)
    wait_out(ob1, osem1)


_sc_call = functools.partial(
    pl.kernel,
    out_type=jax.ShapeDtypeStruct((N_PTS // 128, NL, 128), jnp.float32),
    mesh=plsc.VectorSubcoreMesh(
        core_axis_name="c", subcore_axis_name="s", num_cores=NC, num_subcores=NS
    ),
    compiler_params=pltpu.CompilerParams(
        needs_layout_passes=False, use_tc_tiling_on_sc=False
    ),
    scratch_types=[
        pltpu.VMEM((H,), jnp.float32),
        pltpu.VMEM((AW,), jnp.float32),
        pltpu.VMEM((AW,), jnp.float32),
        pltpu.VMEM((AW,), jnp.float32),
        pltpu.VMEM((AW,), jnp.float32),
        pltpu.VMEM((CROW,), jnp.float32),
        pltpu.VMEM((2 * PB,), jnp.float32),
        pltpu.VMEM((2 * PB,), jnp.float32),
        pltpu.VMEM((PB // 128, 1, 128), jnp.float32),
        pltpu.VMEM((PB // 128, 1, 128), jnp.float32),
        pltpu.SemaphoreType.DMA,
        pltpu.SemaphoreType.DMA,
        pltpu.SemaphoreType.DMA,
        pltpu.SemaphoreType.DMA,
    ],
)(_sc_body)


def kernel(x, t, tables):
    idx = t * (TIME_RES - 1)
    i1 = jnp.floor(idx).astype(jnp.int32)
    i2 = jnp.ceil(idx).astype(jnp.int32)
    same = i1 == i2
    w1 = jnp.where(same, jnp.float32(1.0), i2.astype(jnp.float32) - idx)
    w2 = jnp.where(same, jnp.float32(0.0), idx - i1.astype(jnp.float32))
    Tm = [i / (NB - 1) for i in range(NB)]
    bs = []
    for j in range(NB):
        b = jnp.float32(1.0)
        for m in range(NB):
            if m != j:
                b = b * (t - Tm[m]) / (Tm[j] - Tm[m])
        bs.append(b)
    b = jnp.stack(bs)

    c1 = w1 * b
    c2 = w2 * b
    lvl = jnp.arange(NW, dtype=jnp.int32) % NL
    scal = jnp.asarray(SCALES)[lvl]
    const_rows = jnp.concatenate(
        [
            jnp.broadcast_to(jnp.repeat(c1, LANES), (NW, 4 * LANES)),
            jnp.broadcast_to(jnp.repeat(c2, LANES), (NW, 4 * LANES)),
            jnp.broadcast_to(scal[:, None], (NW, LANES)),
            jnp.zeros((NW, CROW - 9 * LANES), jnp.float32),
        ],
        axis=1,
    ).reshape(-1)

    tv = tables.reshape(TIME_RES, NL, HC, 128, F).transpose(0, 1, 2, 4, 3)
    slab1 = jnp.take(tv, i1, axis=0).reshape(-1)
    slab2 = jnp.take(tv, i2, axis=0).reshape(-1)

    xv = x.reshape(N_PTS // 128, 128, 2).transpose(0, 2, 1).reshape(-1)
    out3 = _sc_call(slab1, slab2, const_rows, xv)
    return out3.transpose(0, 2, 1).reshape(N_PTS, NL)

# --- scband reference (transcript-rebuilt; emitter-appended) ---
"""Pipeline reference for scband-hash-grid-t-48378511622632 (READ-ONLY COPY).

The authoritative reference and input builder live on the scoring server;
editing this copy changes nothing except your own understanding.
"""

import jax, jax.numpy as jnp
import numpy as np

TIME_RES = 8
BASE = 512
MAXR = 32768
NL = 8
F = 4
LOG2H = 14
H = 1 << LOG2H
NB = 4
N_POINTS = 1048576
PLS = float(np.exp2(np.log2(MAXR / BASE) / (NL - 1)))
SCALES = np.array([np.exp2(l * np.log2(PLS)) * BASE - 1.0 for l in range(NL)], dtype=np.float32)
PRIME1 = np.uint32(2654435761)


def setup_inputs(seed: int = 0) -> dict:
    key = jax.random.key(seed)
    k1, k2, k3 = jax.random.split(key, 3)
    x = jax.random.uniform(k1, (N_POINTS, 2), dtype=jnp.float32)
    t = jax.random.uniform(k2, (), dtype=jnp.float32)
    # tcnn HashGrid params init uniform in [-1e-4, 1e-4]; one table per timestep
    tables = jax.random.uniform(k3, (TIME_RES, NL, H, F), dtype=jnp.float32, minval=-1e-4, maxval=1e-4)
    return {"x": x, "t": t, "tables": tables}


def _encode(x, table):
    # x: [N, 2] in [0,1]; table: [NL, H, F]; tcnn HashGrid 2D, all levels hashed
    feats = []
    for l in range(NL):
        scale = SCALES[l]
        pos = x * scale + 0.5
        pf = jnp.floor(pos)
        w = pos - pf
        ip = pf.astype(jnp.int32)
        x0 = ip[:, 0]
        y0 = ip[:, 1]
        wx = w[:, 0:1]
        wy = w[:, 1:2]
        def gather(dx, dy):
            hx = (x0 + dx).astype(jnp.uint32)
            hy = (y0 + dy).astype(jnp.uint32)
            h = (hx ^ (hy * PRIME1)) % np.uint32(H)
            return jnp.take(table[l], h.astype(jnp.int32), axis=0)
        f = (gather(0, 0) * (1.0 - wx) * (1.0 - wy)
             + gather(1, 0) * wx * (1.0 - wy)
             + gather(0, 1) * (1.0 - wx) * wy
             + gather(1, 1) * wx * wy)
        feats.append(f)
    return jnp.concatenate(feats, axis=-1)  # [N, NL*F]


def _interpT(feat, t):
    xr = feat.reshape(-1, NL, F)
    chunks = jnp.split(xr, NB, axis=-1)
    Tm = [i / (NB - 1) for i in range(NB)]
    out = jnp.zeros_like(chunks[0])
    for j in range(NB):
        b = jnp.float32(1.0)
        for m in range(NB):
            if m != j:
                b = b * (t - Tm[m]) / (Tm[j] - Tm[m])
        out = out + b * chunks[j]
    return out.reshape(-1, NL * F // NB)


def reference(x, t, tables):
    idx = t * (TIME_RES - 1)
    idx1 = jnp.floor(idx).astype(jnp.int32)
    idx2 = jnp.ceil(idx).astype(jnp.int32)
    f1 = _encode(x, jnp.take(tables, idx1, axis=0))
    f2 = _encode(x, jnp.take(tables, idx2, axis=0))
    same = (idx1 == idx2)
    w1 = jnp.where(same, jnp.float32(1.0), idx2.astype(jnp.float32) - idx)
    w2 = jnp.where(same, jnp.float32(0.0), idx - idx1.astype(jnp.float32))
    hash_feat = w1 * f1 + w2 * f2
    return _interpT(hash_feat, t)

if __name__ == "__main__":
    import jax
    _d = setup_inputs()
    print(jax.jit(kernel)(*tuple(_d.values())))

</pallas_src>

<mosaic_0001>
#map = affine_map<(d0, d1) -> (0)>
#map1 = affine_map<(d0, d1) -> (0, 0, 0)>
module attributes {stable_mosaic.version = 14 : i64} {
  func.func @_sc_body(%arg0: i32, %arg1: i32, %arg2: memref<524288xf32, #tpu.memory_space<hbm>>, %arg3: memref<524288xf32, #tpu.memory_space<hbm>>, %arg4: memref<5120xf32, #tpu.memory_space<hbm>>, %arg5: memref<2097152xf32, #tpu.memory_space<hbm>>, %arg6: memref<8192x8x128xf32, #tpu.memory_space<hbm>>, %arg7: memref<16384xf32, #tpu.memory_space<vmem>>, %arg8: memref<8192xf32, #tpu.memory_space<vmem>>, %arg9: memref<8192xf32, #tpu.memory_space<vmem>>, %arg10: memref<8192xf32, #tpu.memory_space<vmem>>, %arg11: memref<8192xf32, #tpu.memory_space<vmem>>, %arg12: memref<160xf32, #tpu.memory_space<vmem>>, %arg13: memref<16384xf32, #tpu.memory_space<vmem>>, %arg14: memref<16384xf32, #tpu.memory_space<vmem>>, %arg15: memref<64x1x128xf32, #tpu.memory_space<vmem>>, %arg16: memref<64x1x128xf32, #tpu.memory_space<vmem>>, %arg17: memref<!tpu.dma_semaphore, #tpu.memory_space<semaphore_mem>>, %arg18: memref<!tpu.dma_semaphore, #tpu.memory_space<semaphore_mem>>, %arg19: memref<!tpu.dma_semaphore, #tpu.memory_space<semaphore_mem>>, %arg20: memref<!tpu.dma_semaphore, #tpu.memory_space<semaphore_mem>>) attributes {dimension_semantics = [#tpu.dimension_semantics<core_parallel>, #tpu.dimension_semantics<subcore_parallel>], iteration_bounds = array<i64: 2, 16>, scalar_prefetch = 0 : i64, scratch_operands = 14 : i64, tpu.core_type = #tpu.core_type<sc_vector_subcore>, window_params = [{transform_indices = #map}, {transform_indices = #map}, {transform_indices = #map}, {transform_indices = #map}, {transform_indices = #map1}]} {
    %mul3A = arith.constant 2 : i32
    %mul3A_0 = arith.muli %arg1, %mul3A : i32
    %add3A = arith.addi %mul3A_0, %arg0 : i32
    %jit3A = arith.constant 8 : i32
    %eq3A = arith.constant 0 : i32
    %eq3A_1 = arith.cmpi eq, %jit3A, %eq3A : i32
    %jit3A_2 = arith.constant 1 : i32
    %select_n3A = arith.select %eq3A_1, %jit3A_2, %jit3A : i32
    %rem3A = arith.remsi %add3A, %select_n3A : i32
    %ne3A = arith.constant 0 : i32
    %ne3A_3 = arith.cmpi ne, %rem3A, %ne3A : i32
    %lt3A = arith.constant 0 : i32
    %lt3A_4 = arith.cmpi slt, %rem3A, %lt3A : i32
    %lt3A_5 = arith.constant 0 : i32
    %lt3A_6 = arith.cmpi slt, %select_n3A, %lt3A_5 : i32
    %ne3A_7 = arith.xori %lt3A_4, %lt3A_6 : i1
    %and3A = arith.andi %ne3A_7, %ne3A_3 : i1
    %add3A_8 = arith.addi %rem3A, %select_n3A : i32
    %select_n3A_9 = arith.select %and3A, %add3A_8, %rem3A : i32
    %jit3A_10 = arith.constant 8 : i32
    %div3A = arith.divsi %add3A, %jit3A_10 : i32
    %sign3A = arith.constant 0 : i32
    %sign3A_11 = arith.cmpi sgt, %add3A, %sign3A : i32
    %sign3A_12 = arith.extui %sign3A_11 : i1 to i32
    %sign3A_13 = arith.constant 0 : i32
    %sign3A_14 = arith.cmpi slt, %add3A, %sign3A_13 : i32
    %sign3A_15 = arith.extui %sign3A_14 : i1 to i32
    %sign3A_16 = arith.subi %sign3A_12, %sign3A_15 : i32
    %sign3A_17 = arith.constant 0 : i32
    %sign3A_18 = arith.cmpi sgt, %jit3A_10, %sign3A_17 : i32
    %sign3A_19 = arith.extui %sign3A_18 : i1 to i32
    %sign3A_20 = arith.constant 0 : i32
    %sign3A_21 = arith.cmpi slt, %jit3A_10, %sign3A_20 : i32
    %sign3A_22 = arith.extui %sign3A_21 : i1 to i32
    %sign3A_23 = arith.subi %sign3A_19, %sign3A_22 : i32
    %ne3A_24 = arith.cmpi ne, %sign3A_16, %sign3A_23 : i32
    %rem3A_25 = arith.remsi %add3A, %jit3A_10 : i32
    %ne3A_26 = arith.constant 0 : i32
    %ne3A_27 = arith.cmpi ne, %rem3A_25, %ne3A_26 : i32
    %and3A_28 = arith.andi %ne3A_24, %ne3A_27 : i1
    %sub3A = arith.constant 1 : i32
    %sub3A_29 = arith.subi %div3A, %sub3A : i32
    %select_n3A_30 = arith.select %and3A_28, %sub3A_29, %div3A : i32
    %mul3A_31 = arith.constant 160 : i32
    %mul3A_32 = arith.muli %add3A, %mul3A_31 : i32
    "tpu.region"() ({
      %run_scoped3A = tpu.sem_alloc : memref<!tpu.dma_semaphore, #tpu.memory_space<semaphore_mem>>
      %dma_start3A_91 = tpu.memref_slice %arg4[%mul3A_32] : memref<5120xf32, #tpu.memory_space<hbm>> -> memref<160xf32, #tpu.memory_space<hbm>>
      %dma_start3A_92 = tpu.memref_slice %arg4[%mul3A_32] : memref<5120xf32, #tpu.memory_space<hbm>> -> memref<160xf32, #tpu.memory_space<hbm>>
      tpu.enqueue_dma source(%dma_start3A_92 : memref<160xf32, #tpu.memory_space<hbm>>) target(%arg12 : memref<160xf32, #tpu.memory_space<vmem>>) target_semaphore(%run_scoped3A : memref<!tpu.dma_semaphore, #tpu.memory_space<semaphore_mem>>)
      %dma_wait3A_93 = tpu.memref_slice %arg4[%mul3A_32] : memref<5120xf32, #tpu.memory_space<hbm>> -> memref<160xf32, #tpu.memory_space<hbm>>
      %dma_wait3A_94 = tpu.memref_slice %arg4[%mul3A_32] : memref<5120xf32, #tpu.memory_space<hbm>> -> memref<160xf32, #tpu.memory_space<hbm>>
      tpu.wait_dma2 semaphore(%run_scoped3A : memref<!tpu.dma_semaphore, #tpu.memory_space<semaphore_mem>>) src(%dma_wait3A_94 : memref<160xf32, #tpu.memory_space<hbm>>) dst(%arg12 : memref<160xf32, #tpu.memory_space<vmem>>)
      tpu.yield
    }) : () -> ()
    %get3A = arith.constant 0 : index
    %get3A_33 = tpu.vector_load %arg12[%get3A] {strides = array<i32>} : memref<160xf32, #tpu.memory_space<vmem>>, vector<16xf32>,
    %get3A_34 = arith.constant 16 : index
    %get3A_35 = tpu.vector_load %arg12[%get3A_34] {strides = array<i32>} : memref<160xf32, #tpu.memory_space<vmem>>, vector<16xf32>,
    %get3A_36 = arith.constant 32 : index
    %get3A_37 = tpu.vector_load %arg12[%get3A_36] {strides = array<i32>} : memref<160xf32, #tpu.memory_space<vmem>>, vector<16xf32>,
    %get3A_38 = arith.constant 48 : index
    %get3A_39 = tpu.vector_load %arg12[%get3A_38] {strides = array<i32>} : memref<160xf32, #tpu.memory_space<vmem>>, vector<16xf32>,
    %get3A_40 = arith.constant 64 : index
    %get3A_41 = tpu.vector_load %arg12[%get3A_40] {strides = array<i32>} : memref<160xf32, #tpu.memory_space<vmem>>, vector<16xf32>,
    %get3A_42 = arith.constant 80 : index
    %get3A_43 = tpu.vector_load %arg12[%get3A_42] {strides = array<i32>} : memref<160xf32, #tpu.memory_space<vmem>>, vector<16xf32>,
    %get3A_44 = arith.constant 96 : index
    %get3A_45 = tpu.vector_load %arg12[%get3A_44] {strides = array<i32>} : memref<160xf32, #tpu.memory_space<vmem>>, vector<16xf32>,
    %get3A_46 = arith.constant 112 : index
    %get3A_47 = tpu.vector_load %arg12[%get3A_46] {strides = array<i32>} : memref<160xf32, #tpu.memory_space<vmem>>, vector<16xf32>,
    %get3A_48 = arith.constant 128 : index
    %get3A_49 = tpu.vector_load %arg12[%get3A_48] {strides = array<i32>} : memref<160xf32, #tpu.memory_space<vmem>>, vector<16xf32>,
    %iota3A = tpu.iota {dimensions = array<i32: 0>} : vector<16xi32>
    %mul3A_50 = arith.constant 65536 : i32
    %mul3A_51 = arith.muli %select_n3A_9, %mul3A_50 : i32
    %add3A_52 = arith.constant 0 : i32
    %add3A_53 = arith.addi %mul3A_51, %add3A_52 : i32
    %dma_start3A = tpu.memref_slice %arg2[%add3A_53] : memref<524288xf32, #tpu.memory_space<hbm>> -> memref<8192xf32, #tpu.memory_space<hbm>>
    %dma_start3A_54 = tpu.memref_slice %arg2[%add3A_53] : memref<524288xf32, #tpu.memory_space<hbm>> -> memref<8192xf32, #tpu.memory_space<hbm>>
    tpu.enqueue_dma source(%dma_start3A_54 : memref<8192xf32, #tpu.memory_space<hbm>>) target(%arg8 : memref<8192xf32, #tpu.memory_space<vmem>>) target_semaphore(%arg17 : memref<!tpu.dma_semaphore, #tpu.memory_space<semaphore_mem>>)
    %dma_start3A_55 = tpu.memref_slice %arg3[%add3A_53] : memref<524288xf32, #tpu.memory_space<hbm>> -> memref<8192xf32, #tpu.memory_space<hbm>>
    %dma_start3A_56 = tpu.memref_slice %arg3[%add3A_53] : memref<524288xf32, #tpu.memory_space<hbm>> -> memref<8192xf32, #tpu.memory_space<hbm>>
    tpu.enqueue_dma source(%dma_start3A_56 : memref<8192xf32, #tpu.memory_space<hbm>>) target(%arg9 : memref<8192xf32, #tpu.memory_space<vmem>>) target_semaphore(%arg17 : memref<!tpu.dma_semaphore, #tpu.memory_space<semaphore_mem>>)
    %scan3A = arith.constant 0 : i32
    %scan3A_57 = arith.constant 0 : i32
    %scan3A_58 = arith.constant 4 : i32
    %scan3A_59 = arith.addi %scan3A_57, %scan3A_58 : i32
    %scan3A_60 = arith.constant 1 : i32
    scf.for %scan3A_91 = %scan3A_57 to %scan3A_59 step %scan3A_60  : i32 {
      %mul3A_92 = arith.constant 2 : i32
      %mul3A_93 = arith.muli %mul3A_92, %scan3A_91 : i32
      %add3A_94 = arith.constant 1 : i32
      %add3A_95 = arith.addi %mul3A_93, %add3A_94 : i32
      %mul3A_96 = arith.constant 8192 : i32
      %mul3A_97 = arith.muli %add3A_95, %mul3A_96 : i32
      %add3A_98 = arith.addi %mul3A_51, %mul3A_97 : i32
      %dma_start3A_99 = tpu.memref_slice %arg2[%add3A_98] : memref<524288xf32, #tpu.memory_space<hbm>> -> memref<8192xf32, #tpu.memory_space<hbm>>
      %dma_start3A_100 = tpu.memref_slice %arg2[%add3A_98] : memref<524288xf32, #tpu.memory_space<hbm>> -> memref<8192xf32, #tpu.memory_space<hbm>>
      tpu.enqueue_dma source(%dma_start3A_100 : memref<8192xf32, #tpu.memory_space<hbm>>) target(%arg10 : memref<8192xf32, #tpu.memory_space<vmem>>) target_semaphore(%arg18 : memref<!tpu.dma_semaphore, #tpu.memory_space<semaphore_mem>>)
      %dma_start3A_101 = tpu.memref_slice %arg3[%add3A_98] : memref<524288xf32, #tpu.memory_space<hbm>> -> memref<8192xf32, #tpu.memory_space<hbm>>
      %dma_start3A_102 = tpu.memref_slice %arg3[%add3A_98] : memref<524288xf32, #tpu.memory_space<hbm>> -> memref<8192xf32, #tpu.memory_space<hbm>>
      tpu.enqueue_dma source(%dma_start3A_102 : memref<8192xf32, #tpu.memory_space<hbm>>) target(%arg11 : memref<8192xf32, #tpu.memory_space<vmem>>) target_semaphore(%arg18 : memref<!tpu.dma_semaphore, #tpu.memory_space<semaphore_mem>>)
      %dma_wait3A_103 = arith.constant 0 : i32
      %dma_wait3A_104 = tpu.memref_slice %arg2[%dma_wait3A_103] : memref<524288xf32, #tpu.memory_space<hbm>> -> memref<8192xf32, #tpu.memory_space<hbm>>
      %dma_wait3A_105 = arith.constant 0 : i32
      %dma_wait3A_106 = tpu.memref_slice %arg2[%dma_wait3A_105] : memref<524288xf32, #tpu.memory_space<hbm>> -> memref<8192xf32, #tpu.memory_space<hbm>>
      tpu.wait_dma2 semaphore(%arg17 : memref<!tpu.dma_semaphore, #tpu.memory_space<semaphore_mem>>) src(%dma_wait3A_106 : memref<8192xf32, #tpu.memory_space<hbm>>) dst(%arg8 : memref<8192xf32, #tpu.memory_space<vmem>>)
      %dma_wait3A_107 = arith.constant 0 : i32
      %dma_wait3A_108 = tpu.memref_slice %arg2[%dma_wait3A_107] : memref<524288xf32, #tpu.memory_space<hbm>> -> memref<8192xf32, #tpu.memory_space<hbm>>
      %dma_wait3A_109 = arith.constant 0 : i32
      %dma_wait3A_110 = tpu.memref_slice %arg2[%dma_wait3A_109] : memref<524288xf32, #tpu.memory_space<hbm>> -> memref<8192xf32, #tpu.memory_space<hbm>>
      tpu.wait_dma2 semaphore(%arg17 : memref<!tpu.dma_semaphore, #tpu.memory_space<semaphore_mem>>) src(%dma_wait3A_110 : memref<8192xf32, #tpu.memory_space<hbm>>) dst(%arg9 : memref<8192xf32, #tpu.memory_space<vmem>>)
      %scan3A_111 = arith.constant 0 : i32
      %scan3A_112 = arith.constant 0 : i32
      %scan3A_113 = arith.constant 16 : i32
      %scan3A_114 = arith.addi %scan3A_112, %scan3A_113 : i32
      %scan3A_115 = arith.constant 1 : i32
      scf.for %scan3A_138 = %scan3A_112 to %scan3A_114 step %scan3A_115  : i32 {
        %mul3A_139 = arith.constant 512 : i32
        %mul3A_140 = arith.muli %scan3A_138, %mul3A_139 : i32
        %mul3A_141 = arith.constant 2048 : i32
        %mul3A_142 = arith.muli %mul3A_93, %mul3A_141 : i32
        %mul3A_143 = arith.constant 128 : i32
        %mul3A_144 = arith.muli %scan3A_138, %mul3A_143 : i32
        %add3A_145 = arith.addi %mul3A_142, %mul3A_144 : i32
        %add3A_146 = arith.constant 0 : i32
        %add3A_147 = arith.addi %mul3A_140, %add3A_146 : i32
        %get3A_148 = arith.index_cast %add3A_147 : i32 to index
        %get3A_149 = tpu.vector_load %arg8[%get3A_148] {strides = array<i32>} : memref<8192xf32, #tpu.memory_space<vmem>>, vector<16xf32>,
        %mul3A_150 = arith.mulf %get3A_149, %get3A_33 : vector<16xf32>
        %add3A_151 = arith.constant 128 : i32
        %add3A_152 = arith.addi %add3A_147, %add3A_151 : i32
        %get3A_153 = arith.index_cast %add3A_152 : i32 to index
        %get3A_154 = tpu.vector_load %arg8[%get3A_153] {strides = array<i32>} : memref<8192xf32, #tpu.memory_space<vmem>>, vector<16xf32>,
        %mul3A_155 = arith.mulf %get3A_154, %get3A_35 : vector<16xf32>
        %add3A_156 = arith.constant 256 : i32
        %add3A_157 = arith.addi %add3A_147, %add3A_156 : i32
        %get3A_158 = arith.index_cast %add3A_157 : i32 to index
        %get3A_159 = tpu.vector_load %arg8[%get3A_158] {strides = array<i32>} : memref<8192xf32, #tpu.memory_space<vmem>>, vector<16xf32>,
        %mul3A_160 = arith.mulf %get3A_159, %get3A_37 : vector<16xf32>
        %add3A_161 = arith.constant 384 : i32
        %add3A_162 = arith.addi %add3A_147, %add3A_161 : i32
        %get3A_163 = arith.index_cast %add3A_162 : i32 to index
        %get3A_164 = tpu.vector_load %arg8[%get3A_163] {strides = array<i32>} : memref<8192xf32, #tpu.memory_space<vmem>>, vector<16xf32>,
        %mul3A_165 = arith.mulf %get3A_164, %get3A_39 : vector<16xf32>
        %get3A_166 = arith.index_cast %add3A_147 : i32 to index
        %get3A_167 = tpu.vector_load %arg9[%get3A_166] {strides = array<i32>} : memref<8192xf32, #tpu.memory_space<vmem>>, vector<16xf32>,
        %mul3A_168 = arith.mulf %get3A_167, %get3A_41 : vector<16xf32>
        %add3A_169 = arith.constant 128 : i32
        %add3A_170 = arith.addi %add3A_147, %add3A_169 : i32
        %get3A_171 = arith.index_cast %add3A_170 : i32 to index
        %get3A_172 = tpu.vector_load %arg9[%get3A_171] {strides = array<i32>} : memref<8192xf32, #tpu.memory_space<vmem>>, vector<16xf32>,
        %mul3A_173 = arith.mulf %get3A_172, %get3A_43 : vector<16xf32>
        %add3A_174 = arith.constant 256 : i32
        %add3A_175 = arith.addi %add3A_147, %add3A_174 : i32
        %get3A_176 = arith.index_cast %add3A_175 : i32 to index
        %get3A_177 = tpu.vector_load %arg9[%get3A_176] {strides = array<i32>} : memref<8192xf32, #tpu.memory_space<vmem>>, vector<16xf32>,
        %mul3A_178 = arith.mulf %get3A_177, %get3A_45 : vector<16xf32>
        %add3A_179 = arith.constant 384 : i32
        %add3A_180 = arith.addi %add3A_147, %add3A_179 : i32
        %get3A_181 = arith.index_cast %add3A_180 : i32 to index
        %get3A_182 = tpu.vector_load %arg9[%get3A_181] {strides = array<i32>} : memref<8192xf32, #tpu.memory_space<vmem>>, vector<16xf32>,
        %mul3A_183 = arith.mulf %get3A_182, %get3A_47 : vector<16xf32>
        %add3A_184 = arith.addf %mul3A_150, %mul3A_155 : vector<16xf32>
        %add3A_185 = arith.addf %mul3A_160, %mul3A_165 : vector<16xf32>
        %add3A_186 = arith.addf %add3A_184, %add3A_185 : vector<16xf32>
        %add3A_187 = arith.addf %mul3A_168, %mul3A_173 : vector<16xf32>
        %add3A_188 = arith.addf %mul3A_178, %mul3A_183 : vector<16xf32>
        %add3A_189 = arith.addf %add3A_187, %add3A_188 : vector<16xf32>
        %add3A_190 = arith.addf %add3A_186, %add3A_189 : vector<16xf32>
        %add3A_191 = arith.constant 0 : i32
        %add3A_192 = arith.addi %add3A_145, %add3A_191 : i32
        %swap3A = arith.index_cast %add3A_192 : i32 to index
        %swap3A_193 = tpu.vector_load %arg7[%swap3A] {strides = array<i32>} : memref<16384xf32, #tpu.memory_space<vmem>>, vector<16xf32>,
        tpu.vector_store %arg7[%swap3A], %add3A_190 {strides = array<i32>} : memref<16384xf32, #tpu.memory_space<vmem>>, vector<16xf32>,
        %add3A_194 = arith.constant 16 : i32
        %add3A_195 = arith.addi %mul3A_140, %add3A_194 : i32
        %get3A_196 = arith.index_cast %add3A_195 : i32 to index
        %get3A_197 = tpu.vector_load %arg8[%get3A_196] {strides = array<i32>} : memref<8192xf32, #tpu.memory_space<vmem>>, vector<16xf32>,
        %mul3A_198 = arith.mulf %get3A_197, %get3A_33 : vector<16xf32>
        %add3A_199 = arith.constant 128 : i32
        %add3A_200 = arith.addi %add3A_195, %add3A_199 : i32
        %get3A_201 = arith.index_cast %add3A_200 : i32 to index
        %get3A_202 = tpu.vector_load %arg8[%get3A_201] {strides = array<i32>} : memref<8192xf32, #tpu.memory_space<vmem>>, vector<16xf32>,
        %mul3A_203 = arith.mulf %get3A_202, %get3A_35 : vector<16xf32>
        %add3A_204 = arith.constant 256 : i32
        %add3A_205 = arith.addi %add3A_195, %add3A_204 : i32
        %get3A_206 = arith.index_cast %add3A_205 : i32 to index
        %get3A_207 = tpu.vector_load %arg8[%get3A_206] {strides = array<i32>} : memref<8192xf32, #tpu.memory_space<vmem>>, vector<16xf32>,
        %mul3A_208 = arith.mulf %get3A_207, %get3A_37 : vector<16xf32>
        %add3A_209 = arith.constant 384 : i32
        %add3A_210 = arith.addi %add3A_195, %add3A_209 : i32
        %get3A_211 = arith.index_cast %add3A_210 : i32 to index
        %get3A_212 = tpu.vector_load %arg8[%get3A_211] {strides = array<i32>} : memref<8192xf32, #tpu.memory_space<vmem>>, vector<16xf32>,
        %mul3A_213 = arith.mulf %get3A_212, %get3A_39 : vector<16xf32>
        %get3A_214 = arith.index_cast %add3A_195 : i32 to index
        %get3A_215 = tpu.vector_load %arg9[%get3A_214] {strides = array<i32>} : memref<8192xf32, #tpu.memory_space<vmem>>, vector<16xf32>,
        %mul3A_216 = arith.mulf %get3A_215, %get3A_41 : vector<16xf32>
        %add3A_217 = arith.constant 128 : i32
        %add3A_218 = arith.addi %add3A_195, %add3A_217 : i32
        %get3A_219 = arith.index_cast %add3A_218 : i32 to index
        %get3A_220 = tpu.vector_load %arg9[%get3A_219] {strides = array<i32>} : memref<8192xf32, #tpu.memory_space<vmem>>, vector<16xf32>,
        %mul3A_221 = arith.mulf %get3A_220, %get3A_43 : vector<16xf32>
        %add3A_222 = arith.constant 256 : i32
        %add3A_223 = arith.addi %add3A_195, %add3A_222 : i32
        %get3A_224 = arith.index_cast %add3A_223 : i32 to index
        %get3A_225 = tpu.vector_load %arg9[%get3A_224] {strides = array<i32>} : memref<8192xf32, #tpu.memory_space<vmem>>, vector<16xf32>,
        %mul3A_226 = arith.mulf %get3A_225, %get3A_45 : vector<16xf32>
        %add3A_227 = arith.constant 384 : i32
        %add3A_228 = arith.addi %add3A_195, %add3A_227 : i32
        %get3A_229 = arith.index_cast %add3A_228 : i32 to index
        %get3A_230 = tpu.vector_load %arg9[%get3A_229] {strides = array<i32>} : memref<8192xf32, #tpu.memory_space<vmem>>, vector<16xf32>,
        %mul3A_231 = arith.mulf %get3A_230, %get3A_47 : vector<16xf32>
        %add3A_232 = arith.addf %mul3A_198, %mul3A_203 : vector<16xf32>
        %add3A_233 = arith.addf %mul3A_208, %mul3A_213 : vector<16xf32>
        %add3A_234 = arith.addf %add3A_232, %add3A_233 : vector<16xf32>
        %add3A_235 = arith.addf %mul3A_216, %mul3A_221 : vector<16xf32>
        %add3A_236 = arith.addf %mul3A_226, %mul3A_231 : vector<16xf32>
        %add3A_237 = arith.addf %add3A_235, %add3A_236 : vector<16xf32>
        %add3A_238 = arith.addf %add3A_234, %add3A_237 : vector<16xf32>
        %add3A_239 = arith.constant 16 : i32
        %add3A_240 = arith.addi %add3A_145, %add3A_239 : i32
        %swap3A_241 = arith.index_cast %add3A_240 : i32 to index
        %swap3A_242 = tpu.vector_load %arg7[%swap3A_241] {strides = array<i32>} : memref<16384xf32, #tpu.memory_space<vmem>>, vector<16xf32>,
        tpu.vector_store %arg7[%swap3A_241], %add3A_238 {strides = array<i32>} : memref<16384xf32, #tpu.memory_space<vmem>>, vector<16xf32>,
        %add3A_243 = arith.constant 32 : i32
        %add3A_244 = arith.addi %mul3A_140, %add3A_243 : i32
        %get3A_245 = arith.index_cast %add3A_244 : i32 to index
        %get3A_246 = tpu.vector_load %arg8[%get3A_245] {strides = array<i32>} : memref<8192xf32, #tpu.memory_space<vmem>>, vector<16xf32>,
        %mul3A_247 = arith.mulf %get3A_246, %get3A_33 : vector<16xf32>
        %add3A_248 = arith.constant 128 : i32
        %add3A_249 = arith.addi %add3A_244, %add3A_248 : i32
        %get3A_250 = arith.index_cast %add3A_249 : i32 to index
        %get3A_251 = tpu.vector_load %arg8[%get3A_250] {strides = array<i32>} : memref<8192xf32, #tpu.memory_space<vmem>>, vector<16xf32>,
        %mul3A_252 = arith.mulf %get3A_251, %get3A_35 : vector<16xf32>
        %add3A_253 = arith.constant 256 : i32
        %add3A_254 = arith.addi %add3A_244, %add3A_253 : i32
        %get3A_255 = arith.index_cast %add3A_254 : i32 to index
        %get3A_256 = tpu.vector_load %arg8[%get3A_255] {strides = array<i32>} : memref<8192xf32, #tpu.memory_space<vmem>>, vector<16xf32>,
        %mul3A_257 = arith.mulf %get3A_256, %get3A_37 : vector<16xf32>
        %add3A_258 = arith.constant 384 : i32
        %add3A_259 = arith.addi %add3A_244, %add3A_258 : i32
        %get3A_260 = arith.index_cast %add3A_259 : i32 to index
        %get3A_261 = tpu.vector_load %arg8[%get3A_260] {strides = array<i32>} : memref<8192xf32, #tpu.memory_space<vmem>>, vector<16xf32>,
        %mul3A_262 = arith.mulf %get3A_261, %get3A_39 : vector<16xf32>
        %get3A_263 = arith.index_cast %add3A_244 : i32 to index
        %get3A_264 = tpu.vector_load %arg9[%get3A_263] {strides = array<i32>} : memref<8192xf32, #tpu.memory_space<vmem>>, vector<16xf32>,
        %mul3A_265 = arith.mulf %get3A_264, %get3A_41 : vector<16xf32>
        %add3A_266 = arith.constant 128 : i32
        %add3A_267 = arith.addi %add3A_244, %add3A_266 : i32
        %get3A_268 = arith.index_cast %add3A_267 : i32 to index
        %get3A_269 = tpu.vector_load %arg9[%get3A_268] {strides = array<i32>} : memref<8192xf32, #tpu.memory_space<vmem>>, vector<16xf32>,
        %mul3A_270 = arith.mulf %get3A_269, %get3A_43 : vector<16xf32>
        %add3A_271 = arith.constant 256 : i32
        %add3A_272 = arith.addi %add3A_244, %add3A_271 : i32
        %get3A_273 = arith.index_cast %add3A_272 : i32 to index
        %get3A_274 = tpu.vector_load %arg9[%get3A_273] {strides = array<i32>} : memref<8192xf32, #tpu.memory_space<vmem>>, vector<16xf32>,
        %mul3A_275 = arith.mulf %get3A_274, %get3A_45 : vector<16xf32>
        %add3A_276 = arith.constant 384 : i32
        %add3A_277 = arith.addi %add3A_244, %add3A_276 : i32
        %get3A_278 = arith.index_cast %add3A_277 : i32 to index
        %get3A_279 = tpu.vector_load %arg9[%get3A_278] {strides = array<i32>} : memref<8192xf32, #tpu.memory_space<vmem>>, vector<16xf32>,
        %mul3A_280 = arith.mulf %get3A_279, %get3A_47 : vector<16xf32>
        %add3A_281 = arith.addf %mul3A_247, %mul3A_252 : vector<16xf32>
        %add3A_282 = arith.addf %mul3A_257, %mul3A_262 : vector<16xf32>
        %add3A_283 = arith.addf %add3A_281, %add3A_282 : vector<16xf32>
        %add3A_284 = arith.addf %mul3A_265, %mul3A_270 : vector<16xf32>
        %add3A_285 = arith.addf %mul3A_275, %mul3A_280 : vector<16xf32>
        %add3A_286 = arith.addf %add3A_284, %add3A_285 : vector<16xf32>
        %add3A_287 = arith.addf %add3A_283, %add3A_286 : vector<16xf32>
        %add3A_288 = arith.constant 32 : i32
        %add3A_289 = arith.addi %add3A_145, %add3A_288 : i32
        %swap3A_290 = arith.index_cast %add3A_289 : i32 to index
        %swap3A_291 = tpu.vector_load %arg7[%swap3A_290] {strides = array<i32>} : memref<16384xf32, #tpu.memory_space<vmem>>, vector<16xf32>,
        tpu.vector_store %arg7[%swap3A_290], %add3A_287 {strides = array<i32>} : memref<16384xf32, #tpu.memory_space<vmem>>, vector<16xf32>,
        %add3A_292 = arith.constant 48 : i32
        %add3A_293 = arith.addi %mul3A_140, %add3A_292 : i32
        %get3A_294 = arith.index_cast %add3A_293 : i32 to index
        %get3A_295 = tpu.vector_load %arg8[%get3A_294] {strides = array<i32>} : memref<8192xf32, #tpu.memory_space<vmem>>, vector<16xf32>,
        %mul3A_296 = arith.mulf %get3A_295, %get3A_33 : vector<16xf32>
        %add3A_297 = arith.constant 128 : i32
        %add3A_298 = arith.addi %add3A_293, %add3A_297 : i32
        %get3A_299 = arith.index_cast %add3A_298 : i32 to index
        %get3A_300 = tpu.vector_load %arg8[%get3A_299] {strides = array<i32>} : memref<8192xf32, #tpu.memory_space<vmem>>, vector<16xf32>,
        %mul3A_301 = arith.mulf %get3A_300, %get3A_35 : vector<16xf32>
        %add3A_302 = arith.constant 256 : i32
        %add3A_303 = arith.addi %add3A_293, %add3A_302 : i32
        %get3A_304 = arith.index_cast %add3A_303 : i32 to index
        %get3A_305 = tpu.vector_load %arg8[%get3A_304] {strides = array<i32>} : memref<8192xf32, #tpu.memory_space<vmem>>, vector<16xf32>,
        %mul3A_306 = arith.mulf %get3A_305, %get3A_37 : vector<16xf32>
        %add3A_307 = arith.constant 384 : i32
        %add3A_308 = arith.addi %add3A_293, %add3A_307 : i32
        %get3A_309 = arith.index_cast %add3A_308 : i32 to index
        %get3A_310 = tpu.vector_load %arg8[%get3A_309] {strides = array<i32>} : memref<8192xf32, #tpu.memory_space<vmem>>, vector<16xf32>,
        %mul3A_311 = arith.mulf %get3A_310, %get3A_39 : vector<16xf32>
        %get3A_312 = arith.index_cast %add3A_293 : i32 to index
        %get3A_313 = tpu.vector_load %arg9[%get3A_312] {strides = array<i32>} : memref<8192xf32, #tpu.memory_space<vmem>>, vector<16xf32>,
        %mul3A_314 = arith.mulf %get3A_313, %get3A_41 : vector<16xf32>
        %add3A_315 = arith.constant 128 : i32
        %add3A_316 = arith.addi %add3A_293, %add3A_315 : i32
        %get3A_317 = arith.index_cast %add3A_316 : i32 to index
        %get3A_318 = tpu.vector_load %arg9[%get3A_317] {strides = array<i32>} : memref<8192xf32, #tpu.memory_space<vmem>>, vector<16xf32>,
        %mul3A_319 = arith.mulf %get3A_318, %get3A_43 : vector<16xf32>
        %add3A_320 = arith.constant 256 : i32
        %add3A_321 = arith.addi %add3A_293, %add3A_320 : i32
        %get3A_322 = arith.index_cast %add3A_321 : i32 to index
        %get3A_323 = tpu.vector_load %arg9[%get3A_322] {strides = array<i32>} : memref<8192xf32, #tpu.memory_space<vmem>>, vector<16xf32>,
        %mul3A_324 = arith.mulf %get3A_323, %get3A_45 : vector<16xf32>
        %add3A_325 = arith.constant 384 : i32
        %add3A_326 = arith.addi %add3A_293, %add3A_325 : i32
        %get3A_327 = arith.index_cast %add3A_326 : i32 to index
        %get3A_328 = tpu.vector_load %arg9[%get3A_327] {strides = array<i32>} : memref<8192xf32, #tpu.memory_space<vmem>>, vector<16xf32>,
        %mul3A_329 = arith.mulf %get3A_328, %get3A_47 : vector<16xf32>
        %add3A_330 = arith.addf %mul3A_296, %mul3A_301 : vector<16xf32>
        %add3A_331 = arith.addf %mul3A_306, %mul3A_311 : vector<16xf32>
        %add3A_332 = arith.addf %add3A_330, %add3A_331 : vector<16xf32>
        %add3A_333 = arith.addf %mul3A_314, %mul3A_319 : vector<16xf32>
        %add3A_334 = arith.addf %mul3A_324, %mul3A_329 : vector<16xf32>
        %add3A_335 = arith.addf %add3A_333, %add3A_334 : vector<16xf32>
        %add3A_336 = arith.addf %add3A_332, %add3A_335 : vector<16xf32>
        %add3A_337 = arith.constant 48 : i32
        %add3A_338 = arith.addi %add3A_145, %add3A_337 : i32
        %swap3A_339 = arith.index_cast %add3A_338 : i32 to index
        %swap3A_340 = tpu.vector_load %arg7[%swap3A_339] {strides = array<i32>} : memref<16384xf32, #tpu.memory_space<vmem>>, vector<16xf32>,
        tpu.vector_store %arg7[%swap3A_339], %add3A_336 {strides = array<i32>} : memref<16384xf32, #tpu.memory_space<vmem>>, vector<16xf32>,
        %add3A_341 = arith.constant 64 : i32
        %add3A_342 = arith.addi %mul3A_140, %add3A_341 : i32
        %get3A_343 = arith.index_cast %add3A_342 : i32 to index
        %get3A_344 = tpu.vector_load %arg8[%get3A_343] {strides = array<i32>} : memref<8192xf32, #tpu.memory_space<vmem>>, vector<16xf32>,
        %mul3A_345 = arith.mulf %get3A_344, %get3A_33 : vector<16xf32>
        %add3A_346 = arith.constant 128 : i32
        %add3A_347 = arith.addi %add3A_342, %add3A_346 : i32
        %get3A_348 = arith.index_cast %add3A_347 : i32 to index
        %get3A_349 = tpu.vector_load %arg8[%get3A_348] {strides = array<i32>} : memref<8192xf32, #tpu.memory_space<vmem>>, vector<16xf32>,
        %mul3A_350 = arith.mulf %get3A_349, %get3A_35 : vector<16xf32>
        %add3A_351 = arith.constant 256 : i32
        %add3A_352 = arith.addi %add3A_342, %add3A_351 : i32
        %get3A_353 = arith.index_cast %add3A_352 : i32 to index
        %get3A_354 = tpu.vector_load %arg8[%get3A_353] {strides = array<i32>} : memref<8192xf32, #tpu.memory_space<vmem>>, vector<16xf32>,
        %mul3A_355 = arith.mulf %get3A_354, %get3A_37 : vector<16xf32>
        %add3A_356 = arith.constant 384 : i32
        %add3A_357 = arith.addi %add3A_342, %add3A_356 : i32
        %get3A_358 = arith.index_cast %add3A_357 : i32 to index
        %get3A_359 = tpu.vector_load %arg8[%get3A_358] {strides = array<i32>} : memref<8192xf32, #tpu.memory_space<vmem>>, vector<16xf32>,
        %mul3A_360 = arith.mulf %get3A_359, %get3A_39 : vector<16xf32>
        %get3A_361 = arith.index_cast %add3A_342 : i32 to index
        %get3A_362 = tpu.vector_load %arg9[%get3A_361] {strides = array<i32>} : memref<8192xf32, #tpu.memory_space<vmem>>, vector<16xf32>,
        %mul3A_363 = arith.mulf %get3A_362, %get3A_41 : vector<16xf32>
        %add3A_364 = arith.constant 128 : i32
        %add3A_365 = arith.addi %add3A_342, %add3A_364 : i32
        %get3A_366 = arith.index_cast %add3A_365 : i32 to index
        %get3A_367 = tpu.vector_load %arg9[%get3A_366] {strides = array<i32>} : memref<8192xf32, #tpu.memory_space<vmem>>, vector<16xf32>,
        %mul3A_368 = arith.mulf %get3A_367, %get3A_43 : vector<16xf32>
        %add3A_369 = arith.constant 256 : i32
        %add3A_370 = arith.addi %add3A_342, %add3A_369 : i32
        %get3A_371 = arith.index_cast %add3A_370 : i32 to index
        %get3A_372 = tpu.vector_load %arg9[%get3A_371] {strides = array<i32>} : memref<8192xf32, #tpu.memory_space<vmem>>, vector<16xf32>,
        %mul3A_373 = arith.mulf %get3A_372, %get3A_45 : vector<16xf32>
        %add3A_374 = arith.constant 384 : i32
        %add3A_375 = arith.addi %add3A_342, %add3A_374 : i32
        %get3A_376 = arith.index_cast %add3A_375 : i32 to index
        %get3A_377 = tpu.vector_load %arg9[%get3A_376] {strides = array<i32>} : memref<8192xf32, #tpu.memory_space<vmem>>, vector<16xf32>,
        %mul3A_378 = arith.mulf %get3A_377, %get3A_47 : vector<16xf32>
        %add3A_379 = arith.addf %mul3A_345, %mul3A_350 : vector<16xf32>
        %add3A_380 = arith.addf %mul3A_355, %mul3A_360 : vector<16xf32>
        %add3A_381 = arith.addf %add3A_379, %add3A_380 : vector<16xf32>
        %add3A_382 = arith.addf %mul3A_363, %mul3A_368 : vector<16xf32>
        %add3A_383 = arith.addf %mul3A_373, %mul3A_378 : vector<16xf32>
        %add3A_384 = arith.addf %add3A_382, %add3A_383 : vector<16xf32>
        %add3A_385 = arith.addf %add3A_381, %add3A_384 : vector<16xf32>
        %add3A_386 = arith.constant 64 : i32
        %add3A_387 = arith.addi %add3A_145, %add3A_386 : i32
        %swap3A_388 = arith.index_cast %add3A_387 : i32 to index
        %swap3A_389 = tpu.vector_load %arg7[%swap3A_388] {strides = array<i32>} : memref<16384xf32, #tpu.memory_space<vmem>>, vector<16xf32>,
        tpu.vector_store %arg7[%swap3A_388], %add3A_385 {strides = array<i32>} : memref<16384xf32, #tpu.memory_space<vmem>>, vector<16xf32>,
        %add3A_390 = arith.constant 80 : i32
        %add3A_391 = arith.addi %mul3A_140, %add3A_390 : i32
        %get3A_392 = arith.index_cast %add3A_391 : i32 to index
        %get3A_393 = tpu.vector_load %arg8[%get3A_392] {strides = array<i32>} : memref<8192xf32, #tpu.memory_space<vmem>>, vector<16xf32>,
        %mul3A_394 = arith.mulf %get3A_393, %get3A_33 : vector<16xf32>
        %add3A_395 = arith.constant 128 : i32
        %add3A_396 = arith.addi %add3A_391, %add3A_395 : i32
        %get3A_397 = arith.index_cast %add3A_396 : i32 to index
        %get3A_398 = tpu.vector_load %arg8[%get3A_397] {strides = array<i32>} : memref<8192xf32, #tpu.memory_space<vmem>>, vector<16xf32>,
        %mul3A_399 = arith.mulf %get3A_398, %get3A_35 : vector<16xf32>
        %add3A_400 = arith.constant 256 : i32
        %add3A_401 = arith.addi %add3A_391, %add3A_400 : i32
        %get3A_402 = arith.index_cast %add3A_401 : i32 to index
        %get3A_403 = tpu.vector_load %arg8[%get3A_402] {strides = array<i32>} : memref<8192xf32, #tpu.memory_space<vmem>>, vector<16xf32>,
        %mul3A_404 = arith.mulf %get3A_403, %get3A_37 : vector<16xf32>
        %add3A_405 = arith.constant 384 : i32
        %add3A_406 = arith.addi %add3A_391, %add3A_405 : i32
        %get3A_407 = arith.index_cast %add3A_406 : i32 to index
        %get3A_408 = tpu.vector_load %arg8[%get3A_407] {strides = array<i32>} : memref<8192xf32, #tpu.memory_space<vmem>>, vector<16xf32>,
        %mul3A_409 = arith.mulf %get3A_408, %get3A_39 : vector<16xf32>
        %get3A_410 = arith.index_cast %add3A_391 : i32 to index
        %get3A_411 = tpu.vector_load %arg9[%get3A_410] {strides = array<i32>} : memref<8192xf32, #tpu.memory_space<vmem>>, vector<16xf32>,
        %mul3A_412 = arith.mulf %get3A_411, %get3A_41 : vector<16xf32>
        %add3A_413 = arith.constant 128 : i32
        %add3A_414 = arith.addi %add3A_391, %add3A_413 : i32
        %get3A_415 = arith.index_cast %add3A_414 : i32 to index
        %get3A_416 = tpu.vector_load %arg9[%get3A_415] {strides = array<i32>} : memref<8192xf32, #tpu.memory_space<vmem>>, vector<16xf32>,
        %mul3A_417 = arith.mulf %get3A_416, %get3A_43 : vector<16xf32>
        %add3A_418 = arith.constant 256 : i32
        %add3A_419 = arith.addi %add3A_391, %add3A_418 : i32
        %get3A_420 = arith.index_cast %add3A_419 : i32 to index
        %get3A_421 = tpu.vector_load %arg9[%get3A_420] {strides = array<i32>} : memref<8192xf32, #tpu.memory_space<vmem>>, vector<16xf32>,
        %mul3A_422 = arith.mulf %get3A_421, %get3A_45 : vector<16xf32>
        %add3A_423 = arith.constant 384 : i32
        %add3A_424 = arith.addi %add3A_391, %add3A_423 : i32
        %get3A_425 = arith.index_cast %add3A_424 : i32 to index
        %get3A_426 = tpu.vector_load %arg9[%get3A_425] {strides = array<i32>} : memref<8192xf32, #tpu.memory_space<vmem>>, vector<16xf32>,
        %mul3A_427 = arith.mulf %get3A_426, %get3A_47 : vector<16xf32>
        %add3A_428 = arith.addf %mul3A_394, %mul3A_399 : vector<16xf32>
        %add3A_429 = arith.addf %mul3A_404, %mul3A_409 : vector<16xf32>
        %add3A_430 = arith.addf %add3A_428, %add3A_429 : vector<16xf32>
        %add3A_431 = arith.addf %mul3A_412, %mul3A_417 : vector<16xf32>
        %add3A_432 = arith.addf %mul3A_422, %mul3A_427 : vector<16xf32>
        %add3A_433 = arith.addf %add3A_431, %add3A_432 : vector<16xf32>
        %add3A_434 = arith.addf %add3A_430, %add3A_433 : vector<16xf32>
        %add3A_435 = arith.constant 80 : i32
        %add3A_436 = arith.addi %add3A_145, %add3A_435 : i32
        %swap3A_437 = arith.index_cast %add3A_436 : i32 to index
        %swap3A_438 = tpu.vector_load %arg7[%swap3A_437] {strides = array<i32>} : memref<16384xf32, #tpu.memory_space<vmem>>, vector<16xf32>,
        tpu.vector_store %arg7[%swap3A_437], %add3A_434 {strides = array<i32>} : memref<16384xf32, #tpu.memory_space<vmem>>, vector<16xf32>,
        %add3A_439 = arith.constant 96 : i32
        %add3A_440 = arith.addi %mul3A_140, %add3A_439 : i32
        %get3A_441 = arith.index_cast %add3A_440 : i32 to index
        %get3A_442 = tpu.vector_load %arg8[%get3A_441] {strides = array<i32>} : memref<8192xf32, #tpu.memory_space<vmem>>, vector<16xf32>,
        %mul3A_443 = arith.mulf %get3A_442, %get3A_33 : vector<16xf32>
        %add3A_444 = arith.constant 128 : i32
        %add3A_445 = arith.addi %add3A_440, %add3A_444 : i32
        %get3A_446 = arith.index_cast %add3A_445 : i32 to index
        %get3A_447 = tpu.vector_load %arg8[%get3A_446] {strides = array<i32>} : memref<8192xf32, #tpu.memory_space<vmem>>, vector<16xf32>,
        %mul3A_448 = arith.mulf %get3A_447, %get3A_35 : vector<16xf32>
        %add3A_449 = arith.constant 256 : i32
        %add3A_450 = arith.addi %add3A_440, %add3A_449 : i32
        %get3A_451 = arith.index_cast %add3A_450 : i32 to index
        %get3A_452 = tpu.vector_load %arg8[%get3A_451] {strides = array<i32>} : memref<8192xf32, #tpu.memory_space<vmem>>, vector<16xf32>,
        %mul3A_453 = arith.mulf %get3A_452, %get3A_37 : vector<16xf32>
        %add3A_454 = arith.constant 384 : i32
        %add3A_455 = arith.addi %add3A_440, %add3A_454 : i32
        %get3A_456 = arith.index_cast %add3A_455 : i32 to index
        %get3A_457 = tpu.vector_load %arg8[%get3A_456] {strides = array<i32>} : memref<8192xf32, #tpu.memory_space<vmem>>, vector<16xf32>,
        %mul3A_458 = arith.mulf %get3A_457, %get3A_39 : vector<16xf32>
        %get3A_459 = arith.index_cast %add3A_440 : i32 to index
        %get3A_460 = tpu.vector_load %arg9[%get3A_459] {strides = array<i32>} : memref<8192xf32, #tpu.memory_space<vmem>>, vector<16xf32>,
        %mul3A_461 = arith.mulf %get3A_460, %get3A_41 : vector<16xf32>
        %add3A_462 = arith.constant 128 : i32
        %add3A_463 = arith.addi %add3A_440, %add3A_462 : i32
        %get3A_464 = arith.index_cast %add3A_463 : i32 to index
        %get3A_465 = tpu.vector_load %arg9[%get3A_464] {strides = array<i32>} : memref<8192xf32, #tpu.memory_space<vmem>>, vector<16xf32>,
        %mul3A_466 = arith.mulf %get3A_465, %get3A_43 : vector<16xf32>
        %add3A_467 = arith.constant 256 : i32
        %add3A_468 = arith.addi %add3A_440, %add3A_467 : i32
        %get3A_469 = arith.index_cast %add3A_468 : i32 to index
        %get3A_470 = tpu.vector_load %arg9[%get3A_469] {strides = array<i32>} : memref<8192xf32, #tpu.memory_space<vmem>>, vector<16xf32>,
        %mul3A_471 = arith.mulf %get3A_470, %get3A_45 : vector<16xf32>
        %add3A_472 = arith.constant 384 : i32
        %add3A_473 = arith.addi %add3A_440, %add3A_472 : i32
        %get3A_474 = arith.index_cast %add3A_473 : i32 to index
        %get3A_475 = tpu.vector_load %arg9[%get3A_474] {strides = array<i32>} : memref<8192xf32, #tpu.memory_space<vmem>>, vector<16xf32>,
        %mul3A_476 = arith.mulf %get3A_475, %get3A_47 : vector<16xf32>
        %add3A_477 = arith.addf %mul3A_443, %mul3A_448 : vector<16xf32>
        %add3A_478 = arith.addf %mul3A_453, %mul3A_458 : vector<16xf32>
        %add3A_479 = arith.addf %add3A_477, %add3A_478 : vector<16xf32>
        %add3A_480 = arith.addf %mul3A_461, %mul3A_466 : vector<16xf32>
        %add3A_481 = arith.addf %mul3A_471, %mul3A_476 : vector<16xf32>
        %add3A_482 = arith.addf %add3A_480, %add3A_481 : vector<16xf32>
        %add3A_483 = arith.addf %add3A_479, %add3A_482 : vector<16xf32>
        %add3A_484 = arith.constant 96 : i32
        %add3A_485 = arith.addi %add3A_145, %add3A_484 : i32
        %swap3A_486 = arith.index_cast %add3A_485 : i32 to index
        %swap3A_487 = tpu.vector_load %arg7[%swap3A_486] {strides = array<i32>} : memref<16384xf32, #tpu.memory_space<vmem>>, vector<16xf32>,
        tpu.vector_store %arg7[%swap3A_486], %add3A_483 {strides = array<i32>} : memref<16384xf32, #tpu.memory_space<vmem>>, vector<16xf32>,
        %add3A_488 = arith.constant 112 : i32
        %add3A_489 = arith.addi %mul3A_140, %add3A_488 : i32
        %get3A_490 = arith.index_cast %add3A_489 : i32 to index
        %get3A_491 = tpu.vector_load %arg8[%get3A_490] {strides = array<i32>} : memref<8192xf32, #tpu.memory_space<vmem>>, vector<16xf32>,
        %mul3A_492 = arith.mulf %get3A_491, %get3A_33 : vector<16xf32>
        %add3A_493 = arith.constant 128 : i32
        %add3A_494 = arith.addi %add3A_489, %add3A_493 : i32
        %get3A_495 = arith.index_cast %add3A_494 : i32 to index
        %get3A_496 = tpu.vector_load %arg8[%get3A_495] {strides = array<i32>} : memref<8192xf32, #tpu.memory_space<vmem>>, vector<16xf32>,
        %mul3A_497 = arith.mulf %get3A_496, %get3A_35 : vector<16xf32>
        %add3A_498 = arith.constant 256 : i32
        %add3A_499 = arith.addi %add3A_489, %add3A_498 : i32
        %get3A_500 = arith.index_cast %add3A_499 : i32 to index
        %get3A_501 = tpu.vector_load %arg8[%get3A_500] {strides = array<i32>} : memref<8192xf32, #tpu.memory_space<vmem>>, vector<16xf32>,
        %mul3A_502 = arith.mulf %get3A_501, %get3A_37 : vector<16xf32>
        %add3A_503 = arith.constant 384 : i32
        %add3A_504 = arith.addi %add3A_489, %add3A_503 : i32
        %get3A_505 = arith.index_cast %add3A_504 : i32 to index
        %get3A_506 = tpu.vector_load %arg8[%get3A_505] {strides = array<i32>} : memref<8192xf32, #tpu.memory_space<vmem>>, vector<16xf32>,
        %mul3A_507 = arith.mulf %get3A_506, %get3A_39 : vector<16xf32>
        %get3A_508 = arith.index_cast %add3A_489 : i32 to index
        %get3A_509 = tpu.vector_load %arg9[%get3A_508] {strides = array<i32>} : memref<8192xf32, #tpu.memory_space<vmem>>, vector<16xf32>,
        %mul3A_510 = arith.mulf %get3A_509, %get3A_41 : vector<16xf32>
        %add3A_511 = arith.constant 128 : i32
        %add3A_512 = arith.addi %add3A_489, %add3A_511 : i32
        %get3A_513 = arith.index_cast %add3A_512 : i32 to index
        %get3A_514 = tpu.vector_load %arg9[%get3A_513] {strides = array<i32>} : memref<8192xf32, #tpu.memory_space<vmem>>, vector<16xf32>,
        %mul3A_515 = arith.mulf %get3A_514, %get3A_43 : vector<16xf32>
        %add3A_516 = arith.constant 256 : i32
        %add3A_517 = arith.addi %add3A_489, %add3A_516 : i32
        %get3A_518 = arith.index_cast %add3A_517 : i32 to index
        %get3A_519 = tpu.vector_load %arg9[%get3A_518] {strides = array<i32>} : memref<8192xf32, #tpu.memory_space<vmem>>, vector<16xf32>,
        %mul3A_520 = arith.mulf %get3A_519, %get3A_45 : vector<16xf32>
        %add3A_521 = arith.constant 384 : i32
        %add3A_522 = arith.addi %add3A_489, %add3A_521 : i32
        %get3A_523 = arith.index_cast %add3A_522 : i32 to index
        %get3A_524 = tpu.vector_load %arg9[%get3A_523] {strides = array<i32>} : memref<8192xf32, #tpu.memory_space<vmem>>, vector<16xf32>,
        %mul3A_525 = arith.mulf %get3A_524, %get3A_47 : vector<16xf32>
        %add3A_526 = arith.addf %mul3A_492, %mul3A_497 : vector<16xf32>
        %add3A_527 = arith.addf %mul3A_502, %mul3A_507 : vector<16xf32>
        %add3A_528 = arith.addf %add3A_526, %add3A_527 : vector<16xf32>
        %add3A_529 = arith.addf %mul3A_510, %mul3A_515 : vector<16xf32>
        %add3A_530 = arith.addf %mul3A_520, %mul3A_525 : vector<16xf32>
        %add3A_531 = arith.addf %add3A_529, %add3A_530 : vector<16xf32>
        %add3A_532 = arith.addf %add3A_528, %add3A_531 : vector<16xf32>
        %add3A_533 = arith.constant 112 : i32
        %add3A_534 = arith.addi %add3A_145, %add3A_533 : i32
        %swap3A_535 = arith.index_cast %add3A_534 : i32 to index
        %swap3A_536 = tpu.vector_load %arg7[%swap3A_535] {strides = array<i32>} : memref<16384xf32, #tpu.memory_space<vmem>>, vector<16xf32>,
        tpu.vector_store %arg7[%swap3A_535], %add3A_532 {strides = array<i32>} : memref<16384xf32, #tpu.memory_space<vmem>>, vector<16xf32>,
      }
      %scan3A_116 = arith.constant 16 : i32
      %add3A_117 = arith.constant 2 : i32
      %add3A_118 = arith.addi %mul3A_93, %add3A_117 : i32
      %lt3A_119 = arith.constant 8 : i32
      %lt3A_120 = arith.cmpi slt, %add3A_118, %lt3A_119 : i32
      %convert_element_type3A = arith.extui %lt3A_120 : i1 to i32
      %cond3A = arith.constant 0 : i32
      %cond3A_121 = arith.cmpi ne, %convert_element_type3A, %cond3A : i32
      scf.if %cond3A_121 {
        %add3A_138 = arith.constant 2 : i32
        %add3A_139 = arith.addi %mul3A_93, %add3A_138 : i32
        %mul3A_140 = arith.constant 8192 : i32
        %mul3A_141 = arith.muli %add3A_139, %mul3A_140 : i32
        %add3A_142 = arith.addi %mul3A_51, %mul3A_141 : i32
        %dma_start3A_143 = tpu.memref_slice %arg2[%add3A_142] : memref<524288xf32, #tpu.memory_space<hbm>> -> memref<8192xf32, #tpu.memory_space<hbm>>
        %dma_start3A_144 = tpu.memref_slice %arg2[%add3A_142] : memref<524288xf32, #tpu.memory_space<hbm>> -> memref<8192xf32, #tpu.memory_space<hbm>>
        tpu.enqueue_dma source(%dma_start3A_144 : memref<8192xf32, #tpu.memory_space<hbm>>) target(%arg8 : memref<8192xf32, #tpu.memory_space<vmem>>) target_semaphore(%arg17 : memref<!tpu.dma_semaphore, #tpu.memory_space<semaphore_mem>>)
        %dma_start3A_145 = tpu.memref_slice %arg3[%add3A_142] : memref<524288xf32, #tpu.memory_space<hbm>> -> memref<8192xf32, #tpu.memory_space<hbm>>
        %dma_start3A_146 = tpu.memref_slice %arg3[%add3A_142] : memref<524288xf32, #tpu.memory_space<hbm>> -> memref<8192xf32, #tpu.memory_space<hbm>>
        tpu.enqueue_dma source(%dma_start3A_146 : memref<8192xf32, #tpu.memory_space<hbm>>) target(%arg9 : memref<8192xf32, #tpu.memory_space<vmem>>) target_semaphore(%arg17 : memref<!tpu.dma_semaphore, #tpu.memory_space<semaphore_mem>>)
      } else {
      }
      %dma_wait3A_122 = arith.constant 0 : i32
      %dma_wait3A_123 = tpu.memref_slice %arg2[%dma_wait3A_122] : memref<524288xf32, #tpu.memory_space<hbm>> -> memref<8192xf32, #tpu.memory_space<hbm>>
      %dma_wait3A_124 = arith.constant 0 : i32
      %dma_wait3A_125 = tpu.memref_slice %arg2[%dma_wait3A_124] : memref<524288xf32, #tpu.memory_space<hbm>> -> memref<8192xf32, #tpu.memory_space<hbm>>
      tpu.wait_dma2 semaphore(%arg18 : memref<!tpu.dma_semaphore, #tpu.memory_space<semaphore_mem>>) src(%dma_wait3A_125 : memref<8192xf32, #tpu.memory_space<hbm>>) dst(%arg10 : memref<8192xf32, #tpu.memory_space<vmem>>)
      %dma_wait3A_126 = arith.constant 0 : i32
      %dma_wait3A_127 = tpu.memref_slice %arg2[%dma_wait3A_126] : memref<524288xf32, #tpu.memory_space<hbm>> -> memref<8192xf32, #tpu.memory_space<hbm>>
      %dma_wait3A_128 = arith.constant 0 : i32
      %dma_wait3A_129 = tpu.memref_slice %arg2[%dma_wait3A_128] : memref<524288xf32, #tpu.memory_space<hbm>> -> memref<8192xf32, #tpu.memory_space<hbm>>
      tpu.wait_dma2 semaphore(%arg18 : memref<!tpu.dma_semaphore, #tpu.memory_space<semaphore_mem>>) src(%dma_wait3A_129 : memref<8192xf32, #tpu.memory_space<hbm>>) dst(%arg11 : memref<8192xf32, #tpu.memory_space<vmem>>)
      %add3A_130 = arith.constant 1 : i32
      %add3A_131 = arith.addi %mul3A_93, %add3A_130 : i32
      %scan3A_132 = arith.constant 0 : i32
      %scan3A_133 = arith.constant 0 : i32
      %scan3A_134 = arith.constant 16 : i32
      %scan3A_135 = arith.addi %scan3A_133, %scan3A_134 : i32
      %scan3A_136 = arith.constant 1 : i32
      scf.for %scan3A_138 = %scan3A_133 to %scan3A_135 step %scan3A_136  : i32 {
        %mul3A_139 = arith.constant 512 : i32
        %mul3A_140 = arith.muli %scan3A_138, %mul3A_139 : i32
        %mul3A_141 = arith.constant 2048 : i32
        %mul3A_142 = arith.muli %add3A_131, %mul3A_141 : i32
        %mul3A_143 = arith.constant 128 : i32
        %mul3A_144 = arith.muli %scan3A_138, %mul3A_143 : i32
        %add3A_145 = arith.addi %mul3A_142, %mul3A_144 : i32
        %add3A_146 = arith.constant 0 : i32
        %add3A_147 = arith.addi %mul3A_140, %add3A_146 : i32
        %get3A_148 = arith.index_cast %add3A_147 : i32 to index
        %get3A_149 = tpu.vector_load %arg10[%get3A_148] {strides = array<i32>} : memref<8192xf32, #tpu.memory_space<vmem>>, vector<16xf32>,
        %mul3A_150 = arith.mulf %get3A_149, %get3A_33 : vector<16xf32>
        %add3A_151 = arith.constant 128 : i32
        %add3A_152 = arith.addi %add3A_147, %add3A_151 : i32
        %get3A_153 = arith.index_cast %add3A_152 : i32 to index
        %get3A_154 = tpu.vector_load %arg10[%get3A_153] {strides = array<i32>} : memref<8192xf32, #tpu.memory_space<vmem>>, vector<16xf32>,
        %mul3A_155 = arith.mulf %get3A_154, %get3A_35 : vector<16xf32>
        %add3A_156 = arith.constant 256 : i32
        %add3A_157 = arith.addi %add3A_147, %add3A_156 : i32
        %get3A_158 = arith.index_cast %add3A_157 : i32 to index
        %get3A_159 = tpu.vector_load %arg10[%get3A_158] {strides = array<i32>} : memref<8192xf32, #tpu.memory_space<vmem>>, vector<16xf32>,
        %mul3A_160 = arith.mulf %get3A_159, %get3A_37 : vector<16xf32>
        %add3A_161 = arith.constant 384 : i32
        %add3A_162 = arith.addi %add3A_147, %add3A_161 : i32
        %get3A_163 = arith.index_cast %add3A_162 : i32 to index
        %get3A_164 = tpu.vector_load %arg10[%get3A_163] {strides = array<i32>} : memref<8192xf32, #tpu.memory_space<vmem>>, vector<16xf32>,
        %mul3A_165 = arith.mulf %get3A_164, %get3A_39 : vector<16xf32>
        %get3A_166 = arith.index_cast %add3A_147 : i32 to index
        %get3A_167 = tpu.vector_load %arg11[%get3A_166] {strides = array<i32>} : memref<8192xf32, #tpu.memory_space<vmem>>, vector<16xf32>,
        %mul3A_168 = arith.mulf %get3A_167, %get3A_41 : vector<16xf32>
        %add3A_169 = arith.constant 128 : i32
        %add3A_170 = arith.addi %add3A_147, %add3A_169 : i32
        %get3A_171 = arith.index_cast %add3A_170 : i32 to index
        %get3A_172 = tpu.vector_load %arg11[%get3A_171] {strides = array<i32>} : memref<8192xf32, #tpu.memory_space<vmem>>, vector<16xf32>,
        %mul3A_173 = arith.mulf %get3A_172, %get3A_43 : vector<16xf32>
        %add3A_174 = arith.constant 256 : i32
        %add3A_175 = arith.addi %add3A_147, %add3A_174 : i32
        %get3A_176 = arith.index_cast %add3A_175 : i32 to index
        %get3A_177 = tpu.vector_load %arg11[%get3A_176] {strides = array<i32>} : memref<8192xf32, #tpu.memory_space<vmem>>, vector<16xf32>,
        %mul3A_178 = arith.mulf %get3A_177, %get3A_45 : vector<16xf32>
        %add3A_179 = arith.constant 384 : i32
        %add3A_180 = arith.addi %add3A_147, %add3A_179 : i32
        %get3A_181 = arith.index_cast %add3A_180 : i32 to index
        %get3A_182 = tpu.vector_load %arg11[%get3A_181] {strides = array<i32>} : memref<8192xf32, #tpu.memory_space<vmem>>, vector<16xf32>,
        %mul3A_183 = arith.mulf %get3A_182, %get3A_47 : vector<16xf32>
        %add3A_184 = arith.addf %mul3A_150, %mul3A_155 : vector<16xf32>
        %add3A_185 = arith.addf %mul3A_160, %mul3A_165 : vector<16xf32>
        %add3A_186 = arith.addf %add3A_184, %add3A_185 : vector<16xf32>
        %add3A_187 = arith.addf %mul3A_168, %mul3A_173 : vector<16xf32>
        %add3A_188 = arith.addf %mul3A_178, %mul3A_183 : vector<16xf32>
        %add3A_189 = arith.addf %add3A_187, %add3A_188 : vector<16xf32>
        %add3A_190 = arith.addf %add3A_186, %add3A_189 : vector<16xf32>
        %add3A_191 = arith.constant 0 : i32
        %add3A_192 = arith.addi %add3A_145, %add3A_191 : i32
        %swap3A = arith.index_cast %add3A_192 : i32 to index
        %swap3A_193 = tpu.vector_load %arg7[%swap3A] {strides = array<i32>} : memref<16384xf32, #tpu.memory_space<vmem>>, vector<16xf32>,
        tpu.vector_store %arg7[%swap3A], %add3A_190 {strides = array<i32>} : memref<16384xf32, #tpu.memory_space<vmem>>, vector<16xf32>,
        %add3A_194 = arith.constant 16 : i32
        %add3A_195 = arith.addi %mul3A_140, %add3A_194 : i32
        %get3A_196 = arith.index_cast %add3A_195 : i32 to index
        %get3A_197 = tpu.vector_load %arg10[%get3A_196] {strides = array<i32>} : memref<8192xf32, #tpu.memory_space<vmem>>, vector<16xf32>,
        %mul3A_198 = arith.mulf %get3A_197, %get3A_33 : vector<16xf32>
        %add3A_199 = arith.constant 128 : i32
        %add3A_200 = arith.addi %add3A_195, %add3A_199 : i32
        %get3A_201 = arith.index_cast %add3A_200 : i32 to index
        %get3A_202 = tpu.vector_load %arg10[%get3A_201] {strides = array<i32>} : memref<8192xf32, #tpu.memory_space<vmem>>, vector<16xf32>,
        %mul3A_203 = arith.mulf %get3A_202, %get3A_35 : vector<16xf32>
        %add3A_204 = arith.constant 256 : i32
        %add3A_205 = arith.addi %add3A_195, %add3A_204 : i32
        %get3A_206 = arith.index_cast %add3A_205 : i32 to index
        %get3A_207 = tpu.vector_load %arg10[%get3A_206] {strides = array<i32>} : memref<8192xf32, #tpu.memory_space<vmem>>, vector<16xf32>,
        %mul3A_208 = arith.mulf %get3A_207, %get3A_37 : vector<16xf32>
        %add3A_209 = arith.constant 384 : i32
        %add3A_210 = arith.addi %add3A_195, %add3A_209 : i32
        %get3A_211 = arith.index_cast %add3A_210 : i32 to index
        %get3A_212 = tpu.vector_load %arg10[%get3A_211] {strides = array<i32>} : memref<8192xf32, #tpu.memory_space<vmem>>, vector<16xf32>,
        %mul3A_213 = arith.mulf %get3A_212, %get3A_39 : vector<16xf32>
        %get3A_214 = arith.index_cast %add3A_195 : i32 to index
        %get3A_215 = tpu.vector_load %arg11[%get3A_214] {strides = array<i32>} : memref<8192xf32, #tpu.memory_space<vmem>>, vector<16xf32>,
        %mul3A_216 = arith.mulf %get3A_215, %get3A_41 : vector<16xf32>
        %add3A_217 = arith.constant 128 : i32
        %add3A_218 = arith.addi %add3A_195, %add3A_217 : i32
        %get3A_219 = arith.index_cast %add3A_218 : i32 to index
        %get3A_220 = tpu.vector_load %arg11[%get3A_219] {strides = array<i32>} : memref<8192xf32, #tpu.memory_space<vmem>>, vector<16xf32>,
        %mul3A_221 = arith.mulf %get3A_220, %get3A_43 : vector<16xf32>
        %add3A_222 = arith.constant 256 : i32
        %add3A_223 = arith.addi %add3A_195, %add3A_222 : i32
        %get3A_224 = arith.index_cast %add3A_223 : i32 to index
        %get3A_225 = tpu.vector_load %arg11[%get3A_224] {strides = array<i32>} : memref<8192xf32, #tpu.memory_space<vmem>>, vector<16xf32>,
        %mul3A_226 = arith.mulf %get3A_225, %get3A_45 : vector<16xf32>
        %add3A_227 = arith.constant 384 : i32
        %add3A_228 = arith.addi %add3A_195, %add3A_227 : i32
        %get3A_229 = arith.index_cast %add3A_228 : i32 to index
        %get3A_230 = tpu.vector_load %arg11[%get3A_229] {strides = array<i32>} : memref<8192xf32, #tpu.memory_space<vmem>>, vector<16xf32>,
        %mul3A_231 = arith.mulf %get3A_230, %get3A_47 : vector<16xf32>
        %add3A_232 = arith.addf %mul3A_198, %mul3A_203 : vector<16xf32>
        %add3A_233 = arith.addf %mul3A_208, %mul3A_213 : vector<16xf32>
        %add3A_234 = arith.addf %add3A_232, %add3A_233 : vector<16xf32>
        %add3A_235 = arith.addf %mul3A_216, %mul3A_221 : vector<16xf32>
        %add3A_236 = arith.addf %mul3A_226, %mul3A_231 : vector<16xf32>
        %add3A_237 = arith.addf %add3A_235, %add3A_236 : vector<16xf32>
        %add3A_238 = arith.addf %add3A_234, %add3A_237 : vector<16xf32>
        %add3A_239 = arith.constant 16 : i32
        %add3A_240 = arith.addi %add3A_145, %add3A_239 : i32
        %swap3A_241 = arith.index_cast %add3A_240 : i32 to index
        %swap3A_242 = tpu.vector_load %arg7[%swap3A_241] {strides = array<i32>} : memref<16384xf32, #tpu.memory_space<vmem>>, vector<16xf32>,
        tpu.vector_store %arg7[%swap3A_241], %add3A_238 {strides = array<i32>} : memref<16384xf32, #tpu.memory_space<vmem>>, vector<16xf32>,
        %add3A_243 = arith.constant 32 : i32
        %add3A_244 = arith.addi %mul3A_140, %add3A_243 : i32
        %get3A_245 = arith.index_cast %add3A_244 : i32 to index
        %get3A_246 = tpu.vector_load %arg10[%get3A_245] {strides = array<i32>} : memref<8192xf32, #tpu.memory_space<vmem>>, vector<16xf32>,
        %mul3A_247 = arith.mulf %get3A_246, %get3A_33 : vector<16xf32>
        %add3A_248 = arith.constant 128 : i32
        %add3A_249 = arith.addi %add3A_244, %add3A_248 : i32
        %get3A_250 = arith.index_cast %add3A_249 : i32 to index
        %get3A_251 = tpu.vector_load %arg10[%get3A_250] {strides = array<i32>} : memref<8192xf32, #tpu.memory_space<vmem>>, vector<16xf32>,
        %mul3A_252 = arith.mulf %get3A_251, %get3A_35 : vector<16xf32>
        %add3A_253 = arith.constant 256 : i32
        %add3A_254 = arith.addi %add3A_244, %add3A_253 : i32
        %get3A_255 = arith.index_cast %add3A_254 : i32 to index
        %get3A_256 = tpu.vector_load %arg10[%get3A_255] {strides = array<i32>} : memref<8192xf32, #tpu.memory_space<vmem>>, vector<16xf32>,
        %mul3A_257 = arith.mulf %get3A_256, %get3A_37 : vector<16xf32>
        %add3A_258 = arith.constant 384 : i32
        %add3A_259 = arith.addi %add3A_244, %add3A_258 : i32
        %get3A_260 = arith.index_cast %add3A_259 : i32 to index
        %get3A_261 = tpu.vector_load %arg10[%get3A_260] {strides = array<i32>} : memref<8192xf32, #tpu.memory_space<vmem>>, vector<16xf32>,
        %mul3A_262 = arith.mulf %get3A_261, %get3A_39 : vector<16xf32>
        %get3A_263 = arith.index_cast %add3A_244 : i32 to index
        %get3A_264 = tpu.vector_load %arg11[%get3A_263] {strides = array<i32>} : memref<8192xf32, #tpu.memory_space<vmem>>, vector<16xf32>,
        %mul3A_265 = arith.mulf %get3A_264, %get3A_41 : vector<16xf32>
        %add3A_266 = arith.constant 128 : i32
        %add3A_267 = arith.addi %add3A_244, %add3A_266 : i32
        %get3A_268 = arith.index_cast %add3A_267 : i32 to index
        %get3A_269 = tpu.vector_load %arg11[%get3A_268] {strides = array<i32>} : memref<8192xf32, #tpu.memory_space<vmem>>, vector<16xf32>,
        %mul3A_270 = arith.mulf %get3A_269, %get3A_43 : vector<16xf32>
        %add3A_271 = arith.constant 256 : i32
        %add3A_272 = arith.addi %add3A_244, %add3A_271 : i32
        %get3A_273 = arith.index_cast %add3A_272 : i32 to index
        %get3A_274 = tpu.vector_load %arg11[%get3A_273] {strides = array<i32>} : memref<8192xf32, #tpu.memory_space<vmem>>, vector<16xf32>,
        %mul3A_275 = arith.mulf %get3A_274, %get3A_45 : vector<16xf32>
        %add3A_276 = arith.constant 384 : i32
        %add3A_277 = arith.addi %add3A_244, %add3A_276 : i32
        %get3A_278 = arith.index_cast %add3A_277 : i32 to index
        %get3A_279 = tpu.vector_load %arg11[%get3A_278] {strides = array<i32>} : memref<8192xf32, #tpu.memory_space<vmem>>, vector<16xf32>,
        %mul3A_280 = arith.mulf %get3A_279, %get3A_47 : vector<16xf32>
        %add3A_281 = arith.addf %mul3A_247, %mul3A_252 : vector<16xf32>
        %add3A_282 = arith.addf %mul3A_257, %mul3A_262 : vector<16xf32>
        %add3A_283 = arith.addf %add3A_281, %add3A_282 : vector<16xf32>
        %add3A_284 = arith.addf %mul3A_265, %mul3A_270 : vector<16xf32>
        %add3A_285 = arith.addf %mul3A_275, %mul3A_280 : vector<16xf32>
        %add3A_286 = arith.addf %add3A_284, %add3A_285 : vector<16xf32>
        %add3A_287 = arith.addf %add3A_283, %add3A_286 : vector<16xf32>
        %add3A_288 = arith.constant 32 : i32
        %add3A_289 = arith.addi %add3A_145, %add3A_288 : i32
        %swap3A_290 = arith.index_cast %add3A_289 : i32 to index
        %swap3A_291 = tpu.vector_load %arg7[%swap3A_290] {strides = array<i32>} : memref<16384xf32, #tpu.memory_space<vmem>>, vector<16xf32>,
        tpu.vector_store %arg7[%swap3A_290], %add3A_287 {strides = array<i32>} : memref<16384xf32, #tpu.memory_space<vmem>>, vector<16xf32>,
        %add3A_292 = arith.constant 48 : i32
        %add3A_293 = arith.addi %mul3A_140, %add3A_292 : i32
        %get3A_294 = arith.index_cast %add3A_293 : i32 to index
        %get3A_295 = tpu.vector_load %arg10[%get3A_294] {strides = array<i32>} : memref<8192xf32, #tpu.memory_space<vmem>>, vector<16xf32>,
        %mul3A_296 = arith.mulf %get3A_295, %get3A_33 : vector<16xf32>
        %add3A_297 = arith.constant 128 : i32
        %add3A_298 = arith.addi %add3A_293, %add3A_297 : i32
        %get3A_299 = arith.index_cast %add3A_298 : i32 to index
        %get3A_300 = tpu.vector_load %arg10[%get3A_299] {strides = array<i32>} : memref<8192xf32, #tpu.memory_space<vmem>>, vector<16xf32>,
        %mul3A_301 = arith.mulf %get3A_300, %get3A_35 : vector<16xf32>
        %add3A_302 = arith.constant 256 : i32
        %add3A_303 = arith.addi %add3A_293, %add3A_302 : i32
        %get3A_304 = arith.index_cast %add3A_303 : i32 to index
        %get3A_305 = tpu.vector_load %arg10[%get3A_304] {strides = array<i32>} : memref<8192xf32, #tpu.memory_space<vmem>>, vector<16xf32>,
        %mul3A_306 = arith.mulf %get3A_305, %get3A_37 : vector<16xf32>
        %add3A_307 = arith.constant 384 : i32
        %add3A_308 = arith.addi %add3A_293, %add3A_307 : i32
        %get3A_309 = arith.index_cast %add3A_308 : i32 to index
        %get3A_310 = tpu.vector_load %arg10[%get3A_309] {strides = array<i32>} : memref<8192xf32, #tpu.memory_space<vmem>>, vector<16xf32>,
        %mul3A_311 = arith.mulf %get3A_310, %get3A_39 : vector<16xf32>
        %get3A_312 = arith.index_cast %add3A_293 : i32 to index
        %get3A_313 = tpu.vector_load %arg11[%get3A_312] {strides = array<i32>} : memref<8192xf32, #tpu.memory_space<vmem>>, vector<16xf32>,
        %mul3A_314 = arith.mulf %get3A_313, %get3A_41 : vector<16xf32>
        %add3A_315 = arith.constant 128 : i32
        %add3A_316 = arith.addi %add3A_293, %add3A_315 : i32
        %get3A_317 = arith.index_cast %add3A_316 : i32 to index
        %get3A_318 = tpu.vector_load %arg11[%get3A_317] {strides = array<i32>} : memref<8192xf32, #tpu.memory_space<vmem>>, vector<16xf32>,
        %mul3A_319 = arith.mulf %get3A_318, %get3A_43 : vector<16xf32>
        %add3A_320 = arith.constant 256 : i32
        %add3A_321 = arith.addi %add3A_293, %add3A_320 : i32
        %get3A_322 = arith.index_cast %add3A_321 : i32 to index
        %get3A_323 = tpu.vector_load %arg11[%get3A_322] {strides = array<i32>} : memref<8192xf32, #tpu.memory_space<vmem>>, vector<16xf32>,
        %mul3A_324 = arith.mulf %get3A_323, %get3A_45 : vector<16xf32>
        %add3A_325 = arith.constant 384 : i32
        %add3A_326 = arith.addi %add3A_293, %add3A_325 : i32
        %get3A_327 = arith.index_cast %add3A_326 : i32 to index
        %get3A_328 = tpu.vector_load %arg11[%get3A_327] {strides = array<i32>} : memref<8192xf32, #tpu.memory_space<vmem>>, vector<16xf32>,
        %mul3A_329 = arith.mulf %get3A_328, %get3A_47 : vector<16xf32>
        %add3A_330 = arith.addf %mul3A_296, %mul3A_301 : vector<16xf32>
        %add3A_331 = arith.addf %mul3A_306, %mul3A_311 : vector<16xf32>
        %add3A_332 = arith.addf %add3A_330, %add3A_331 : vector<16xf32>
        %add3A_333 = arith.addf %mul3A_314, %mul3A_319 : vector<16xf32>
        %add3A_334 = arith.addf %mul3A_324, %mul3A_329 : vector<16xf32>
        %add3A_335 = arith.addf %add3A_333, %add3A_334 : vector<16xf32>
        %add3A_336 = arith.addf %add3A_332, %add3A_335 : vector<16xf32>
        %add3A_337 = arith.constant 48 : i32
        %add3A_338 = arith.addi %add3A_145, %add3A_337 : i32
        %swap3A_339 = arith.index_cast %add3A_338 : i32 to index
        %swap3A_340 = tpu.vector_load %arg7[%swap3A_339] {strides = array<i32>} : memref<16384xf32, #tpu.memory_space<vmem>>, vector<16xf32>,
        tpu.vector_store %arg7[%swap3A_339], %add3A_336 {strides = array<i32>} : memref<16384xf32, #tpu.memory_space<vmem>>, vector<16xf32>,
        %add3A_341 = arith.constant 64 : i32
        %add3A_342 = arith.addi %mul3A_140, %add3A_341 : i32
        %get3A_343 = arith.index_cast %add3A_342 : i32 to index
        %get3A_344 = tpu.vector_load %arg10[%get3A_343] {strides = array<i32>} : memref<8192xf32, #tpu.memory_space<vmem>>, vector<16xf32>,
        %mul3A_345 = arith.mulf %get3A_344, %get3A_33 : vector<16xf32>
        %add3A_346 = arith.constant 128 : i32
        %add3A_347 = arith.addi %add3A_342, %add3A_346 : i32
        %get3A_348 = arith.index_cast %add3A_347 : i32 to index
        %get3A_349 = tpu.vector_load %arg10[%get3A_348] {strides = array<i32>} : memref<8192xf32, #tpu.memory_space<vmem>>, vector<16xf32>,
        %mul3A_350 = arith.mulf %get3A_349, %get3A_35 : vector<16xf32>
        %add3A_351 = arith.constant 256 : i32
        %add3A_352 = arith.addi %add3A_342, %add3A_351 : i32
        %get3A_353 = arith.index_cast %add3A_352 : i32 to index
        %get3A_354 = tpu.vector_load %arg10[%get3A_353] {strides = array<i32>} : memref<8192xf32, #tpu.memory_space<vmem>>, vector<16xf32>,
        %mul3A_355 = arith.mulf %get3A_354, %get3A_37 : vector<16xf32>
        %add3A_356 = arith.constant 384 : i32
        %add3A_357 = arith.addi %add3A_342, %add3A_356 : i32
        %get3A_358 = arith.index_cast %add3A_357 : i32 to index
        %get3A_359 = tpu.vector_load %arg10[%get3A_358] {strides = array<i32>} : memref<8192xf32, #tpu.memory_space<vmem>>, vector<16xf32>,
        %mul3A_360 = arith.mulf %get3A_359, %get3A_39 : vector<16xf32>
        %get3A_361 = arith.index_cast %add3A_342 : i32 to index
        %get3A_362 = tpu.vector_load %arg11[%get3A_361] {strides = array<i32>} : memref<8192xf32, #tpu.memory_space<vmem>>, vector<16xf32>,
        %mul3A_363 = arith.mulf %get3A_362, %get3A_41 : vector<16xf32>
        %add3A_364 = arith.constant 128 : i32
        %add3A_365 = arith.addi %add3A_342, %add3A_364 : i32
        %get3A_366 = arith.index_cast %add3A_365 : i32 to index
        %get3A_367 = tpu.vector_load %arg11[%get3A_366] {strides = array<i32>} : memref<8192xf32, #tpu.memory_space<vmem>>, vector<16xf32>,
        %mul3A_368 = arith.mulf %get3A_367, %get3A_43 : vector<16xf32>
        %add3A_369 = arith.constant 256 : i32
        %add3A_370 = arith.addi %add3A_342, %add3A_369 : i32
        %get3A_371 = arith.index_cast %add3A_370 : i32 to index
        %get3A_372 = tpu.vector_load %arg11[%get3A_371] {strides = array<i32>} : memref<8192xf32, #tpu.memory_space<vmem>>, vector<16xf32>,
        %mul3A_373 = arith.mulf %get3A_372, %get3A_45 : vector<16xf32>
        %add3A_374 = arith.constant 384 : i32
        %add3A_375 = arith.addi %add3A_342, %add3A_374 : i32
        %get3A_376 = arith.index_cast %add3A_375 : i32 to index
        %get3A_377 = tpu.vector_load %arg11[%get3A_376] {strides = array<i32>} : memref<8192xf32, #tpu.memory_space<vmem>>, vector<16xf32>,
        %mul3A_378 = arith.mulf %get3A_377, %get3A_47 : vector<16xf32>
        %add3A_379 = arith.addf %mul3A_345, %mul3A_350 : vector<16xf32>
        %add3A_380 = arith.addf %mul3A_355, %mul3A_360 : vector<16xf32>
        %add3A_381 = arith.addf %add3A_379, %add3A_380 : vector<16xf32>
        %add3A_382 = arith.addf %mul3A_363, %mul3A_368 : vector<16xf32>
        %add3A_383 = arith.addf %mul3A_373, %mul3A_378 : vector<16xf32>
        %add3A_384 = arith.addf %add3A_382, %add3A_383 : vector<16xf32>
        %add3A_385 = arith.addf %add3A_381, %add3A_384 : vector<16xf32>
        %add3A_386 = arith.constant 64 : i32
        %add3A_387 = arith.addi %add3A_145, %add3A_386 : i32
        %swap3A_388 = arith.index_cast %add3A_387 : i32 to index
        %swap3A_389 = tpu.vector_load %arg7[%swap3A_388] {strides = array<i32>} : memref<16384xf32, #tpu.memory_space<vmem>>, vector<16xf32>,
        tpu.vector_store %arg7[%swap3A_388], %add3A_385 {strides = array<i32>} : memref<16384xf32, #tpu.memory_space<vmem>>, vector<16xf32>,
        %add3A_390 = arith.constant 80 : i32
        %add3A_391 = arith.addi %mul3A_140, %add3A_390 : i32
        %get3A_392 = arith.index_cast %add3A_391 : i32 to index
        %get3A_393 = tpu.vector_load %arg10[%get3A_392] {strides = array<i32>} : memref<8192xf32, #tpu.memory_space<vmem>>, vector<16xf32>,
        %mul3A_394 = arith.mulf %get3A_393, %get3A_33 : vector<16xf32>
        %add3A_395 = arith.constant 128 : i32
        %add3A_396 = arith.addi %add3A_391, %add3A_395 : i32
        %get3A_397 = arith.index_cast %add3A_396 : i32 to index
        %get3A_398 = tpu.vector_load %arg10[%get3A_397] {strides = array<i32>} : memref<8192xf32, #tpu.memory_space<vmem>>, vector<16xf32>,
        %mul3A_399 = arith.mulf %get3A_398, %get3A_35 : vector<16xf32>
        %add3A_400 = arith.constant 256 : i32
        %add3A_401 = arith.addi %add3A_391, %add3A_400 : i32
        %get3A_402 = arith.index_cast %add3A_401 : i32 to index
        %get3A_403 = tpu.vector_load %arg10[%get3A_402] {strides = array<i32>} : memref<8192xf32, #tpu.memory_space<vmem>>, vector<16xf32>,
        %mul3A_404 = arith.mulf %get3A_403, %get3A_37 : vector<16xf32>
        %add3A_405 = arith.constant 384 : i32
        %add3A_406 = arith.addi %add3A_391, %add3A_405 : i32
        %get3A_407 = arith.index_cast %add3A_406 : i32 to index
        %get3A_408 = tpu.vector_load %arg10[%get3A_407] {strides = array<i32>} : memref<8192xf32, #tpu.memory_space<vmem>>, vector<16xf32>,
        %mul3A_409 = arith.mulf %get3A_408, %get3A_39 : vector<16xf32>
        %get3A_410 = arith.index_cast %add3A_391 : i32 to index
        %get3A_411 = tpu.vector_load %arg11[%get3A_410] {strides = array<i32>} : memref<8192xf32, #tpu.memory_space<vmem>>, vector<16xf32>,
        %mul3A_412 = arith.mulf %get3A_411, %get3A_41 : vector<16xf32>
        %add3A_413 = arith.constant 128 : i32
        %add3A_414 = arith.addi %add3A_391, %add3A_413 : i32
        %get3A_415 = arith.index_cast %add3A_414 : i32 to index
        %get3A_416 = tpu.vector_load %arg11[%get3A_415] {strides = array<i32>} : memref<8192xf32, #tpu.memory_space<vmem>>, vector<16xf32>,
        %mul3A_417 = arith.mulf %get3A_416, %get3A_43 : vector<16xf32>
        %add3A_418 = arith.constant 256 : i32
        %add3A_419 = arith.addi %add3A_391, %add3A_418 : i32
        %get3A_420 = arith.index_cast %add3A_419 : i32 to index
        %get3A_421 = tpu.vector_load %arg11[%get3A_420] {strides = array<i32>} : memref<8192xf32, #tpu.memory_space<vmem>>, vector<16xf32>,
        %mul3A_422 = arith.mulf %get3A_421, %get3A_45 : vector<16xf32>
        %add3A_423 = arith.constant 384 : i32
        %add3A_424 = arith.addi %add3A_391, %add3A_423 : i32
        %get3A_425 = arith.index_cast %add3A_424 : i32 to index
        %get3A_426 = tpu.vector_load %arg11[%get3A_425] {strides = array<i32>} : memref<8192xf32, #tpu.memory_space<vmem>>, vector<16xf32>,
        %mul3A_427 = arith.mulf %get3A_426, %get3A_47 : vector<16xf32>
        %add3A_428 = arith.addf %mul3A_394, %mul3A_399 : vector<16xf32>
        %add3A_429 = arith.addf %mul3A_404, %mul3A_409 : vector<16xf32>
        %add3A_430 = arith.addf %add3A_428, %add3A_429 : vector<16xf32>
        %add3A_431 = arith.addf %mul3A_412, %mul3A_417 : vector<16xf32>
        %add3A_432 = arith.addf %mul3A_422, %mul3A_427 : vector<16xf32>
        %add3A_433 = arith.addf %add3A_431, %add3A_432 : vector<16xf32>
        %add3A_434 = arith.addf %add3A_430, %add3A_433 : vector<16xf32>
        %add3A_435 = arith.constant 80 : i32
        %add3A_436 = arith.addi %add3A_145, %add3A_435 : i32
        %swap3A_437 = arith.index_cast %add3A_436 : i32 to index
        %swap3A_438 = tpu.vector_load %arg7[%swap3A_437] {strides = array<i32>} : memref<16384xf32, #tpu.memory_space<vmem>>, vector<16xf32>,
        tpu.vector_store %arg7[%swap3A_437], %add3A_434 {strides = array<i32>} : memref<16384xf32, #tpu.memory_space<vmem>>, vector<16xf32>,
        %add3A_439 = arith.constant 96 : i32
        %add3A_440 = arith.addi %mul3A_140, %add3A_439 : i32
        %get3A_441 = arith.index_cast %add3A_440 : i32 to index
        %get3A_442 = tpu.vector_load %arg10[%get3A_441] {strides = array<i32>} : memref<8192xf32, #tpu.memory_space<vmem>>, vector<16xf32>,
        %mul3A_443 = arith.mulf %get3A_442, %get3A_33 : vector<16xf32>
        %add3A_444 = arith.constant 128 : i32
        %add3A_445 = arith.addi %add3A_440, %add3A_444 : i32
        %get3A_446 = arith.index_cast %add3A_445 : i32 to index
        %get3A_447 = tpu.vector_load %arg10[%get3A_446] {strides = array<i32>} : memref<8192xf32, #tpu.memory_space<vmem>>, vector<16xf32>,
        %mul3A_448 = arith.mulf %get3A_447, %get3A_35 : vector<16xf32>
        %add3A_449 = arith.constant 256 : i32
        %add3A_450 = arith.addi %add3A_440, %add3A_449 : i32
        %get3A_451 = arith.index_cast %add3A_450 : i32 to index
        %get3A_452 = tpu.vector_load %arg10[%get3A_451] {strides = array<i32>} : memref<8192xf32, #tpu.memory_space<vmem>>, vector<16xf32>,
        %mul3A_453 = arith.mulf %get3A_452, %get3A_37 : vector<16xf32>
        %add3A_454 = arith.constant 384 : i32
        %add3A_455 = arith.addi %add3A_440, %add3A_454 : i32
        %get3A_456 = arith.index_cast %add3A_455 : i32 to index
        %get3A_457 = tpu.vector_load %arg10[%get3A_456] {strides = array<i32>} : memref<8192xf32, #tpu.memory_space<vmem>>, vector<16xf32>,
        %mul3A_458 = arith.mulf %get3A_457, %get3A_39 : vector<16xf32>
        %get3A_459 = arith.index_cast %add3A_440 : i32 to index
        %get3A_460 = tpu.vector_load %arg11[%get3A_459] {strides = array<i32>} : memref<8192xf32, #tpu.memory_space<vmem>>, vector<16xf32>,
        %mul3A_461 = arith.mulf %get3A_460, %get3A_41 : vector<16xf32>
        %add3A_462 = arith.constant 128 : i32
        %add3A_463 = arith.addi %add3A_440, %add3A_462 : i32
        %get3A_464 = arith.index_cast %add3A_463 : i32 to index
        %get3A_465 = tpu.vector_load %arg11[%get3A_464] {strides = array<i32>} : memref<8192xf32, #tpu.memory_space<vmem>>, vector<16xf32>,
        %mul3A_466 = arith.mulf %get3A_465, %get3A_43 : vector<16xf32>
        %add3A_467 = arith.constant 256 : i32
        %add3A_468 = arith.addi %add3A_440, %add3A_467 : i32
        %get3A_469 = arith.index_cast %add3A_468 : i32 to index
        %get3A_470 = tpu.vector_load %arg11[%get3A_469] {strides = array<i32>} : memref<8192xf32, #tpu.memory_space<vmem>>, vector<16xf32>,
        %mul3A_471 = arith.mulf %get3A_470, %get3A_45 : vector<16xf32>
        %add3A_472 = arith.constant 384 : i32
        %add3A_473 = arith.addi %add3A_440, %add3A_472 : i32
        %get3A_474 = arith.index_cast %add3A_473 : i32 to index
        %get3A_475 = tpu.vector_load %arg11[%get3A_474] {strides = array<i32>} : memref<8192xf32, #tpu.memory_space<vmem>>, vector<16xf32>,
        %mul3A_476 = arith.mulf %get3A_475, %get3A_47 : vector<16xf32>
        %add3A_477 = arith.addf %mul3A_443, %mul3A_448 : vector<16xf32>
        %add3A_478 = arith.addf %mul3A_453, %mul3A_458 : vector<16xf32>
        %add3A_479 = arith.addf %add3A_477, %add3A_478 : vector<16xf32>
        %add3A_480 = arith.addf %mul3A_461, %mul3A_466 : vector<16xf32>
        %add3A_481 = arith.addf %mul3A_471, %mul3A_476 : vector<16xf32>
        %add3A_482 = arith.addf %add3A_480, %add3A_481 : vector<16xf32>
        %add3A_483 = arith.addf %add3A_479, %add3A_482 : vector<16xf32>
        %add3A_484 = arith.constant 96 : i32
        %add3A_485 = arith.addi %add3A_145, %add3A_484 : i32
        %swap3A_486 = arith.index_cast %add3A_485 : i32 to index
        %swap3A_487 = tpu.vector_load %arg7[%swap3A_486] {strides = array<i32>} : memref<16384xf32, #tpu.memory_space<vmem>>, vector<16xf32>,
        tpu.vector_store %arg7[%swap3A_486], %add3A_483 {strides = array<i32>} : memref<16384xf32, #tpu.memory_space<vmem>>, vector<16xf32>,
        %add3A_488 = arith.constant 112 : i32
        %add3A_489 = arith.addi %mul3A_140, %add3A_488 : i32
        %get3A_490 = arith.index_cast %add3A_489 : i32 to index
        %get3A_491 = tpu.vector_load %arg10[%get3A_490] {strides = array<i32>} : memref<8192xf32, #tpu.memory_space<vmem>>, vector<16xf32>,
        %mul3A_492 = arith.mulf %get3A_491, %get3A_33 : vector<16xf32>
        %add3A_493 = arith.constant 128 : i32
        %add3A_494 = arith.addi %add3A_489, %add3A_493 : i32
        %get3A_495 = arith.index_cast %add3A_494 : i32 to index
        %get3A_496 = tpu.vector_load %arg10[%get3A_495] {strides = array<i32>} : memref<8192xf32, #tpu.memory_space<vmem>>, vector<16xf32>,
        %mul3A_497 = arith.mulf %get3A_496, %get3A_35 : vector<16xf32>
        %add3A_498 = arith.constant 256 : i32
        %add3A_499 = arith.addi %add3A_489, %add3A_498 : i32
        %get3A_500 = arith.index_cast %add3A_499 : i32 to index
        %get3A_501 = tpu.vector_load %arg10[%get3A_500] {strides = array<i32>} : memref<8192xf32, #tpu.memory_space<vmem>>, vector<16xf32>,
        %mul3A_502 = arith.mulf %get3A_501, %get3A_37 : vector<16xf32>
        %add3A_503 = arith.constant 384 : i32
        %add3A_504 = arith.addi %add3A_489, %add3A_503 : i32
        %get3A_505 = arith.index_cast %add3A_504 : i32 to index
        %get3A_506 = tpu.vector_load %arg10[%get3A_505] {strides = array<i32>} : memref<8192xf32, #tpu.memory_space<vmem>>, vector<16xf32>,
        %mul3A_507 = arith.mulf %get3A_506, %get3A_39 : vector<16xf32>
        %get3A_508 = arith.index_cast %add3A_489 : i32 to index
        %get3A_509 = tpu.vector_load %arg11[%get3A_508] {strides = array<i32>} : memref<8192xf32, #tpu.memory_space<vmem>>, vector<16xf32>,
        %mul3A_510 = arith.mulf %get3A_509, %get3A_41 : vector<16xf32>
        %add3A_511 = arith.constant 128 : i32
        %add3A_512 = arith.addi %add3A_489, %add3A_511 : i32
        %get3A_513 = arith.index_cast %add3A_512 : i32 to index
        %get3A_514 = tpu.vector_load %arg11[%get3A_513] {strides = array<i32>} : memref<8192xf32, #tpu.memory_space<vmem>>, vector<16xf32>,
        %mul3A_515 = arith.mulf %get3A_514, %get3A_43 : vector<16xf32>
        %add3A_516 = arith.constant 256 : i32
        %add3A_517 = arith.addi %add3A_489, %add3A_516 : i32
        %get3A_518 = arith.index_cast %add3A_517 : i32 to index
        %get3A_519 = tpu.vector_load %arg11[%get3A_518] {strides = array<i32>} : memref<8192xf32, #tpu.memory_space<vmem>>, vector<16xf32>,
        %mul3A_520 = arith.mulf %get3A_519, %get3A_45 : vector<16xf32>
        %add3A_521 = arith.constant 384 : i32
        %add3A_522 = arith.addi %add3A_489, %add3A_521 : i32
        %get3A_523 = arith.index_cast %add3A_522 : i32 to index
        %get3A_524 = tpu.vector_load %arg11[%get3A_523] {strides = array<i32>} : memref<8192xf32, #tpu.memory_space<vmem>>, vector<16xf32>,
        %mul3A_525 = arith.mulf %get3A_524, %get3A_47 : vector<16xf32>
        %add3A_526 = arith.addf %mul3A_492, %mul3A_497 : vector<16xf32>
        %add3A_527 = arith.addf %mul3A_502, %mul3A_507 : vector<16xf32>
        %add3A_528 = arith.addf %add3A_526, %add3A_527 : vector<16xf32>
        %add3A_529 = arith.addf %mul3A_510, %mul3A_515 : vector<16xf32>
        %add3A_530 = arith.addf %mul3A_520, %mul3A_525 : vector<16xf32>
        %add3A_531 = arith.addf %add3A_529, %add3A_530 : vector<16xf32>
        %add3A_532 = arith.addf %add3A_528, %add3A_531 : vector<16xf32>
        %add3A_533 = arith.constant 112 : i32
        %add3A_534 = arith.addi %add3A_145, %add3A_533 : i32
        %swap3A_535 = arith.index_cast %add3A_534 : i32 to index
        %swap3A_536 = tpu.vector_load %arg7[%swap3A_535] {strides = array<i32>} : memref<16384xf32, #tpu.memory_space<vmem>>, vector<16xf32>,
        tpu.vector_store %arg7[%swap3A_535], %add3A_532 {strides = array<i32>} : memref<16384xf32, #tpu.memory_space<vmem>>, vector<16xf32>,
      }
      %scan3A_137 = arith.constant 16 : i32
    }
    %scan3A_61 = arith.constant 4 : i32
    %mul3A_62 = arith.constant 262144 : i32
    %mul3A_63 = arith.muli %select_n3A_30, %mul3A_62 : i32
    %add3A_64 = arith.constant 0 : i32
    %add3A_65 = arith.addi %mul3A_63, %add3A_64 : i32
    %mul3A_66 = arith.constant 2 : i32
    %mul3A_67 = arith.muli %mul3A_66, %add3A_65 : i32
    %multiple_of3A = tpu.assume_multiple %mul3A_67, 16384 : i32
    %dma_start3A_68 = tpu.memref_slice %arg5[%multiple_of3A] : memref<2097152xf32, #tpu.memory_space<hbm>> -> memref<16384xf32, #tpu.memory_space<hbm>>
    %dma_start3A_69 = tpu.memref_slice %arg5[%multiple_of3A] : memref<2097152xf32, #tpu.memory_space<hbm>> -> memref<16384xf32, #tpu.memory_space<hbm>>
    tpu.enqueue_dma source(%dma_start3A_69 : memref<16384xf32, #tpu.memory_space<hbm>>) target(%arg13 : memref<16384xf32, #tpu.memory_space<vmem>>) target_semaphore(%arg17 : memref<!tpu.dma_semaphore, #tpu.memory_space<semaphore_mem>>)
    %scan3A_70 = arith.constant 0 : i32
    %scan3A_71 = arith.constant 0 : i32
    %scan3A_72 = arith.constant 16 : i32
    %scan3A_73 = arith.addi %scan3A_71, %scan3A_72 : i32
    %scan3A_74 = arith.constant 1 : i32
    scf.for %scan3A_91 = %scan3A_71 to %scan3A_73 step %scan3A_74  : i32 {
      %mul3A_92 = arith.constant 2 : i32
      %mul3A_93 = arith.muli %mul3A_92, %scan3A_91 : i32
      %add3A_94 = arith.constant 1 : i32
      %add3A_95 = arith.addi %mul3A_93, %add3A_94 : i32
      %mul3A_96 = arith.constant 8192 : i32
      %mul3A_97 = arith.muli %add3A_95, %mul3A_96 : i32
      %add3A_98 = arith.addi %mul3A_63, %mul3A_97 : i32
      %mul3A_99 = arith.constant 2 : i32
      %mul3A_100 = arith.muli %mul3A_99, %add3A_98 : i32
      %multiple_of3A_101 = tpu.assume_multiple %mul3A_100, 16384 : i32
      %dma_start3A_102 = tpu.memref_slice %arg5[%multiple_of3A_101] : memref<2097152xf32, #tpu.memory_space<hbm>> -> memref<16384xf32, #tpu.memory_space<hbm>>
      %dma_start3A_103 = tpu.memref_slice %arg5[%multiple_of3A_101] : memref<2097152xf32, #tpu.memory_space<hbm>> -> memref<16384xf32, #tpu.memory_space<hbm>>
      tpu.enqueue_dma source(%dma_start3A_103 : memref<16384xf32, #tpu.memory_space<hbm>>) target(%arg14 : memref<16384xf32, #tpu.memory_space<vmem>>) target_semaphore(%arg18 : memref<!tpu.dma_semaphore, #tpu.memory_space<semaphore_mem>>)
      %dma_wait3A_104 = arith.constant 0 : i32
      %dma_wait3A_105 = tpu.memref_slice %arg5[%dma_wait3A_104] : memref<2097152xf32, #tpu.memory_space<hbm>> -> memref<16384xf32, #tpu.memory_space<hbm>>
      %dma_wait3A_106 = arith.constant 0 : i32
      %dma_wait3A_107 = tpu.memref_slice %arg5[%dma_wait3A_106] : memref<2097152xf32, #tpu.memory_space<hbm>> -> memref<16384xf32, #tpu.memory_space<hbm>>
      tpu.wait_dma2 semaphore(%arg17 : memref<!tpu.dma_semaphore, #tpu.memory_space<semaphore_mem>>) src(%dma_wait3A_107 : memref<16384xf32, #tpu.memory_space<hbm>>) dst(%arg13 : memref<16384xf32, #tpu.memory_space<vmem>>)
      %ge3A = arith.constant 1 : i32
      %ge3A_108 = arith.cmpi sge, %scan3A_91, %ge3A : i32
      %convert_element_type3A = arith.extui %ge3A_108 : i1 to i32
      %cond3A = arith.constant 0 : i32
      %cond3A_109 = arith.cmpi ne, %convert_element_type3A, %cond3A : i32
      scf.if %cond3A_109 {
        %dma_wait3A_206 = arith.constant 0 : i32
        %dma_wait3A_207 = arith.constant 0 : i32
        %dma_wait3A_208 = arith.constant 0 : i32
        %dma_wait3A_209 = tpu.memref_slice %arg6[%dma_wait3A_206, %dma_wait3A_207, %dma_wait3A_208] : memref<8192x8x128xf32, #tpu.memory_space<hbm>> -> memref<64x1x128xf32, #tpu.memory_space<hbm>>
        %dma_wait3A_210 = arith.constant 0 : i32
        %dma_wait3A_211 = arith.constant 0 : i32
        %dma_wait3A_212 = arith.constant 0 : i32
        %dma_wait3A_213 = tpu.memref_slice %arg6[%dma_wait3A_210, %dma_wait3A_211, %dma_wait3A_212] : memref<8192x8x128xf32, #tpu.memory_space<hbm>> -> memref<64x1x128xf32, #tpu.memory_space<hbm>>
        tpu.wait_dma2 semaphore(%arg19 : memref<!tpu.dma_semaphore, #tpu.memory_space<semaphore_mem>>) src(%arg15 : memref<64x1x128xf32, #tpu.memory_space<vmem>>) dst(%dma_wait3A_213 : memref<64x1x128xf32, #tpu.memory_space<hbm>>)
      } else {
      }
      %scan3A_110 = arith.constant 0 : i32
      %scan3A_111 = arith.constant 0 : i32
      %scan3A_112 = arith.constant 64 : i32
      %scan3A_113 = arith.addi %scan3A_111, %scan3A_112 : i32
      %scan3A_114 = arith.constant 1 : i32
      scf.for %scan3A_206 = %scan3A_111 to %scan3A_113 step %scan3A_114  : i32 {
        %mul3A_207 = arith.constant 256 : i32
        %mul3A_208 = arith.muli %scan3A_206, %mul3A_207 : i32
        %add3A_209 = arith.constant 0 : i32
        %add3A_210 = arith.addi %mul3A_208, %add3A_209 : i32
        %get3A_211 = arith.index_cast %add3A_210 : i32 to index
        %get3A_212 = tpu.vector_load %arg13[%get3A_211] {strides = array<i32>} : memref<16384xf32, #tpu.memory_space<vmem>>, vector<16xf32>,
        %add3A_213 = arith.constant 128 : i32
        %add3A_214 = arith.addi %add3A_210, %add3A_213 : i32
        %get3A_215 = arith.index_cast %add3A_214 : i32 to index
        %get3A_216 = tpu.vector_load %arg13[%get3A_215] {strides = array<i32>} : memref<16384xf32, #tpu.memory_space<vmem>>, vector<16xf32>,
        %mul3A_217 = arith.mulf %get3A_212, %get3A_49 : vector<16xf32>
        %add3A_218 = arith.constant 5.000000e-01 : f32
        %add3A_219 = vector.broadcast %add3A_218 : f32 to vector<16xf32>
        %add3A_220 = arith.addf %mul3A_217, %add3A_219 : vector<16xf32>
        %mul3A_221 = arith.mulf %get3A_216, %get3A_49 : vector<16xf32>
        %add3A_222 = arith.constant 5.000000e-01 : f32
        %add3A_223 = vector.broadcast %add3A_222 : f32 to vector<16xf32>
        %add3A_224 = arith.addf %mul3A_221, %add3A_223 : vector<16xf32>
        %convert_element_type3A_225 = arith.fptosi %add3A_220 : vector<16xf32> to vector<16xi32>
        %convert_element_type3A_226 = arith.fptosi %add3A_224 : vector<16xf32> to vector<16xi32>
        %convert_element_type3A_227 = arith.sitofp %convert_element_type3A_225 : vector<16xi32> to vector<16xf32>
        %sub3A_228 = arith.subf %add3A_220, %convert_element_type3A_227 : vector<16xf32>
        %convert_element_type3A_229 = arith.sitofp %convert_element_type3A_226 : vector<16xi32> to vector<16xf32>
        %sub3A_230 = arith.subf %add3A_224, %convert_element_type3A_229 : vector<16xf32>
        %mul3A_231 = arith.constant -1640531535 : i32
        %mul3A_232 = vector.broadcast %mul3A_231 : i32 to vector<16xi32>
        %mul3A_233 = arith.muli %convert_element_type3A_226, %mul3A_232 : vector<16xi32>
        %add3A_234 = arith.constant -1640531535 : i32
        %add3A_235 = vector.broadcast %add3A_234 : i32 to vector<16xi32>
        %add3A_236 = arith.addi %mul3A_233, %add3A_235 : vector<16xi32>
        %add3A_237 = arith.constant 1 : i32
        %add3A_238 = vector.broadcast %add3A_237 : i32 to vector<16xi32>
        %add3A_239 = arith.addi %convert_element_type3A_225, %add3A_238 : vector<16xi32>
        %xor3A = arith.xori %convert_element_type3A_225, %mul3A_233 : vector<16xi32>
        %and3A_240 = arith.constant 16383 : i32
        %and3A_241 = vector.broadcast %and3A_240 : i32 to vector<16xi32>
        %and3A_242 = arith.andi %xor3A, %and3A_241 : vector<16xi32>
        %xor3A_243 = arith.xori %add3A_239, %mul3A_233 : vector<16xi32>
        %and3A_244 = arith.constant 16383 : i32
        %and3A_245 = vector.broadcast %and3A_244 : i32 to vector<16xi32>
        %and3A_246 = arith.andi %xor3A_243, %and3A_245 : vector<16xi32>
        %xor3A_247 = arith.xori %convert_element_type3A_225, %add3A_236 : vector<16xi32>
        %and3A_248 = arith.constant 16383 : i32
        %and3A_249 = vector.broadcast %and3A_248 : i32 to vector<16xi32>
        %and3A_250 = arith.andi %xor3A_247, %and3A_249 : vector<16xi32>
        %xor3A_251 = arith.xori %add3A_239, %add3A_236 : vector<16xi32>
        %and3A_252 = arith.constant 16383 : i32
        %and3A_253 = vector.broadcast %and3A_252 : i32 to vector<16xi32>
        %and3A_254 = arith.andi %xor3A_251, %and3A_253 : vector<16xi32>
        %gather3A = tpu.vector_load_idx %arg7[%and3A_242] : memref<16384xf32, #tpu.memory_space<vmem>>[vector<16xi32>], vector<16xf32>,
        %gather3A_255 = tpu.vector_load_idx %arg7[%and3A_246] : memref<16384xf32, #tpu.memory_space<vmem>>[vector<16xi32>], vector<16xf32>,
        %gather3A_256 = tpu.vector_load_idx %arg7[%and3A_250] : memref<16384xf32, #tpu.memory_space<vmem>>[vector<16xi32>], vector<16xf32>,
        %gather3A_257 = tpu.vector_load_idx %arg7[%and3A_254] : memref<16384xf32, #tpu.memory_space<vmem>>[vector<16xi32>], vector<16xf32>,
        %add3A_258 = arith.constant 16 : i32
        %add3A_259 = arith.addi %mul3A_208, %add3A_258 : i32
        %get3A_260 = arith.index_cast %add3A_259 : i32 to index
        %get3A_261 = tpu.vector_load %arg13[%get3A_260] {strides = array<i32>} : memref<16384xf32, #tpu.memory_space<vmem>>, vector<16xf32>,
        %add3A_262 = arith.constant 128 : i32
        %add3A_263 = arith.addi %add3A_259, %add3A_262 : i32
        %get3A_264 = arith.index_cast %add3A_263 : i32 to index
        %get3A_265 = tpu.vector_load %arg13[%get3A_264] {strides = array<i32>} : memref<16384xf32, #tpu.memory_space<vmem>>, vector<16xf32>,
        %mul3A_266 = arith.mulf %get3A_261, %get3A_49 : vector<16xf32>
        %add3A_267 = arith.constant 5.000000e-01 : f32
        %add3A_268 = vector.broadcast %add3A_267 : f32 to vector<16xf32>
        %add3A_269 = arith.addf %mul3A_266, %add3A_268 : vector<16xf32>
        %mul3A_270 = arith.mulf %get3A_265, %get3A_49 : vector<16xf32>
        %add3A_271 = arith.constant 5.000000e-01 : f32
        %add3A_272 = vector.broadcast %add3A_271 : f32 to vector<16xf32>
        %add3A_273 = arith.addf %mul3A_270, %add3A_272 : vector<16xf32>
        %convert_element_type3A_274 = arith.fptosi %add3A_269 : vector<16xf32> to vector<16xi32>
        %convert_element_type3A_275 = arith.fptosi %add3A_273 : vector<16xf32> to vector<16xi32>
        %convert_element_type3A_276 = arith.sitofp %convert_element_type3A_274 : vector<16xi32> to vector<16xf32>
        %sub3A_277 = arith.subf %add3A_269, %convert_element_type3A_276 : vector<16xf32>
        %convert_element_type3A_278 = arith.sitofp %convert_element_type3A_275 : vector<16xi32> to vector<16xf32>
        %sub3A_279 = arith.subf %add3A_273, %convert_element_type3A_278 : vector<16xf32>
        %mul3A_280 = arith.constant -1640531535 : i32
        %mul3A_281 = vector.broadcast %mul3A_280 : i32 to vector<16xi32>
        %mul3A_282 = arith.muli %convert_element_type3A_275, %mul3A_281 : vector<16xi32>
        %add3A_283 = arith.constant -1640531535 : i32
        %add3A_284 = vector.broadcast %add3A_283 : i32 to vector<16xi32>
        %add3A_285 = arith.addi %mul3A_282, %add3A_284 : vector<16xi32>
        %add3A_286 = arith.constant 1 : i32
        %add3A_287 = vector.broadcast %add3A_286 : i32 to vector<16xi32>
        %add3A_288 = arith.addi %convert_element_type3A_274, %add3A_287 : vector<16xi32>
        %xor3A_289 = arith.xori %convert_element_type3A_274, %mul3A_282 : vector<16xi32>
        %and3A_290 = arith.constant 16383 : i32
        %and3A_291 = vector.broadcast %and3A_290 : i32 to vector<16xi32>
        %and3A_292 = arith.andi %xor3A_289, %and3A_291 : vector<16xi32>
        %xor3A_293 = arith.xori %add3A_288, %mul3A_282 : vector<16xi32>
        %and3A_294 = arith.constant 16383 : i32
        %and3A_295 = vector.broadcast %and3A_294 : i32 to vector<16xi32>
        %and3A_296 = arith.andi %xor3A_293, %and3A_295 : vector<16xi32>
        %xor3A_297 = arith.xori %convert_element_type3A_274, %add3A_285 : vector<16xi32>
        %and3A_298 = arith.constant 16383 : i32
        %and3A_299 = vector.broadcast %and3A_298 : i32 to vector<16xi32>
        %and3A_300 = arith.andi %xor3A_297, %and3A_299 : vector<16xi32>
        %xor3A_301 = arith.xori %add3A_288, %add3A_285 : vector<16xi32>
        %and3A_302 = arith.constant 16383 : i32
        %and3A_303 = vector.broadcast %and3A_302 : i32 to vector<16xi32>
        %and3A_304 = arith.andi %xor3A_301, %and3A_303 : vector<16xi32>
        %gather3A_305 = tpu.vector_load_idx %arg7[%and3A_292] : memref<16384xf32, #tpu.memory_space<vmem>>[vector<16xi32>], vector<16xf32>,
        %gather3A_306 = tpu.vector_load_idx %arg7[%and3A_296] : memref<16384xf32, #tpu.memory_space<vmem>>[vector<16xi32>], vector<16xf32>,
        %gather3A_307 = tpu.vector_load_idx %arg7[%and3A_300] : memref<16384xf32, #tpu.memory_space<vmem>>[vector<16xi32>], vector<16xf32>,
        %gather3A_308 = tpu.vector_load_idx %arg7[%and3A_304] : memref<16384xf32, #tpu.memory_space<vmem>>[vector<16xi32>], vector<16xf32>,
        %add3A_309 = arith.constant 32 : i32
        %add3A_310 = arith.addi %mul3A_208, %add3A_309 : i32
        %get3A_311 = arith.index_cast %add3A_310 : i32 to index
        %get3A_312 = tpu.vector_load %arg13[%get3A_311] {strides = array<i32>} : memref<16384xf32, #tpu.memory_space<vmem>>, vector<16xf32>,
        %add3A_313 = arith.constant 128 : i32
        %add3A_314 = arith.addi %add3A_310, %add3A_313 : i32
        %get3A_315 = arith.index_cast %add3A_314 : i32 to index
        %get3A_316 = tpu.vector_load %arg13[%get3A_315] {strides = array<i32>} : memref<16384xf32, #tpu.memory_space<vmem>>, vector<16xf32>,
        %mul3A_317 = arith.mulf %get3A_312, %get3A_49 : vector<16xf32>
        %add3A_318 = arith.constant 5.000000e-01 : f32
        %add3A_319 = vector.broadcast %add3A_318 : f32 to vector<16xf32>
        %add3A_320 = arith.addf %mul3A_317, %add3A_319 : vector<16xf32>
        %mul3A_321 = arith.mulf %get3A_316, %get3A_49 : vector<16xf32>
        %add3A_322 = arith.constant 5.000000e-01 : f32
        %add3A_323 = vector.broadcast %add3A_322 : f32 to vector<16xf32>
        %add3A_324 = arith.addf %mul3A_321, %add3A_323 : vector<16xf32>
        %convert_element_type3A_325 = arith.fptosi %add3A_320 : vector<16xf32> to vector<16xi32>
        %convert_element_type3A_326 = arith.fptosi %add3A_324 : vector<16xf32> to vector<16xi32>
        %convert_element_type3A_327 = arith.sitofp %convert_element_type3A_325 : vector<16xi32> to vector<16xf32>
        %sub3A_328 = arith.subf %add3A_320, %convert_element_type3A_327 : vector<16xf32>
        %convert_element_type3A_329 = arith.sitofp %convert_element_type3A_326 : vector<16xi32> to vector<16xf32>
        %sub3A_330 = arith.subf %add3A_324, %convert_element_type3A_329 : vector<16xf32>
        %mul3A_331 = arith.constant -1640531535 : i32
        %mul3A_332 = vector.broadcast %mul3A_331 : i32 to vector<16xi32>
        %mul3A_333 = arith.muli %convert_element_type3A_326, %mul3A_332 : vector<16xi32>
        %add3A_334 = arith.constant -1640531535 : i32
        %add3A_335 = vector.broadcast %add3A_334 : i32 to vector<16xi32>
        %add3A_336 = arith.addi %mul3A_333, %add3A_335 : vector<16xi32>
        %add3A_337 = arith.constant 1 : i32
        %add3A_338 = vector.broadcast %add3A_337 : i32 to vector<16xi32>
        %add3A_339 = arith.addi %convert_element_type3A_325, %add3A_338 : vector<16xi32>
        %xor3A_340 = arith.xori %convert_element_type3A_325, %mul3A_333 : vector<16xi32>
        %and3A_341 = arith.constant 16383 : i32
        %and3A_342 = vector.broadcast %and3A_341 : i32 to vector<16xi32>
        %and3A_343 = arith.andi %xor3A_340, %and3A_342 : vector<16xi32>
        %xor3A_344 = arith.xori %add3A_339, %mul3A_333 : vector<16xi32>
        %and3A_345 = arith.constant 16383 : i32
        %and3A_346 = vector.broadcast %and3A_345 : i32 to vector<16xi32>
        %and3A_347 = arith.andi %xor3A_344, %and3A_346 : vector<16xi32>
        %xor3A_348 = arith.xori %convert_element_type3A_325, %add3A_336 : vector<16xi32>
        %and3A_349 = arith.constant 16383 : i32
        %and3A_350 = vector.broadcast %and3A_349 : i32 to vector<16xi32>
        %and3A_351 = arith.andi %xor3A_348, %and3A_350 : vector<16xi32>
        %xor3A_352 = arith.xori %add3A_339, %add3A_336 : vector<16xi32>
        %and3A_353 = arith.constant 16383 : i32
        %and3A_354 = vector.broadcast %and3A_353 : i32 to vector<16xi32>
        %and3A_355 = arith.andi %xor3A_352, %and3A_354 : vector<16xi32>
        %gather3A_356 = tpu.vector_load_idx %arg7[%and3A_343] : memref<16384xf32, #tpu.memory_space<vmem>>[vector<16xi32>], vector<16xf32>,
        %gather3A_357 = tpu.vector_load_idx %arg7[%and3A_347] : memref<16384xf32, #tpu.memory_space<vmem>>[vector<16xi32>], vector<16xf32>,
        %gather3A_358 = tpu.vector_load_idx %arg7[%and3A_351] : memref<16384xf32, #tpu.memory_space<vmem>>[vector<16xi32>], vector<16xf32>,
        %gather3A_359 = tpu.vector_load_idx %arg7[%and3A_355] : memref<16384xf32, #tpu.memory_space<vmem>>[vector<16xi32>], vector<16xf32>,
        %add3A_360 = arith.constant 48 : i32
        %add3A_361 = arith.addi %mul3A_208, %add3A_360 : i32
        %get3A_362 = arith.index_cast %add3A_361 : i32 to index
        %get3A_363 = tpu.vector_load %arg13[%get3A_362] {strides = array<i32>} : memref<16384xf32, #tpu.memory_space<vmem>>, vector<16xf32>,
        %add3A_364 = arith.constant 128 : i32
        %add3A_365 = arith.addi %add3A_361, %add3A_364 : i32
        %get3A_366 = arith.index_cast %add3A_365 : i32 to index
        %get3A_367 = tpu.vector_load %arg13[%get3A_366] {strides = array<i32>} : memref<16384xf32, #tpu.memory_space<vmem>>, vector<16xf32>,
        %mul3A_368 = arith.mulf %get3A_363, %get3A_49 : vector<16xf32>
        %add3A_369 = arith.constant 5.000000e-01 : f32
        %add3A_370 = vector.broadcast %add3A_369 : f32 to vector<16xf32>
        %add3A_371 = arith.addf %mul3A_368, %add3A_370 : vector<16xf32>
        %mul3A_372 = arith.mulf %get3A_367, %get3A_49 : vector<16xf32>
        %add3A_373 = arith.constant 5.000000e-01 : f32
        %add3A_374 = vector.broadcast %add3A_373 : f32 to vector<16xf32>
        %add3A_375 = arith.addf %mul3A_372, %add3A_374 : vector<16xf32>
        %convert_element_type3A_376 = arith.fptosi %add3A_371 : vector<16xf32> to vector<16xi32>
        %convert_element_type3A_377 = arith.fptosi %add3A_375 : vector<16xf32> to vector<16xi32>
        %convert_element_type3A_378 = arith.sitofp %convert_element_type3A_376 : vector<16xi32> to vector<16xf32>
        %sub3A_379 = arith.subf %add3A_371, %convert_element_type3A_378 : vector<16xf32>
        %convert_element_type3A_380 = arith.sitofp %convert_element_type3A_377 : vector<16xi32> to vector<16xf32>
        %sub3A_381 = arith.subf %add3A_375, %convert_element_type3A_380 : vector<16xf32>
        %mul3A_382 = arith.constant -1640531535 : i32
        %mul3A_383 = vector.broadcast %mul3A_382 : i32 to vector<16xi32>
        %mul3A_384 = arith.muli %convert_element_type3A_377, %mul3A_383 : vector<16xi32>
        %add3A_385 = arith.constant -1640531535 : i32
        %add3A_386 = vector.broadcast %add3A_385 : i32 to vector<16xi32>
        %add3A_387 = arith.addi %mul3A_384, %add3A_386 : vector<16xi32>
        %add3A_388 = arith.constant 1 : i32
        %add3A_389 = vector.broadcast %add3A_388 : i32 to vector<16xi32>
        %add3A_390 = arith.addi %convert_element_type3A_376, %add3A_389 : vector<16xi32>
        %xor3A_391 = arith.xori %convert_element_type3A_376, %mul3A_384 : vector<16xi32>
        %and3A_392 = arith.constant 16383 : i32
        %and3A_393 = vector.broadcast %and3A_392 : i32 to vector<16xi32>
        %and3A_394 = arith.andi %xor3A_391, %and3A_393 : vector<16xi32>
        %xor3A_395 = arith.xori %add3A_390, %mul3A_384 : vector<16xi32>
        %and3A_396 = arith.constant 16383 : i32
        %and3A_397 = vector.broadcast %and3A_396 : i32 to vector<16xi32>
        %and3A_398 = arith.andi %xor3A_395, %and3A_397 : vector<16xi32>
        %xor3A_399 = arith.xori %convert_element_type3A_376, %add3A_387 : vector<16xi32>
        %and3A_400 = arith.constant 16383 : i32
        %and3A_401 = vector.broadcast %and3A_400 : i32 to vector<16xi32>
        %and3A_402 = arith.andi %xor3A_399, %and3A_401 : vector<16xi32>
        %xor3A_403 = arith.xori %add3A_390, %add3A_387 : vector<16xi32>
        %and3A_404 = arith.constant 16383 : i32
        %and3A_405 = vector.broadcast %and3A_404 : i32 to vector<16xi32>
        %and3A_406 = arith.andi %xor3A_403, %and3A_405 : vector<16xi32>
        %gather3A_407 = tpu.vector_load_idx %arg7[%and3A_394] : memref<16384xf32, #tpu.memory_space<vmem>>[vector<16xi32>], vector<16xf32>,
        %gather3A_408 = tpu.vector_load_idx %arg7[%and3A_398] : memref<16384xf32, #tpu.memory_space<vmem>>[vector<16xi32>], vector<16xf32>,
        %gather3A_409 = tpu.vector_load_idx %arg7[%and3A_402] : memref<16384xf32, #tpu.memory_space<vmem>>[vector<16xi32>], vector<16xf32>,
        %gather3A_410 = tpu.vector_load_idx %arg7[%and3A_406] : memref<16384xf32, #tpu.memory_space<vmem>>[vector<16xi32>], vector<16xf32>,
        %add3A_411 = arith.constant 64 : i32
        %add3A_412 = arith.addi %mul3A_208, %add3A_411 : i32
        %get3A_413 = arith.index_cast %add3A_412 : i32 to index
        %get3A_414 = tpu.vector_load %arg13[%get3A_413] {strides = array<i32>} : memref<16384xf32, #tpu.memory_space<vmem>>, vector<16xf32>,
        %add3A_415 = arith.constant 128 : i32
        %add3A_416 = arith.addi %add3A_412, %add3A_415 : i32
        %get3A_417 = arith.index_cast %add3A_416 : i32 to index
        %get3A_418 = tpu.vector_load %arg13[%get3A_417] {strides = array<i32>} : memref<16384xf32, #tpu.memory_space<vmem>>, vector<16xf32>,
        %mul3A_419 = arith.mulf %get3A_414, %get3A_49 : vector<16xf32>
        %add3A_420 = arith.constant 5.000000e-01 : f32
        %add3A_421 = vector.broadcast %add3A_420 : f32 to vector<16xf32>
        %add3A_422 = arith.addf %mul3A_419, %add3A_421 : vector<16xf32>
        %mul3A_423 = arith.mulf %get3A_418, %get3A_49 : vector<16xf32>
        %add3A_424 = arith.constant 5.000000e-01 : f32
        %add3A_425 = vector.broadcast %add3A_424 : f32 to vector<16xf32>
        %add3A_426 = arith.addf %mul3A_423, %add3A_425 : vector<16xf32>
        %convert_element_type3A_427 = arith.fptosi %add3A_422 : vector<16xf32> to vector<16xi32>
        %convert_element_type3A_428 = arith.fptosi %add3A_426 : vector<16xf32> to vector<16xi32>
        %convert_element_type3A_429 = arith.sitofp %convert_element_type3A_427 : vector<16xi32> to vector<16xf32>
        %sub3A_430 = arith.subf %add3A_422, %convert_element_type3A_429 : vector<16xf32>
        %convert_element_type3A_431 = arith.sitofp %convert_element_type3A_428 : vector<16xi32> to vector<16xf32>
        %sub3A_432 = arith.subf %add3A_426, %convert_element_type3A_431 : vector<16xf32>
        %mul3A_433 = arith.constant -1640531535 : i32
        %mul3A_434 = vector.broadcast %mul3A_433 : i32 to vector<16xi32>
        %mul3A_435 = arith.muli %convert_element_type3A_428, %mul3A_434 : vector<16xi32>
        %add3A_436 = arith.constant -1640531535 : i32
        %add3A_437 = vector.broadcast %add3A_436 : i32 to vector<16xi32>
        %add3A_438 = arith.addi %mul3A_435, %add3A_437 : vector<16xi32>
        %add3A_439 = arith.constant 1 : i32
        %add3A_440 = vector.broadcast %add3A_439 : i32 to vector<16xi32>
        %add3A_441 = arith.addi %convert_element_type3A_427, %add3A_440 : vector<16xi32>
        %xor3A_442 = arith.xori %convert_element_type3A_427, %mul3A_435 : vector<16xi32>
        %and3A_443 = arith.constant 16383 : i32
        %and3A_444 = vector.broadcast %and3A_443 : i32 to vector<16xi32>
        %and3A_445 = arith.andi %xor3A_442, %and3A_444 : vector<16xi32>
        %xor3A_446 = arith.xori %add3A_441, %mul3A_435 : vector<16xi32>
        %and3A_447 = arith.constant 16383 : i32
        %and3A_448 = vector.broadcast %and3A_447 : i32 to vector<16xi32>
        %and3A_449 = arith.andi %xor3A_446, %and3A_448 : vector<16xi32>
        %xor3A_450 = arith.xori %convert_element_type3A_427, %add3A_438 : vector<16xi32>
        %and3A_451 = arith.constant 16383 : i32
        %and3A_452 = vector.broadcast %and3A_451 : i32 to vector<16xi32>
        %and3A_453 = arith.andi %xor3A_450, %and3A_452 : vector<16xi32>
        %xor3A_454 = arith.xori %add3A_441, %add3A_438 : vector<16xi32>
        %and3A_455 = arith.constant 16383 : i32
        %and3A_456 = vector.broadcast %and3A_455 : i32 to vector<16xi32>
        %and3A_457 = arith.andi %xor3A_454, %and3A_456 : vector<16xi32>
        %sub3A_458 = arith.subf %gather3A_255, %gather3A : vector<16xf32>
        %mul3A_459 = arith.mulf %sub3A_458, %sub3A_228 : vector<16xf32>
        %add3A_460 = arith.addf %gather3A, %mul3A_459 : vector<16xf32>
        %sub3A_461 = arith.subf %gather3A_257, %gather3A_256 : vector<16xf32>
        %mul3A_462 = arith.mulf %sub3A_461, %sub3A_228 : vector<16xf32>
        %add3A_463 = arith.addf %gather3A_256, %mul3A_462 : vector<16xf32>
        %sub3A_464 = arith.subf %add3A_463, %add3A_460 : vector<16xf32>
        %mul3A_465 = arith.mulf %sub3A_464, %sub3A_230 : vector<16xf32>
        %add3A_466 = arith.addf %add3A_460, %mul3A_465 : vector<16xf32>
        %swap3A = arith.constant 0 : i32
        %swap3A_467 = arith.index_cast %scan3A_206 : i32 to index
        %swap3A_468 = arith.index_cast %swap3A : i32 to index
        %swap3A_469 = arith.constant 0 : index
        %swap3A_470 = tpu.vector_load %arg15[%swap3A_467, %swap3A_468, %swap3A_469] {strides = array<i32>} : memref<64x1x128xf32, #tpu.memory_space<vmem>>, vector<16xf32>,
        tpu.vector_store %arg15[%swap3A_467, %swap3A_468, %swap3A_469], %add3A_466 {strides = array<i32>} : memref<64x1x128xf32, #tpu.memory_space<vmem>>, vector<16xf32>,
        %gather3A_471 = tpu.vector_load_idx %arg7[%and3A_445] : memref<16384xf32, #tpu.memory_space<vmem>>[vector<16xi32>], vector<16xf32>,
        %gather3A_472 = tpu.vector_load_idx %arg7[%and3A_449] : memref<16384xf32, #tpu.memory_space<vmem>>[vector<16xi32>], vector<16xf32>,
        %gather3A_473 = tpu.vector_load_idx %arg7[%and3A_453] : memref<16384xf32, #tpu.memory_space<vmem>>[vector<16xi32>], vector<16xf32>,
        %gather3A_474 = tpu.vector_load_idx %arg7[%and3A_457] : memref<16384xf32, #tpu.memory_space<vmem>>[vector<16xi32>], vector<16xf32>,
        %add3A_475 = arith.constant 80 : i32
        %add3A_476 = arith.addi %mul3A_208, %add3A_475 : i32
        %get3A_477 = arith.index_cast %add3A_476 : i32 to index
        %get3A_478 = tpu.vector_load %arg13[%get3A_477] {strides = array<i32>} : memref<16384xf32, #tpu.memory_space<vmem>>, vector<16xf32>,
        %add3A_479 = arith.constant 128 : i32
        %add3A_480 = arith.addi %add3A_476, %add3A_479 : i32
        %get3A_481 = arith.index_cast %add3A_480 : i32 to index
        %get3A_482 = tpu.vector_load %arg13[%get3A_481] {strides = array<i32>} : memref<16384xf32, #tpu.memory_space<vmem>>, vector<16xf32>,
        %mul3A_483 = arith.mulf %get3A_478, %get3A_49 : vector<16xf32>
        %add3A_484 = arith.constant 5.000000e-01 : f32
        %add3A_485 = vector.broadcast %add3A_484 : f32 to vector<16xf32>
        %add3A_486 = arith.addf %mul3A_483, %add3A_485 : vector<16xf32>
        %mul3A_487 = arith.mulf %get3A_482, %get3A_49 : vector<16xf32>
        %add3A_488 = arith.constant 5.000000e-01 : f32
        %add3A_489 = vector.broadcast %add3A_488 : f32 to vector<16xf32>
        %add3A_490 = arith.addf %mul3A_487, %add3A_489 : vector<16xf32>
        %convert_element_type3A_491 = arith.fptosi %add3A_486 : vector<16xf32> to vector<16xi32>
        %convert_element_type3A_492 = arith.fptosi %add3A_490 : vector<16xf32> to vector<16xi32>
        %convert_element_type3A_493 = arith.sitofp %convert_element_type3A_491 : vector<16xi32> to vector<16xf32>
        %sub3A_494 = arith.subf %add3A_486, %convert_element_type3A_493 : vector<16xf32>
        %convert_element_type3A_495 = arith.sitofp %convert_element_type3A_492 : vector<16xi32> to vector<16xf32>
        %sub3A_496 = arith.subf %add3A_490, %convert_element_type3A_495 : vector<16xf32>
        %mul3A_497 = arith.constant -1640531535 : i32
        %mul3A_498 = vector.broadcast %mul3A_497 : i32 to vector<16xi32>
        %mul3A_499 = arith.muli %convert_element_type3A_492, %mul3A_498 : vector<16xi32>
        %add3A_500 = arith.constant -1640531535 : i32
        %add3A_501 = vector.broadcast %add3A_500 : i32 to vector<16xi32>
        %add3A_502 = arith.addi %mul3A_499, %add3A_501 : vector<16xi32>
        %add3A_503 = arith.constant 1 : i32
        %add3A_504 = vector.broadcast %add3A_503 : i32 to vector<16xi32>
        %add3A_505 = arith.addi %convert_element_type3A_491, %add3A_504 : vector<16xi32>
        %xor3A_506 = arith.xori %convert_element_type3A_491, %mul3A_499 : vector<16xi32>
        %and3A_507 = arith.constant 16383 : i32
        %and3A_508 = vector.broadcast %and3A_507 : i32 to vector<16xi32>
        %and3A_509 = arith.andi %xor3A_506, %and3A_508 : vector<16xi32>
        %xor3A_510 = arith.xori %add3A_505, %mul3A_499 : vector<16xi32>
        %and3A_511 = arith.constant 16383 : i32
        %and3A_512 = vector.broadcast %and3A_511 : i32 to vector<16xi32>
        %and3A_513 = arith.andi %xor3A_510, %and3A_512 : vector<16xi32>
        %xor3A_514 = arith.xori %convert_element_type3A_491, %add3A_502 : vector<16xi32>
        %and3A_515 = arith.constant 16383 : i32
        %and3A_516 = vector.broadcast %and3A_515 : i32 to vector<16xi32>
        %and3A_517 = arith.andi %xor3A_514, %and3A_516 : vector<16xi32>
        %xor3A_518 = arith.xori %add3A_505, %add3A_502 : vector<16xi32>
        %and3A_519 = arith.constant 16383 : i32
        %and3A_520 = vector.broadcast %and3A_519 : i32 to vector<16xi32>
        %and3A_521 = arith.andi %xor3A_518, %and3A_520 : vector<16xi32>
        %sub3A_522 = arith.subf %gather3A_306, %gather3A_305 : vector<16xf32>
        %mul3A_523 = arith.mulf %sub3A_522, %sub3A_277 : vector<16xf32>
        %add3A_524 = arith.addf %gather3A_305, %mul3A_523 : vector<16xf32>
        %sub3A_525 = arith.subf %gather3A_308, %gather3A_307 : vector<16xf32>
        %mul3A_526 = arith.mulf %sub3A_525, %sub3A_277 : vector<16xf32>
        %add3A_527 = arith.addf %gather3A_307, %mul3A_526 : vector<16xf32>
        %sub3A_528 = arith.subf %add3A_527, %add3A_524 : vector<16xf32>
        %mul3A_529 = arith.mulf %sub3A_528, %sub3A_279 : vector<16xf32>
        %add3A_530 = arith.addf %add3A_524, %mul3A_529 : vector<16xf32>
        %swap3A_531 = arith.constant 0 : i32
        %swap3A_532 = arith.index_cast %scan3A_206 : i32 to index
        %swap3A_533 = arith.index_cast %swap3A_531 : i32 to index
        %swap3A_534 = arith.constant 16 : index
        %swap3A_535 = tpu.vector_load %arg15[%swap3A_532, %swap3A_533, %swap3A_534] {strides = array<i32>} : memref<64x1x128xf32, #tpu.memory_space<vmem>>, vector<16xf32>,
        tpu.vector_store %arg15[%swap3A_532, %swap3A_533, %swap3A_534], %add3A_530 {strides = array<i32>} : memref<64x1x128xf32, #tpu.memory_space<vmem>>, vector<16xf32>,
        %gather3A_536 = tpu.vector_load_idx %arg7[%and3A_509] : memref<16384xf32, #tpu.memory_space<vmem>>[vector<16xi32>], vector<16xf32>,
        %gather3A_537 = tpu.vector_load_idx %arg7[%and3A_513] : memref<16384xf32, #tpu.memory_space<vmem>>[vector<16xi32>], vector<16xf32>,
        %gather3A_538 = tpu.vector_load_idx %arg7[%and3A_517] : memref<16384xf32, #tpu.memory_space<vmem>>[vector<16xi32>], vector<16xf32>,
        %gather3A_539 = tpu.vector_load_idx %arg7[%and3A_521] : memref<16384xf32, #tpu.memory_space<vmem>>[vector<16xi32>], vector<16xf32>,
        %add3A_540 = arith.constant 96 : i32
        %add3A_541 = arith.addi %mul3A_208, %add3A_540 : i32
        %get3A_542 = arith.index_cast %add3A_541 : i32 to index
        %get3A_543 = tpu.vector_load %arg13[%get3A_542] {strides = array<i32>} : memref<16384xf32, #tpu.memory_space<vmem>>, vector<16xf32>,
        %add3A_544 = arith.constant 128 : i32
        %add3A_545 = arith.addi %add3A_541, %add3A_544 : i32
        %get3A_546 = arith.index_cast %add3A_545 : i32 to index
        %get3A_547 = tpu.vector_load %arg13[%get3A_546] {strides = array<i32>} : memref<16384xf32, #tpu.memory_space<vmem>>, vector<16xf32>,
        %mul3A_548 = arith.mulf %get3A_543, %get3A_49 : vector<16xf32>
        %add3A_549 = arith.constant 5.000000e-01 : f32
        %add3A_550 = vector.broadcast %add3A_549 : f32 to vector<16xf32>
        %add3A_551 = arith.addf %mul3A_548, %add3A_550 : vector<16xf32>
        %mul3A_552 = arith.mulf %get3A_547, %get3A_49 : vector<16xf32>
        %add3A_553 = arith.constant 5.000000e-01 : f32
        %add3A_554 = vector.broadcast %add3A_553 : f32 to vector<16xf32>
        %add3A_555 = arith.addf %mul3A_552, %add3A_554 : vector<16xf32>
        %convert_element_type3A_556 = arith.fptosi %add3A_551 : vector<16xf32> to vector<16xi32>
        %convert_element_type3A_557 = arith.fptosi %add3A_555 : vector<16xf32> to vector<16xi32>
        %convert_element_type3A_558 = arith.sitofp %convert_element_type3A_556 : vector<16xi32> to vector<16xf32>
        %sub3A_559 = arith.subf %add3A_551, %convert_element_type3A_558 : vector<16xf32>
        %convert_element_type3A_560 = arith.sitofp %convert_element_type3A_557 : vector<16xi32> to vector<16xf32>
        %sub3A_561 = arith.subf %add3A_555, %convert_element_type3A_560 : vector<16xf32>
        %mul3A_562 = arith.constant -1640531535 : i32
        %mul3A_563 = vector.broadcast %mul3A_562 : i32 to vector<16xi32>
        %mul3A_564 = arith.muli %convert_element_type3A_557, %mul3A_563 : vector<16xi32>
        %add3A_565 = arith.constant -1640531535 : i32
        %add3A_566 = vector.broadcast %add3A_565 : i32 to vector<16xi32>
        %add3A_567 = arith.addi %mul3A_564, %add3A_566 : vector<16xi32>
        %add3A_568 = arith.constant 1 : i32
        %add3A_569 = vector.broadcast %add3A_568 : i32 to vector<16xi32>
        %add3A_570 = arith.addi %convert_element_type3A_556, %add3A_569 : vector<16xi32>
        %xor3A_571 = arith.xori %convert_element_type3A_556, %mul3A_564 : vector<16xi32>
        %and3A_572 = arith.constant 16383 : i32
        %and3A_573 = vector.broadcast %and3A_572 : i32 to vector<16xi32>
        %and3A_574 = arith.andi %xor3A_571, %and3A_573 : vector<16xi32>
        %xor3A_575 = arith.xori %add3A_570, %mul3A_564 : vector<16xi32>
        %and3A_576 = arith.constant 16383 : i32
        %and3A_577 = vector.broadcast %and3A_576 : i32 to vector<16xi32>
        %and3A_578 = arith.andi %xor3A_575, %and3A_577 : vector<16xi32>
        %xor3A_579 = arith.xori %convert_element_type3A_556, %add3A_567 : vector<16xi32>
        %and3A_580 = arith.constant 16383 : i32
        %and3A_581 = vector.broadcast %and3A_580 : i32 to vector<16xi32>
        %and3A_582 = arith.andi %xor3A_579, %and3A_581 : vector<16xi32>
        %xor3A_583 = arith.xori %add3A_570, %add3A_567 : vector<16xi32>
        %and3A_584 = arith.constant 16383 : i32
        %and3A_585 = vector.broadcast %and3A_584 : i32 to vector<16xi32>
        %and3A_586 = arith.andi %xor3A_583, %and3A_585 : vector<16xi32>
        %sub3A_587 = arith.subf %gather3A_357, %gather3A_356 : vector<16xf32>
        %mul3A_588 = arith.mulf %sub3A_587, %sub3A_328 : vector<16xf32>
        %add3A_589 = arith.addf %gather3A_356, %mul3A_588 : vector<16xf32>
        %sub3A_590 = arith.subf %gather3A_359, %gather3A_358 : vector<16xf32>
        %mul3A_591 = arith.mulf %sub3A_590, %sub3A_328 : vector<16xf32>
        %add3A_592 = arith.addf %gather3A_358, %mul3A_591 : vector<16xf32>
        %sub3A_593 = arith.subf %add3A_592, %add3A_589 : vector<16xf32>
        %mul3A_594 = arith.mulf %sub3A_593, %sub3A_330 : vector<16xf32>
        %add3A_595 = arith.addf %add3A_589, %mul3A_594 : vector<16xf32>
        %swap3A_596 = arith.constant 0 : i32
        %swap3A_597 = arith.index_cast %scan3A_206 : i32 to index
        %swap3A_598 = arith.index_cast %swap3A_596 : i32 to index
        %swap3A_599 = arith.constant 32 : index
        %swap3A_600 = tpu.vector_load %arg15[%swap3A_597, %swap3A_598, %swap3A_599] {strides = array<i32>} : memref<64x1x128xf32, #tpu.memory_space<vmem>>, vector<16xf32>,
        tpu.vector_store %arg15[%swap3A_597, %swap3A_598, %swap3A_599], %add3A_595 {strides = array<i32>} : memref<64x1x128xf32, #tpu.memory_space<vmem>>, vector<16xf32>,
        %gather3A_601 = tpu.vector_load_idx %arg7[%and3A_574] : memref<16384xf32, #tpu.memory_space<vmem>>[vector<16xi32>], vector<16xf32>,
        %gather3A_602 = tpu.vector_load_idx %arg7[%and3A_578] : memref<16384xf32, #tpu.memory_space<vmem>>[vector<16xi32>], vector<16xf32>,
        %gather3A_603 = tpu.vector_load_idx %arg7[%and3A_582] : memref<16384xf32, #tpu.memory_space<vmem>>[vector<16xi32>], vector<16xf32>,
        %gather3A_604 = tpu.vector_load_idx %arg7[%and3A_586] : memref<16384xf32, #tpu.memory_space<vmem>>[vector<16xi32>], vector<16xf32>,
        %add3A_605 = arith.constant 112 : i32
        %add3A_606 = arith.addi %mul3A_208, %add3A_605 : i32
        %get3A_607 = arith.index_cast %add3A_606 : i32 to index
        %get3A_608 = tpu.vector_load %arg13[%get3A_607] {strides = array<i32>} : memref<16384xf32, #tpu.memory_space<vmem>>, vector<16xf32>,
        %add3A_609 = arith.constant 128 : i32
        %add3A_610 = arith.addi %add3A_606, %add3A_609 : i32
        %get3A_611 = arith.index_cast %add3A_610 : i32 to index
        %get3A_612 = tpu.vector_load %arg13[%get3A_611] {strides = array<i32>} : memref<16384xf32, #tpu.memory_space<vmem>>, vector<16xf32>,
        %mul3A_613 = arith.mulf %get3A_608, %get3A_49 : vector<16xf32>
        %add3A_614 = arith.constant 5.000000e-01 : f32
        %add3A_615 = vector.broadcast %add3A_614 : f32 to vector<16xf32>
        %add3A_616 = arith.addf %mul3A_613, %add3A_615 : vector<16xf32>
        %mul3A_617 = arith.mulf %get3A_612, %get3A_49 : vector<16xf32>
        %add3A_618 = arith.constant 5.000000e-01 : f32
        %add3A_619 = vector.broadcast %add3A_618 : f32 to vector<16xf32>
        %add3A_620 = arith.addf %mul3A_617, %add3A_619 : vector<16xf32>
        %convert_element_type3A_621 = arith.fptosi %add3A_616 : vector<16xf32> to vector<16xi32>
        %convert_element_type3A_622 = arith.fptosi %add3A_620 : vector<16xf32> to vector<16xi32>
        %convert_element_type3A_623 = arith.sitofp %convert_element_type3A_621 : vector<16xi32> to vector<16xf32>
        %sub3A_624 = arith.subf %add3A_616, %convert_element_type3A_623 : vector<16xf32>
        %convert_element_type3A_625 = arith.sitofp %convert_element_type3A_622 : vector<16xi32> to vector<16xf32>
        %sub3A_626 = arith.subf %add3A_620, %convert_element_type3A_625 : vector<16xf32>
        %mul3A_627 = arith.constant -1640531535 : i32
        %mul3A_628 = vector.broadcast %mul3A_627 : i32 to vector<16xi32>
        %mul3A_629 = arith.muli %convert_element_type3A_622, %mul3A_628 : vector<16xi32>
        %add3A_630 = arith.constant -1640531535 : i32
        %add3A_631 = vector.broadcast %add3A_630 : i32 to vector<16xi32>
        %add3A_632 = arith.addi %mul3A_629, %add3A_631 : vector<16xi32>
        %add3A_633 = arith.constant 1 : i32
        %add3A_634 = vector.broadcast %add3A_633 : i32 to vector<16xi32>
        %add3A_635 = arith.addi %convert_element_type3A_621, %add3A_634 : vector<16xi32>
        %xor3A_636 = arith.xori %convert_element_type3A_621, %mul3A_629 : vector<16xi32>
        %and3A_637 = arith.constant 16383 : i32
        %and3A_638 = vector.broadcast %and3A_637 : i32 to vector<16xi32>
        %and3A_639 = arith.andi %xor3A_636, %and3A_638 : vector<16xi32>
        %xor3A_640 = arith.xori %add3A_635, %mul3A_629 : vector<16xi32>
        %and3A_641 = arith.constant 16383 : i32
        %and3A_642 = vector.broadcast %and3A_641 : i32 to vector<16xi32>
        %and3A_643 = arith.andi %xor3A_640, %and3A_642 : vector<16xi32>
        %xor3A_644 = arith.xori %convert_element_type3A_621, %add3A_632 : vector<16xi32>
        %and3A_645 = arith.constant 16383 : i32
        %and3A_646 = vector.broadcast %and3A_645 : i32 to vector<16xi32>
        %and3A_647 = arith.andi %xor3A_644, %and3A_646 : vector<16xi32>
        %xor3A_648 = arith.xori %add3A_635, %add3A_632 : vector<16xi32>
        %and3A_649 = arith.constant 16383 : i32
        %and3A_650 = vector.broadcast %and3A_649 : i32 to vector<16xi32>
        %and3A_651 = arith.andi %xor3A_648, %and3A_650 : vector<16xi32>
        %sub3A_652 = arith.subf %gather3A_408, %gather3A_407 : vector<16xf32>
        %mul3A_653 = arith.mulf %sub3A_652, %sub3A_379 : vector<16xf32>
        %add3A_654 = arith.addf %gather3A_407, %mul3A_653 : vector<16xf32>
        %sub3A_655 = arith.subf %gather3A_410, %gather3A_409 : vector<16xf32>
        %mul3A_656 = arith.mulf %sub3A_655, %sub3A_379 : vector<16xf32>
        %add3A_657 = arith.addf %gather3A_409, %mul3A_656 : vector<16xf32>
        %sub3A_658 = arith.subf %add3A_657, %add3A_654 : vector<16xf32>
        %mul3A_659 = arith.mulf %sub3A_658, %sub3A_381 : vector<16xf32>
        %add3A_660 = arith.addf %add3A_654, %mul3A_659 : vector<16xf32>
        %swap3A_661 = arith.constant 0 : i32
        %swap3A_662 = arith.index_cast %scan3A_206 : i32 to index
        %swap3A_663 = arith.index_cast %swap3A_661 : i32 to index
        %swap3A_664 = arith.constant 48 : index
        %swap3A_665 = tpu.vector_load %arg15[%swap3A_662, %swap3A_663, %swap3A_664] {strides = array<i32>} : memref<64x1x128xf32, #tpu.memory_space<vmem>>, vector<16xf32>,
        tpu.vector_store %arg15[%swap3A_662, %swap3A_663, %swap3A_664], %add3A_660 {strides = array<i32>} : memref<64x1x128xf32, #tpu.memory_space<vmem>>, vector<16xf32>,
        %gather3A_666 = tpu.vector_load_idx %arg7[%and3A_639] : memref<16384xf32, #tpu.memory_space<vmem>>[vector<16xi32>], vector<16xf32>,
        %gather3A_667 = tpu.vector_load_idx %arg7[%and3A_643] : memref<16384xf32, #tpu.memory_space<vmem>>[vector<16xi32>], vector<16xf32>,
        %gather3A_668 = tpu.vector_load_idx %arg7[%and3A_647] : memref<16384xf32, #tpu.memory_space<vmem>>[vector<16xi32>], vector<16xf32>,
        %gather3A_669 = tpu.vector_load_idx %arg7[%and3A_651] : memref<16384xf32, #tpu.memory_space<vmem>>[vector<16xi32>], vector<16xf32>,
        %sub3A_670 = arith.subf %gather3A_472, %gather3A_471 : vector<16xf32>
        %mul3A_671 = arith.mulf %sub3A_670, %sub3A_430 : vector<16xf32>
        %add3A_672 = arith.addf %gather3A_471, %mul3A_671 : vector<16xf32>
        %sub3A_673 = arith.subf %gather3A_474, %gather3A_473 : vector<16xf32>
        %mul3A_674 = arith.mulf %sub3A_673, %sub3A_430 : vector<16xf32>
        %add3A_675 = arith.addf %gather3A_473, %mul3A_674 : vector<16xf32>
        %sub3A_676 = arith.subf %add3A_675, %add3A_672 : vector<16xf32>
        %mul3A_677 = arith.mulf %sub3A_676, %sub3A_432 : vector<16xf32>
        %add3A_678 = arith.addf %add3A_672, %mul3A_677 : vector<16xf32>
        %swap3A_679 = arith.constant 0 : i32
        %swap3A_680 = arith.index_cast %scan3A_206 : i32 to index
        %swap3A_681 = arith.index_cast %swap3A_679 : i32 to index
        %swap3A_682 = arith.constant 64 : index
        %swap3A_683 = tpu.vector_load %arg15[%swap3A_680, %swap3A_681, %swap3A_682] {strides = array<i32>} : memref<64x1x128xf32, #tpu.memory_space<vmem>>, vector<16xf32>,
        tpu.vector_store %arg15[%swap3A_680, %swap3A_681, %swap3A_682], %add3A_678 {strides = array<i32>} : memref<64x1x128xf32, #tpu.memory_space<vmem>>, vector<16xf32>,
        %sub3A_684 = arith.subf %gather3A_537, %gather3A_536 : vector<16xf32>
        %mul3A_685 = arith.mulf %sub3A_684, %sub3A_494 : vector<16xf32>
        %add3A_686 = arith.addf %gather3A_536, %mul3A_685 : vector<16xf32>
        %sub3A_687 = arith.subf %gather3A_539, %gather3A_538 : vector<16xf32>
        %mul3A_688 = arith.mulf %sub3A_687, %sub3A_494 : vector<16xf32>
        %add3A_689 = arith.addf %gather3A_538, %mul3A_688 : vector<16xf32>
        %sub3A_690 = arith.subf %add3A_689, %add3A_686 : vector<16xf32>
        %mul3A_691 = arith.mulf %sub3A_690, %sub3A_496 : vector<16xf32>
        %add3A_692 = arith.addf %add3A_686, %mul3A_691 : vector<16xf32>
        %swap3A_693 = arith.constant 0 : i32
        %swap3A_694 = arith.index_cast %scan3A_206 : i32 to index
        %swap3A_695 = arith.index_cast %swap3A_693 : i32 to index
        %swap3A_696 = arith.constant 80 : index
        %swap3A_697 = tpu.vector_load %arg15[%swap3A_694, %swap3A_695, %swap3A_696] {strides = array<i32>} : memref<64x1x128xf32, #tpu.memory_space<vmem>>, vector<16xf32>,
        tpu.vector_store %arg15[%swap3A_694, %swap3A_695, %swap3A_696], %add3A_692 {strides = array<i32>} : memref<64x1x128xf32, #tpu.memory_space<vmem>>, vector<16xf32>,
        %sub3A_698 = arith.subf %gather3A_602, %gather3A_601 : vector<16xf32>
        %mul3A_699 = arith.mulf %sub3A_698, %sub3A_559 : vector<16xf32>
        %add3A_700 = arith.addf %gather3A_601, %mul3A_699 : vector<16xf32>
        %sub3A_701 = arith.subf %gather3A_604, %gather3A_603 : vector<16xf32>
        %mul3A_702 = arith.mulf %sub3A_701, %sub3A_559 : vector<16xf32>
        %add3A_703 = arith.addf %gather3A_603, %mul3A_702 : vector<16xf32>
        %sub3A_704 = arith.subf %add3A_703, %add3A_700 : vector<16xf32>
        %mul3A_705 = arith.mulf %sub3A_704, %sub3A_561 : vector<16xf32>
        %add3A_706 = arith.addf %add3A_700, %mul3A_705 : vector<16xf32>
        %swap3A_707 = arith.constant 0 : i32
        %swap3A_708 = arith.index_cast %scan3A_206 : i32 to index
        %swap3A_709 = arith.index_cast %swap3A_707 : i32 to index
        %swap3A_710 = arith.constant 96 : index
        %swap3A_711 = tpu.vector_load %arg15[%swap3A_708, %swap3A_709, %swap3A_710] {strides = array<i32>} : memref<64x1x128xf32, #tpu.memory_space<vmem>>, vector<16xf32>,
        tpu.vector_store %arg15[%swap3A_708, %swap3A_709, %swap3A_710], %add3A_706 {strides = array<i32>} : memref<64x1x128xf32, #tpu.memory_space<vmem>>, vector<16xf32>,
        %sub3A_712 = arith.subf %gather3A_667, %gather3A_666 : vector<16xf32>
        %mul3A_713 = arith.mulf %sub3A_712, %sub3A_624 : vector<16xf32>
        %add3A_714 = arith.addf %gather3A_666, %mul3A_713 : vector<16xf32>
        %sub3A_715 = arith.subf %gather3A_669, %gather3A_668 : vector<16xf32>
        %mul3A_716 = arith.mulf %sub3A_715, %sub3A_624 : vector<16xf32>
        %add3A_717 = arith.addf %gather3A_668, %mul3A_716 : vector<16xf32>
        %sub3A_718 = arith.subf %add3A_717, %add3A_714 : vector<16xf32>
        %mul3A_719 = arith.mulf %sub3A_718, %sub3A_626 : vector<16xf32>
        %add3A_720 = arith.addf %add3A_714, %mul3A_719 : vector<16xf32>
        %swap3A_721 = arith.constant 0 : i32
        %swap3A_722 = arith.index_cast %scan3A_206 : i32 to index
        %swap3A_723 = arith.index_cast %swap3A_721 : i32 to index
        %swap3A_724 = arith.constant 112 : index
        %swap3A_725 = tpu.vector_load %arg15[%swap3A_722, %swap3A_723, %swap3A_724] {strides = array<i32>} : memref<64x1x128xf32, #tpu.memory_space<vmem>>, vector<16xf32>,
        tpu.vector_store %arg15[%swap3A_722, %swap3A_723, %swap3A_724], %add3A_720 {strides = array<i32>} : memref<64x1x128xf32, #tpu.memory_space<vmem>>, vector<16xf32>,
      }
      %scan3A_115 = arith.constant 64 : i32
      %mul3A_116 = arith.constant 8192 : i32
      %mul3A_117 = arith.muli %mul3A_93, %mul3A_116 : i32
      %add3A_118 = arith.addi %mul3A_63, %mul3A_117 : i32
      %jit3A_119 = arith.constant 128 : i32
      %div3A_120 = arith.divsi %add3A_118, %jit3A_119 : i32
      %sign3A_121 = arith.constant 0 : i32
      %sign3A_122 = arith.cmpi sgt, %add3A_118, %sign3A_121 : i32
      %sign3A_123 = arith.extui %sign3A_122 : i1 to i32
      %sign3A_124 = arith.constant 0 : i32
      %sign3A_125 = arith.cmpi slt, %add3A_118, %sign3A_124 : i32
      %sign3A_126 = arith.extui %sign3A_125 : i1 to i32
      %sign3A_127 = arith.subi %sign3A_123, %sign3A_126 : i32
      %sign3A_128 = arith.constant 0 : i32
      %sign3A_129 = arith.cmpi sgt, %jit3A_119, %sign3A_128 : i32
      %sign3A_130 = arith.extui %sign3A_129 : i1 to i32
      %sign3A_131 = arith.constant 0 : i32
      %sign3A_132 = arith.cmpi slt, %jit3A_119, %sign3A_131 : i32
      %sign3A_133 = arith.extui %sign3A_132 : i1 to i32
      %sign3A_134 = arith.subi %sign3A_130, %sign3A_133 : i32
      %ne3A_135 = arith.cmpi ne, %sign3A_127, %sign3A_134 : i32
      %rem3A_136 = arith.remsi %add3A_118, %jit3A_119 : i32
      %ne3A_137 = arith.constant 0 : i32
      %ne3A_138 = arith.cmpi ne, %rem3A_136, %ne3A_137 : i32
      %and3A_139 = arith.andi %ne3A_135, %ne3A_138 : i1
      %sub3A_140 = arith.constant 1 : i32
      %sub3A_141 = arith.subi %div3A_120, %sub3A_140 : i32
      %select_n3A_142 = arith.select %and3A_139, %sub3A_141, %div3A_120 : i32
      %multiple_of3A_143 = tpu.assume_multiple %select_n3A_142, 64 : i32
      %dma_start3A_144 = arith.constant 0 : i32
      %dma_start3A_145 = tpu.memref_slice %arg6[%multiple_of3A_143, %select_n3A_9, %dma_start3A_144] : memref<8192x8x128xf32, #tpu.memory_space<hbm>> -> memref<64x1x128xf32, #tpu.memory_space<hbm>>
      %dma_start3A_146 = arith.constant 0 : i32
      %dma_start3A_147 = tpu.memref_slice %arg6[%multiple_of3A_143, %select_n3A_9, %dma_start3A_146] : memref<8192x8x128xf32, #tpu.memory_space<hbm>> -> memref<64x1x128xf32, #tpu.memory_space<hbm>>
      tpu.enqueue_dma source(%arg15 : memref<64x1x128xf32, #tpu.memory_space<vmem>>) target(%dma_start3A_147 : memref<64x1x128xf32, #tpu.memory_space<hbm>>) target_semaphore(%arg19 : memref<!tpu.dma_semaphore, #tpu.memory_space<semaphore_mem>>)
      %add3A_148 = arith.constant 2 : i32
      %add3A_149 = arith.addi %mul3A_93, %add3A_148 : i32
      %lt3A_150 = arith.constant 32 : i32
      %lt3A_151 = arith.cmpi slt, %add3A_149, %lt3A_150 : i32
      %convert_element_type3A_152 = arith.extui %lt3A_151 : i1 to i32
      %cond3A_153 = arith.constant 0 : i32
      %cond3A_154 = arith.cmpi ne, %convert_element_type3A_152, %cond3A_153 : i32
      scf.if %cond3A_154 {
        %add3A_206 = arith.constant 2 : i32
        %add3A_207 = arith.addi %mul3A_93, %add3A_206 : i32
        %mul3A_208 = arith.constant 8192 : i32
        %mul3A_209 = arith.muli %add3A_207, %mul3A_208 : i32
        %add3A_210 = arith.addi %mul3A_63, %mul3A_209 : i32
        %mul3A_211 = arith.constant 2 : i32
        %mul3A_212 = arith.muli %mul3A_211, %add3A_210 : i32
        %multiple_of3A_213 = tpu.assume_multiple %mul3A_212, 16384 : i32
        %dma_start3A_214 = tpu.memref_slice %arg5[%multiple_of3A_213] : memref<2097152xf32, #tpu.memory_space<hbm>> -> memref<16384xf32, #tpu.memory_space<hbm>>
        %dma_start3A_215 = tpu.memref_slice %arg5[%multiple_of3A_213] : memref<2097152xf32, #tpu.memory_space<hbm>> -> memref<16384xf32, #tpu.memory_space<hbm>>
        tpu.enqueue_dma source(%dma_start3A_215 : memref<16384xf32, #tpu.memory_space<hbm>>) target(%arg13 : memref<16384xf32, #tpu.memory_space<vmem>>) target_semaphore(%arg17 : memref<!tpu.dma_semaphore, #tpu.memory_space<semaphore_mem>>)
      } else {
      }
      %dma_wait3A_155 = arith.constant 0 : i32
      %dma_wait3A_156 = tpu.memref_slice %arg5[%dma_wait3A_155] : memref<2097152xf32, #tpu.memory_space<hbm>> -> memref<16384xf32, #tpu.memory_space<hbm>>
      %dma_wait3A_157 = arith.constant 0 : i32
      %dma_wait3A_158 = tpu.memref_slice %arg5[%dma_wait3A_157] : memref<2097152xf32, #tpu.memory_space<hbm>> -> memref<16384xf32, #tpu.memory_space<hbm>>
      tpu.wait_dma2 semaphore(%arg18 : memref<!tpu.dma_semaphore, #tpu.memory_space<semaphore_mem>>) src(%dma_wait3A_158 : memref<16384xf32, #tpu.memory_space<hbm>>) dst(%arg14 : memref<16384xf32, #tpu.memory_space<vmem>>)
      %ge3A_159 = arith.constant 1 : i32
      %ge3A_160 = arith.cmpi sge, %scan3A_91, %ge3A_159 : i32
      %convert_element_type3A_161 = arith.extui %ge3A_160 : i1 to i32
      %cond3A_162 = arith.constant 0 : i32
      %cond3A_163 = arith.cmpi ne, %convert_element_type3A_161, %cond3A_162 : i32
      scf.if %cond3A_163 {
        %dma_wait3A_206 = arith.constant 0 : i32
        %dma_wait3A_207 = arith.constant 0 : i32
        %dma_wait3A_208 = arith.constant 0 : i32
        %dma_wait3A_209 = tpu.memref_slice %arg6[%dma_wait3A_206, %dma_wait3A_207, %dma_wait3A_208] : memref<8192x8x128xf32, #tpu.memory_space<hbm>> -> memref<64x1x128xf32, #tpu.memory_space<hbm>>
        %dma_wait3A_210 = arith.constant 0 : i32
        %dma_wait3A_211 = arith.constant 0 : i32
        %dma_wait3A_212 = arith.constant 0 : i32
        %dma_wait3A_213 = tpu.memref_slice %arg6[%dma_wait3A_210, %dma_wait3A_211, %dma_wait3A_212] : memref<8192x8x128xf32, #tpu.memory_space<hbm>> -> memref<64x1x128xf32, #tpu.memory_space<hbm>>
        tpu.wait_dma2 semaphore(%arg20 : memref<!tpu.dma_semaphore, #tpu.memory_space<semaphore_mem>>) src(%arg16 : memref<64x1x128xf32, #tpu.memory_space<vmem>>) dst(%dma_wait3A_213 : memref<64x1x128xf32, #tpu.memory_space<hbm>>)
      } else {
      }
      %add3A_164 = arith.constant 1 : i32
      %add3A_165 = arith.addi %mul3A_93, %add3A_164 : i32
      %scan3A_166 = arith.constant 0 : i32
      %scan3A_167 = arith.constant 0 : i32
      %scan3A_168 = arith.constant 64 : i32
      %scan3A_169 = arith.addi %scan3A_167, %scan3A_168 : i32
      %scan3A_170 = arith.constant 1 : i32
      scf.for %scan3A_206 = %scan3A_167 to %scan3A_169 step %scan3A_170  : i32 {
        %mul3A_207 = arith.constant 256 : i32
        %mul3A_208 = arith.muli %scan3A_206, %mul3A_207 : i32
        %add3A_209 = arith.constant 0 : i32
        %add3A_210 = arith.addi %mul3A_208, %add3A_209 : i32
        %get3A_211 = arith.index_cast %add3A_210 : i32 to index
        %get3A_212 = tpu.vector_load %arg14[%get3A_211] {strides = array<i32>} : memref<16384xf32, #tpu.memory_space<vmem>>, vector<16xf32>,
        %add3A_213 = arith.constant 128 : i32
        %add3A_214 = arith.addi %add3A_210, %add3A_213 : i32
        %get3A_215 = arith.index_cast %add3A_214 : i32 to index
        %get3A_216 = tpu.vector_load %arg14[%get3A_215] {strides = array<i32>} : memref<16384xf32, #tpu.memory_space<vmem>>, vector<16xf32>,
        %mul3A_217 = arith.mulf %get3A_212, %get3A_49 : vector<16xf32>
        %add3A_218 = arith.constant 5.000000e-01 : f32
        %add3A_219 = vector.broadcast %add3A_218 : f32 to vector<16xf32>
        %add3A_220 = arith.addf %mul3A_217, %add3A_219 : vector<16xf32>
        %mul3A_221 = arith.mulf %get3A_216, %get3A_49 : vector<16xf32>
        %add3A_222 = arith.constant 5.000000e-01 : f32
        %add3A_223 = vector.broadcast %add3A_222 : f32 to vector<16xf32>
        %add3A_224 = arith.addf %mul3A_221, %add3A_223 : vector<16xf32>
        %convert_element_type3A_225 = arith.fptosi %add3A_220 : vector<16xf32> to vector<16xi32>
        %convert_element_type3A_226 = arith.fptosi %add3A_224 : vector<16xf32> to vector<16xi32>
        %convert_element_type3A_227 = arith.sitofp %convert_element_type3A_225 : vector<16xi32> to vector<16xf32>
        %sub3A_228 = arith.subf %add3A_220, %convert_element_type3A_227 : vector<16xf32>
        %convert_element_type3A_229 = arith.sitofp %convert_element_type3A_226 : vector<16xi32> to vector<16xf32>
        %sub3A_230 = arith.subf %add3A_224, %convert_element_type3A_229 : vector<16xf32>
        %mul3A_231 = arith.constant -1640531535 : i32
        %mul3A_232 = vector.broadcast %mul3A_231 : i32 to vector<16xi32>
        %mul3A_233 = arith.muli %convert_element_type3A_226, %mul3A_232 : vector<16xi32>
        %add3A_234 = arith.constant -1640531535 : i32
        %add3A_235 = vector.broadcast %add3A_234 : i32 to vector<16xi32>
        %add3A_236 = arith.addi %mul3A_233, %add3A_235 : vector<16xi32>
        %add3A_237 = arith.constant 1 : i32
        %add3A_238 = vector.broadcast %add3A_237 : i32 to vector<16xi32>
        %add3A_239 = arith.addi %convert_element_type3A_225, %add3A_238 : vector<16xi32>
        %xor3A = arith.xori %convert_element_type3A_225, %mul3A_233 : vector<16xi32>
        %and3A_240 = arith.constant 16383 : i32
        %and3A_241 = vector.broadcast %and3A_240 : i32 to vector<16xi32>
        %and3A_242 = arith.andi %xor3A, %and3A_241 : vector<16xi32>
        %xor3A_243 = arith.xori %add3A_239, %mul3A_233 : vector<16xi32>
        %and3A_244 = arith.constant 16383 : i32
        %and3A_245 = vector.broadcast %and3A_244 : i32 to vector<16xi32>
        %and3A_246 = arith.andi %xor3A_243, %and3A_245 : vector<16xi32>
        %xor3A_247 = arith.xori %convert_element_type3A_225, %add3A_236 : vector<16xi32>
        %and3A_248 = arith.constant 16383 : i32
        %and3A_249 = vector.broadcast %and3A_248 : i32 to vector<16xi32>
        %and3A_250 = arith.andi %xor3A_247, %and3A_249 : vector<16xi32>
        %xor3A_251 = arith.xori %add3A_239, %add3A_236 : vector<16xi32>
        %and3A_252 = arith.constant 16383 : i32
        %and3A_253 = vector.broadcast %and3A_252 : i32 to vector<16xi32>
        %and3A_254 = arith.andi %xor3A_251, %and3A_253 : vector<16xi32>
        %gather3A = tpu.vector_load_idx %arg7[%and3A_242] : memref<16384xf32, #tpu.memory_space<vmem>>[vector<16xi32>], vector<16xf32>,
        %gather3A_255 = tpu.vector_load_idx %arg7[%and3A_246] : memref<16384xf32, #tpu.memory_space<vmem>>[vector<16xi32>], vector<16xf32>,
        %gather3A_256 = tpu.vector_load_idx %arg7[%and3A_250] : memref<16384xf32, #tpu.memory_space<vmem>>[vector<16xi32>], vector<16xf32>,
        %gather3A_257 = tpu.vector_load_idx %arg7[%and3A_254] : memref<16384xf32, #tpu.memory_space<vmem>>[vector<16xi32>], vector<16xf32>,
        %add3A_258 = arith.constant 16 : i32
        %add3A_259 = arith.addi %mul3A_208, %add3A_258 : i32
        %get3A_260 = arith.index_cast %add3A_259 : i32 to index
        %get3A_261 = tpu.vector_load %arg14[%get3A_260] {strides = array<i32>} : memref<16384xf32, #tpu.memory_space<vmem>>, vector<16xf32>,
        %add3A_262 = arith.constant 128 : i32
        %add3A_263 = arith.addi %add3A_259, %add3A_262 : i32
        %get3A_264 = arith.index_cast %add3A_263 : i32 to index
        %get3A_265 = tpu.vector_load %arg14[%get3A_264] {strides = array<i32>} : memref<16384xf32, #tpu.memory_space<vmem>>, vector<16xf32>,
        %mul3A_266 = arith.mulf %get3A_261, %get3A_49 : vector<16xf32>
        %add3A_267 = arith.constant 5.000000e-01 : f32
        %add3A_268 = vector.broadcast %add3A_267 : f32 to vector<16xf32>
        %add3A_269 = arith.addf %mul3A_266, %add3A_268 : vector<16xf32>
        %mul3A_270 = arith.mulf %get3A_265, %get3A_49 : vector<16xf32>
        %add3A_271 = arith.constant 5.000000e-01 : f32
        %add3A_272 = vector.broadcast %add3A_271 : f32 to vector<16xf32>
        %add3A_273 = arith.addf %mul3A_270, %add3A_272 : vector<16xf32>
        %convert_element_type3A_274 = arith.fptosi %add3A_269 : vector<16xf32> to vector<16xi32>
        %convert_element_type3A_275 = arith.fptosi %add3A_273 : vector<16xf32> to vector<16xi32>
        %convert_element_type3A_276 = arith.sitofp %convert_element_type3A_274 : vector<16xi32> to vector<16xf32>
        %sub3A_277 = arith.subf %add3A_269, %convert_element_type3A_276 : vector<16xf32>
        %convert_element_type3A_278 = arith.sitofp %convert_element_type3A_275 : vector<16xi32> to vector<16xf32>
        %sub3A_279 = arith.subf %add3A_273, %convert_element_type3A_278 : vector<16xf32>
        %mul3A_280 = arith.constant -1640531535 : i32
        %mul3A_281 = vector.broadcast %mul3A_280 : i32 to vector<16xi32>
        %mul3A_282 = arith.muli %convert_element_type3A_275, %mul3A_281 : vector<16xi32>
        %add3A_283 = arith.constant -1640531535 : i32
        %add3A_284 = vector.broadcast %add3A_283 : i32 to vector<16xi32>
        %add3A_285 = arith.addi %mul3A_282, %add3A_284 : vector<16xi32>
        %add3A_286 = arith.constant 1 : i32
        %add3A_287 = vector.broadcast %add3A_286 : i32 to vector<16xi32>
        %add3A_288 = arith.addi %convert_element_type3A_274, %add3A_287 : vector<16xi32>
        %xor3A_289 = arith.xori %convert_element_type3A_274, %mul3A_282 : vector<16xi32>
        %and3A_290 = arith.constant 16383 : i32
        %and3A_291 = vector.broadcast %and3A_290 : i32 to vector<16xi32>
        %and3A_292 = arith.andi %xor3A_289, %and3A_291 : vector<16xi32>
        %xor3A_293 = arith.xori %add3A_288, %mul3A_282 : vector<16xi32>
        %and3A_294 = arith.constant 16383 : i32
        %and3A_295 = vector.broadcast %and3A_294 : i32 to vector<16xi32>
        %and3A_296 = arith.andi %xor3A_293, %and3A_295 : vector<16xi32>
        %xor3A_297 = arith.xori %convert_element_type3A_274, %add3A_285 : vector<16xi32>
        %and3A_298 = arith.constant 16383 : i32
        %and3A_299 = vector.broadcast %and3A_298 : i32 to vector<16xi32>
        %and3A_300 = arith.andi %xor3A_297, %and3A_299 : vector<16xi32>
        %xor3A_301 = arith.xori %add3A_288, %add3A_285 : vector<16xi32>
        %and3A_302 = arith.constant 16383 : i32
        %and3A_303 = vector.broadcast %and3A_302 : i32 to vector<16xi32>
        %and3A_304 = arith.andi %xor3A_301, %and3A_303 : vector<16xi32>
        %gather3A_305 = tpu.vector_load_idx %arg7[%and3A_292] : memref<16384xf32, #tpu.memory_space<vmem>>[vector<16xi32>], vector<16xf32>,
        %gather3A_306 = tpu.vector_load_idx %arg7[%and3A_296] : memref<16384xf32, #tpu.memory_space<vmem>>[vector<16xi32>], vector<16xf32>,
        %gather3A_307 = tpu.vector_load_idx %arg7[%and3A_300] : memref<16384xf32, #tpu.memory_space<vmem>>[vector<16xi32>], vector<16xf32>,
        %gather3A_308 = tpu.vector_load_idx %arg7[%and3A_304] : memref<16384xf32, #tpu.memory_space<vmem>>[vector<16xi32>], vector<16xf32>,
        %add3A_309 = arith.constant 32 : i32
        %add3A_310 = arith.addi %mul3A_208, %add3A_309 : i32
        %get3A_311 = arith.index_cast %add3A_310 : i32 to index
        %get3A_312 = tpu.vector_load %arg14[%get3A_311] {strides = array<i32>} : memref<16384xf32, #tpu.memory_space<vmem>>, vector<16xf32>,
        %add3A_313 = arith.constant 128 : i32
        %add3A_314 = arith.addi %add3A_310, %add3A_313 : i32
        %get3A_315 = arith.index_cast %add3A_314 : i32 to index
        %get3A_316 = tpu.vector_load %arg14[%get3A_315] {strides = array<i32>} : memref<16384xf32, #tpu.memory_space<vmem>>, vector<16xf32>,
        %mul3A_317 = arith.mulf %get3A_312, %get3A_49 : vector<16xf32>
        %add3A_318 = arith.constant 5.000000e-01 : f32
        %add3A_319 = vector.broadcast %add3A_318 : f32 to vector<16xf32>
        %add3A_320 = arith.addf %mul3A_317, %add3A_319 : vector<16xf32>
        %mul3A_321 = arith.mulf %get3A_316, %get3A_49 : vector<16xf32>
        %add3A_322 = arith.constant 5.000000e-01 : f32
        %add3A_323 = vector.broadcast %add3A_322 : f32 to vector<16xf32>
        %add3A_324 = arith.addf %mul3A_321, %add3A_323 : vector<16xf32>
        %convert_element_type3A_325 = arith.fptosi %add3A_320 : vector<16xf32> to vector<16xi32>
        %convert_element_type3A_326 = arith.fptosi %add3A_324 : vector<16xf32> to vector<16xi32>
        %convert_element_type3A_327 = arith.sitofp %convert_element_type3A_325 : vector<16xi32> to vector<16xf32>
        %sub3A_328 = arith.subf %add3A_320, %convert_element_type3A_327 : vector<16xf32>
        %convert_element_type3A_329 = arith.sitofp %convert_element_type3A_326 : vector<16xi32> to vector<16xf32>
        %sub3A_330 = arith.subf %add3A_324, %convert_element_type3A_329 : vector<16xf32>
        %mul3A_331 = arith.constant -1640531535 : i32
        %mul3A_332 = vector.broadcast %mul3A_331 : i32 to vector<16xi32>
        %mul3A_333 = arith.muli %convert_element_type3A_326, %mul3A_332 : vector<16xi32>
        %add3A_334 = arith.constant -1640531535 : i32
        %add3A_335 = vector.broadcast %add3A_334 : i32 to vector<16xi32>
        %add3A_336 = arith.addi %mul3A_333, %add3A_335 : vector<16xi32>
        %add3A_337 = arith.constant 1 : i32
        %add3A_338 = vector.broadcast %add3A_337 : i32 to vector<16xi32>
        %add3A_339 = arith.addi %convert_element_type3A_325, %add3A_338 : vector<16xi32>
        %xor3A_340 = arith.xori %convert_element_type3A_325, %mul3A_333 : vector<16xi32>
        %and3A_341 = arith.constant 16383 : i32
        %and3A_342 = vector.broadcast %and3A_341 : i32 to vector<16xi32>
        %and3A_343 = arith.andi %xor3A_340, %and3A_342 : vector<16xi32>
        %xor3A_344 = arith.xori %add3A_339, %mul3A_333 : vector<16xi32>
        %and3A_345 = arith.constant 16383 : i32
        %and3A_346 = vector.broadcast %and3A_345 : i32 to vector<16xi32>
        %and3A_347 = arith.andi %xor3A_344, %and3A_346 : vector<16xi32>
        %xor3A_348 = arith.xori %convert_element_type3A_325, %add3A_336 : vector<16xi32>
        %and3A_349 = arith.constant 16383 : i32
        %and3A_350 = vector.broadcast %and3A_349 : i32 to vector<16xi32>
        %and3A_351 = arith.andi %xor3A_348, %and3A_350 : vector<16xi32>
        %xor3A_352 = arith.xori %add3A_339, %add3A_336 : vector<16xi32>
        %and3A_353 = arith.constant 16383 : i32
        %and3A_354 = vector.broadcast %and3A_353 : i32 to vector<16xi32>
        %and3A_355 = arith.andi %xor3A_352, %and3A_354 : vector<16xi32>
        %gather3A_356 = tpu.vector_load_idx %arg7[%and3A_343] : memref<16384xf32, #tpu.memory_space<vmem>>[vector<16xi32>], vector<16xf32>,
        %gather3A_357 = tpu.vector_load_idx %arg7[%and3A_347] : memref<16384xf32, #tpu.memory_space<vmem>>[vector<16xi32>], vector<16xf32>,
        %gather3A_358 = tpu.vector_load_idx %arg7[%and3A_351] : memref<16384xf32, #tpu.memory_space<vmem>>[vector<16xi32>], vector<16xf32>,
        %gather3A_359 = tpu.vector_load_idx %arg7[%and3A_355] : memref<16384xf32, #tpu.memory_space<vmem>>[vector<16xi32>], vector<16xf32>,
        %add3A_360 = arith.constant 48 : i32
        %add3A_361 = arith.addi %mul3A_208, %add3A_360 : i32
        %get3A_362 = arith.index_cast %add3A_361 : i32 to index
        %get3A_363 = tpu.vector_load %arg14[%get3A_362] {strides = array<i32>} : memref<16384xf32, #tpu.memory_space<vmem>>, vector<16xf32>,
        %add3A_364 = arith.constant 128 : i32
        %add3A_365 = arith.addi %add3A_361, %add3A_364 : i32
        %get3A_366 = arith.index_cast %add3A_365 : i32 to index
        %get3A_367 = tpu.vector_load %arg14[%get3A_366] {strides = array<i32>} : memref<16384xf32, #tpu.memory_space<vmem>>, vector<16xf32>,
        %mul3A_368 = arith.mulf %get3A_363, %get3A_49 : vector<16xf32>
        %add3A_369 = arith.constant 5.000000e-01 : f32
        %add3A_370 = vector.broadcast %add3A_369 : f32 to vector<16xf32>
        %add3A_371 = arith.addf %mul3A_368, %add3A_370 : vector<16xf32>
        %mul3A_372 = arith.mulf %get3A_367, %get3A_49 : vector<16xf32>
        %add3A_373 = arith.constant 5.000000e-01 : f32
        %add3A_374 = vector.broadcast %add3A_373 : f32 to vector<16xf32>
        %add3A_375 = arith.addf %mul3A_372, %add3A_374 : vector<16xf32>
        %convert_element_type3A_376 = arith.fptosi %add3A_371 : vector<16xf32> to vector<16xi32>
        %convert_element_type3A_377 = arith.fptosi %add3A_375 : vector<16xf32> to vector<16xi32>
        %convert_element_type3A_378 = arith.sitofp %convert_element_type3A_376 : vector<16xi32> to vector<16xf32>
        %sub3A_379 = arith.subf %add3A_371, %convert_element_type3A_378 : vector<16xf32>
        %convert_element_type3A_380 = arith.sitofp %convert_element_type3A_377 : vector<16xi32> to vector<16xf32>
        %sub3A_381 = arith.subf %add3A_375, %convert_element_type3A_380 : vector<16xf32>
        %mul3A_382 = arith.constant -1640531535 : i32
        %mul3A_383 = vector.broadcast %mul3A_382 : i32 to vector<16xi32>
        %mul3A_384 = arith.muli %convert_element_type3A_377, %mul3A_383 : vector<16xi32>
        %add3A_385 = arith.constant -1640531535 : i32
        %add3A_386 = vector.broadcast %add3A_385 : i32 to vector<16xi32>
        %add3A_387 = arith.addi %mul3A_384, %add3A_386 : vector<16xi32>
        %add3A_388 = arith.constant 1 : i32
        %add3A_389 = vector.broadcast %add3A_388 : i32 to vector<16xi32>
        %add3A_390 = arith.addi %convert_element_type3A_376, %add3A_389 : vector<16xi32>
        %xor3A_391 = arith.xori %convert_element_type3A_376, %mul3A_384 : vector<16xi32>
        %and3A_392 = arith.constant 16383 : i32
        %and3A_393 = vector.broadcast %and3A_392 : i32 to vector<16xi32>
        %and3A_394 = arith.andi %xor3A_391, %and3A_393 : vector<16xi32>
        %xor3A_395 = arith.xori %add3A_390, %mul3A_384 : vector<16xi32>
        %and3A_396 = arith.constant 16383 : i32
        %and3A_397 = vector.broadcast %and3A_396 : i32 to vector<16xi32>
        %and3A_398 = arith.andi %xor3A_395, %and3A_397 : vector<16xi32>
        %xor3A_399 = arith.xori %convert_element_type3A_376, %add3A_387 : vector<16xi32>
        %and3A_400 = arith.constant 16383 : i32
        %and3A_401 = vector.broadcast %and3A_400 : i32 to vector<16xi32>
        %and3A_402 = arith.andi %xor3A_399, %and3A_401 : vector<16xi32>
        %xor3A_403 = arith.xori %add3A_390, %add3A_387 : vector<16xi32>
        %and3A_404 = arith.constant 16383 : i32
        %and3A_405 = vector.broadcast %and3A_404 : i32 to vector<16xi32>
        %and3A_406 = arith.andi %xor3A_403, %and3A_405 : vector<16xi32>
        %gather3A_407 = tpu.vector_load_idx %arg7[%and3A_394] : memref<16384xf32, #tpu.memory_space<vmem>>[vector<16xi32>], vector<16xf32>,
        %gather3A_408 = tpu.vector_load_idx %arg7[%and3A_398] : memref<16384xf32, #tpu.memory_space<vmem>>[vector<16xi32>], vector<16xf32>,
        %gather3A_409 = tpu.vector_load_idx %arg7[%and3A_402] : memref<16384xf32, #tpu.memory_space<vmem>>[vector<16xi32>], vector<16xf32>,
        %gather3A_410 = tpu.vector_load_idx %arg7[%and3A_406] : memref<16384xf32, #tpu.memory_space<vmem>>[vector<16xi32>], vector<16xf32>,
        %add3A_411 = arith.constant 64 : i32
        %add3A_412 = arith.addi %mul3A_208, %add3A_411 : i32
        %get3A_413 = arith.index_cast %add3A_412 : i32 to index
        %get3A_414 = tpu.vector_load %arg14[%get3A_413] {strides = array<i32>} : memref<16384xf32, #tpu.memory_space<vmem>>, vector<16xf32>,
        %add3A_415 = arith.constant 128 : i32
        %add3A_416 = arith.addi %add3A_412, %add3A_415 : i32
        %get3A_417 = arith.index_cast %add3A_416 : i32 to index
        %get3A_418 = tpu.vector_load %arg14[%get3A_417] {strides = array<i32>} : memref<16384xf32, #tpu.memory_space<vmem>>, vector<16xf32>,
        %mul3A_419 = arith.mulf %get3A_414, %get3A_49 : vector<16xf32>
        %add3A_420 = arith.constant 5.000000e-01 : f32
        %add3A_421 = vector.broadcast %add3A_420 : f32 to vector<16xf32>
        %add3A_422 = arith.addf %mul3A_419, %add3A_421 : vector<16xf32>
        %mul3A_423 = arith.mulf %get3A_418, %get3A_49 : vector<16xf32>
        %add3A_424 = arith.constant 5.000000e-01 : f32
        %add3A_425 = vector.broadcast %add3A_424 : f32 to vector<16xf32>
        %add3A_426 = arith.addf %mul3A_423, %add3A_425 : vector<16xf32>
        %convert_element_type3A_427 = arith.fptosi %add3A_422 : vector<16xf32> to vector<16xi32>
        %convert_element_type3A_428 = arith.fptosi %add3A_426 : vector<16xf32> to vector<16xi32>
        %convert_element_type3A_429 = arith.sitofp %convert_element_type3A_427 : vector<16xi32> to vector<16xf32>
        %sub3A_430 = arith.subf %add3A_422, %convert_element_type3A_429 : vector<16xf32>
        %convert_element_type3A_431 = arith.sitofp %convert_element_type3A_428 : vector<16xi32> to vector<16xf32>
        %sub3A_432 = arith.subf %add3A_426, %convert_element_type3A_431 : vector<16xf32>
        %mul3A_433 = arith.constant -1640531535 : i32
        %mul3A_434 = vector.broadcast %mul3A_433 : i32 to vector<16xi32>
        %mul3A_435 = arith.muli %convert_element_type3A_428, %mul3A_434 : vector<16xi32>
        %add3A_436 = arith.constant -1640531535 : i32
        %add3A_437 = vector.broadcast %add3A_436 : i32 to vector<16xi32>
        %add3A_438 = arith.addi %mul3A_435, %add3A_437 : vector<16xi32>
        %add3A_439 = arith.constant 1 : i32
        %add3A_440 = vector.broadcast %add3A_439 : i32 to vector<16xi32>
        %add3A_441 = arith.addi %convert_element_type3A_427, %add3A_440 : vector<16xi32>
        %xor3A_442 = arith.xori %convert_element_type3A_427, %mul3A_435 : vector<16xi32>
        %and3A_443 = arith.constant 16383 : i32
        %and3A_444 = vector.broadcast %and3A_443 : i32 to vector<16xi32>
        %and3A_445 = arith.andi %xor3A_442, %and3A_444 : vector<16xi32>
        %xor3A_446 = arith.xori %add3A_441, %mul3A_435 : vector<16xi32>
        %and3A_447 = arith.constant 16383 : i32
        %and3A_448 = vector.broadcast %and3A_447 : i32 to vector<16xi32>
        %and3A_449 = arith.andi %xor3A_446, %and3A_448 : vector<16xi32>
        %xor3A_450 = arith.xori %convert_element_type3A_427, %add3A_438 : vector<16xi32>
        %and3A_451 = arith.constant 16383 : i32
        %and3A_452 = vector.broadcast %and3A_451 : i32 to vector<16xi32>
        %and3A_453 = arith.andi %xor3A_450, %and3A_452 : vector<16xi32>
        %xor3A_454 = arith.xori %add3A_441, %add3A_438 : vector<16xi32>
        %and3A_455 = arith.constant 16383 : i32
        %and3A_456 = vector.broadcast %and3A_455 : i32 to vector<16xi32>
        %and3A_457 = arith.andi %xor3A_454, %and3A_456 : vector<16xi32>
        %sub3A_458 = arith.subf %gather3A_255, %gather3A : vector<16xf32>
        %mul3A_459 = arith.mulf %sub3A_458, %sub3A_228 : vector<16xf32>
        %add3A_460 = arith.addf %gather3A, %mul3A_459 : vector<16xf32>
        %sub3A_461 = arith.subf %gather3A_257, %gather3A_256 : vector<16xf32>
        %mul3A_462 = arith.mulf %sub3A_461, %sub3A_228 : vector<16xf32>
        %add3A_463 = arith.addf %gather3A_256, %mul3A_462 : vector<16xf32>
        %sub3A_464 = arith.subf %add3A_463, %add3A_460 : vector<16xf32>
        %mul3A_465 = arith.mulf %sub3A_464, %sub3A_230 : vector<16xf32>
        %add3A_466 = arith.addf %add3A_460, %mul3A_465 : vector<16xf32>
        %swap3A = arith.constant 0 : i32
        %swap3A_467 = arith.index_cast %scan3A_206 : i32 to index
        %swap3A_468 = arith.index_cast %swap3A : i32 to index
        %swap3A_469 = arith.constant 0 : index
        %swap3A_470 = tpu.vector_load %arg16[%swap3A_467, %swap3A_468, %swap3A_469] {strides = array<i32>} : memref<64x1x128xf32, #tpu.memory_space<vmem>>, vector<16xf32>,
        tpu.vector_store %arg16[%swap3A_467, %swap3A_468, %swap3A_469], %add3A_466 {strides = array<i32>} : memref<64x1x128xf32, #tpu.memory_space<vmem>>, vector<16xf32>,
        %gather3A_471 = tpu.vector_load_idx %arg7[%and3A_445] : memref<16384xf32, #tpu.memory_space<vmem>>[vector<16xi32>], vector<16xf32>,
        %gather3A_472 = tpu.vector_load_idx %arg7[%and3A_449] : memref<16384xf32, #tpu.memory_space<vmem>>[vector<16xi32>], vector<16xf32>,
        %gather3A_473 = tpu.vector_load_idx %arg7[%and3A_453] : memref<16384xf32, #tpu.memory_space<vmem>>[vector<16xi32>], vector<16xf32>,
        %gather3A_474 = tpu.vector_load_idx %arg7[%and3A_457] : memref<16384xf32, #tpu.memory_space<vmem>>[vector<16xi32>], vector<16xf32>,
        %add3A_475 = arith.constant 80 : i32
        %add3A_476 = arith.addi %mul3A_208, %add3A_475 : i32
        %get3A_477 = arith.index_cast %add3A_476 : i32 to index
        %get3A_478 = tpu.vector_load %arg14[%get3A_477] {strides = array<i32>} : memref<16384xf32, #tpu.memory_space<vmem>>, vector<16xf32>,
        %add3A_479 = arith.constant 128 : i32
        %add3A_480 = arith.addi %add3A_476, %add3A_479 : i32
        %get3A_481 = arith.index_cast %add3A_480 : i32 to index
        %get3A_482 = tpu.vector_load %arg14[%get3A_481] {strides = array<i32>} : memref<16384xf32, #tpu.memory_space<vmem>>, vector<16xf32>,
        %mul3A_483 = arith.mulf %get3A_478, %get3A_49 : vector<16xf32>
        %add3A_484 = arith.constant 5.000000e-01 : f32
        %add3A_485 = vector.broadcast %add3A_484 : f32 to vector<16xf32>
        %add3A_486 = arith.addf %mul3A_483, %add3A_485 : vector<16xf32>
        %mul3A_487 = arith.mulf %get3A_482, %get3A_49 : vector<16xf32>
        %add3A_488 = arith.constant 5.000000e-01 : f32
        %add3A_489 = vector.broadcast %add3A_488 : f32 to vector<16xf32>
        %add3A_490 = arith.addf %mul3A_487, %add3A_489 : vector<16xf32>
        %convert_element_type3A_491 = arith.fptosi %add3A_486 : vector<16xf32> to vector<16xi32>
        %convert_element_type3A_492 = arith.fptosi %add3A_490 : vector<16xf32> to vector<16xi32>
        %convert_element_type3A_493 = arith.sitofp %convert_element_type3A_491 : vector<16xi32> to vector<16xf32>
        %sub3A_494 = arith.subf %add3A_486, %convert_element_type3A_493 : vector<16xf32>
        %convert_element_type3A_495 = arith.sitofp %convert_element_type3A_492 : vector<16xi32> to vector<16xf32>
        %sub3A_496 = arith.subf %add3A_490, %convert_element_type3A_495 : vector<16xf32>
        %mul3A_497 = arith.constant -1640531535 : i32
        %mul3A_498 = vector.broadcast %mul3A_497 : i32 to vector<16xi32>
        %mul3A_499 = arith.muli %convert_element_type3A_492, %mul3A_498 : vector<16xi32>
        %add3A_500 = arith.constant -1640531535 : i32
        %add3A_501 = vector.broadcast %add3A_500 : i32 to vector<16xi32>
        %add3A_502 = arith.addi %mul3A_499, %add3A_501 : vector<16xi32>
        %add3A_503 = arith.constant 1 : i32
        %add3A_504 = vector.broadcast %add3A_503 : i32 to vector<16xi32>
        %add3A_505 = arith.addi %convert_element_type3A_491, %add3A_504 : vector<16xi32>
        %xor3A_506 = arith.xori %convert_element_type3A_491, %mul3A_499 : vector<16xi32>
        %and3A_507 = arith.constant 16383 : i32
        %and3A_508 = vector.broadcast %and3A_507 : i32 to vector<16xi32>
        %and3A_509 = arith.andi %xor3A_506, %and3A_508 : vector<16xi32>
        %xor3A_510 = arith.xori %add3A_505, %mul3A_499 : vector<16xi32>
        %and3A_511 = arith.constant 16383 : i32
        %and3A_512 = vector.broadcast %and3A_511 : i32 to vector<16xi32>
        %and3A_513 = arith.andi %xor3A_510, %and3A_512 : vector<16xi32>
        %xor3A_514 = arith.xori %convert_element_type3A_491, %add3A_502 : vector<16xi32>
        %and3A_515 = arith.constant 16383 : i32
        %and3A_516 = vector.broadcast %and3A_515 : i32 to vector<16xi32>
        %and3A_517 = arith.andi %xor3A_514, %and3A_516 : vector<16xi32>
        %xor3A_518 = arith.xori %add3A_505, %add3A_502 : vector<16xi32>
        %and3A_519 = arith.constant 16383 : i32
        %and3A_520 = vector.broadcast %and3A_519 : i32 to vector<16xi32>
        %and3A_521 = arith.andi %xor3A_518, %and3A_520 : vector<16xi32>
        %sub3A_522 = arith.subf %gather3A_306, %gather3A_305 : vector<16xf32>
        %mul3A_523 = arith.mulf %sub3A_522, %sub3A_277 : vector<16xf32>
        %add3A_524 = arith.addf %gather3A_305, %mul3A_523 : vector<16xf32>
        %sub3A_525 = arith.subf %gather3A_308, %gather3A_307 : vector<16xf32>
        %mul3A_526 = arith.mulf %sub3A_525, %sub3A_277 : vector<16xf32>
        %add3A_527 = arith.addf %gather3A_307, %mul3A_526 : vector<16xf32>
        %sub3A_528 = arith.subf %add3A_527, %add3A_524 : vector<16xf32>
        %mul3A_529 = arith.mulf %sub3A_528, %sub3A_279 : vector<16xf32>
        %add3A_530 = arith.addf %add3A_524, %mul3A_529 : vector<16xf32>
        %swap3A_531 = arith.constant 0 : i32
        %swap3A_532 = arith.index_cast %scan3A_206 : i32 to index
        %swap3A_533 = arith.index_cast %swap3A_531 : i32 to index
        %swap3A_534 = arith.constant 16 : index
        %swap3A_535 = tpu.vector_load %arg16[%swap3A_532, %swap3A_533, %swap3A_534] {strides = array<i32>} : memref<64x1x128xf32, #tpu.memory_space<vmem>>, vector<16xf32>,
        tpu.vector_store %arg16[%swap3A_532, %swap3A_533, %swap3A_534], %add3A_530 {strides = array<i32>} : memref<64x1x128xf32, #tpu.memory_space<vmem>>, vector<16xf32>,
        %gather3A_536 = tpu.vector_load_idx %arg7[%and3A_509] : memref<16384xf32, #tpu.memory_space<vmem>>[vector<16xi32>], vector<16xf32>,
        %gather3A_537 = tpu.vector_load_idx %arg7[%and3A_513] : memref<16384xf32, #tpu.memory_space<vmem>>[vector<16xi32>], vector<16xf32>,
        %gather3A_538 = tpu.vector_load_idx %arg7[%and3A_517] : memref<16384xf32, #tpu.memory_space<vmem>>[vector<16xi32>], vector<16xf32>,
        %gather3A_539 = tpu.vector_load_idx %arg7[%and3A_521] : memref<16384xf32, #tpu.memory_space<vmem>>[vector<16xi32>], vector<16xf32>,
        %add3A_540 = arith.constant 96 : i32
        %add3A_541 = arith.addi %mul3A_208, %add3A_540 : i32
        %get3A_542 = arith.index_cast %add3A_541 : i32 to index
        %get3A_543 = tpu.vector_load %arg14[%get3A_542] {strides = array<i32>} : memref<16384xf32, #tpu.memory_space<vmem>>, vector<16xf32>,
        %add3A_544 = arith.constant 128 : i32
        %add3A_545 = arith.addi %add3A_541, %add3A_544 : i32
        %get3A_546 = arith.index_cast %add3A_545 : i32 to index
        %get3A_547 = tpu.vector_load %arg14[%get3A_546] {strides = array<i32>} : memref<16384xf32, #tpu.memory_space<vmem>>, vector<16xf32>,
        %mul3A_548 = arith.mulf %get3A_543, %get3A_49 : vector<16xf32>
        %add3A_549 = arith.constant 5.000000e-01 : f32
        %add3A_550 = vector.broadcast %add3A_549 : f32 to vector<16xf32>
        %add3A_551 = arith.addf %mul3A_548, %add3A_550 : vector<16xf32>
        %mul3A_552 = arith.mulf %get3A_547, %get3A_49 : vector<16xf32>
        %add3A_553 = arith.constant 5.000000e-01 : f32
        %add3A_554 = vector.broadcast %add3A_553 : f32 to vector<16xf32>
        %add3A_555 = arith.addf %mul3A_552, %add3A_554 : vector<16xf32>
        %convert_element_type3A_556 = arith.fptosi %add3A_551 : vector<16xf32> to vector<16xi32>
        %convert_element_type3A_557 = arith.fptosi %add3A_555 : vector<16xf32> to vector<16xi32>
        %convert_element_type3A_558 = arith.sitofp %convert_element_type3A_556 : vector<16xi32> to vector<16xf32>
        %sub3A_559 = arith.subf %add3A_551, %convert_element_type3A_558 : vector<16xf32>
        %convert_element_type3A_560 = arith.sitofp %convert_element_type3A_557 : vector<16xi32> to vector<16xf32>
        %sub3A_561 = arith.subf %add3A_555, %convert_element_type3A_560 : vector<16xf32>
        %mul3A_562 = arith.constant -1640531535 : i32
        %mul3A_563 = vector.broadcast %mul3A_562 : i32 to vector<16xi32>
        %mul3A_564 = arith.muli %convert_element_type3A_557, %mul3A_563 : vector<16xi32>
        %add3A_565 = arith.constant -1640531535 : i32
        %add3A_566 = vector.broadcast %add3A_565 : i32 to vector<16xi32>
        %add3A_567 = arith.addi %mul3A_564, %add3A_566 : vector<16xi32>
        %add3A_568 = arith.constant 1 : i32
        %add3A_569 = vector.broadcast %add3A_568 : i32 to vector<16xi32>
        %add3A_570 = arith.addi %convert_element_type3A_556, %add3A_569 : vector<16xi32>
        %xor3A_571 = arith.xori %convert_element_type3A_556, %mul3A_564 : vector<16xi32>
        %and3A_572 = arith.constant 16383 : i32
        %and3A_573 = vector.broadcast %and3A_572 : i32 to vector<16xi32>
        %and3A_574 = arith.andi %xor3A_571, %and3A_573 : vector<16xi32>
        %xor3A_575 = arith.xori %add3A_570, %mul3A_564 : vector<16xi32>
        %and3A_576 = arith.constant 16383 : i32
        %and3A_577 = vector.broadcast %and3A_576 : i32 to vector<16xi32>
        %and3A_578 = arith.andi %xor3A_575, %and3A_577 : vector<16xi32>
        %xor3A_579 = arith.xori %convert_element_type3A_556, %add3A_567 : vector<16xi32>
        %and3A_580 = arith.constant 16383 : i32
        %and3A_581 = vector.broadcast %and3A_580 : i32 to vector<16xi32>
        %and3A_582 = arith.andi %xor3A_579, %and3A_581 : vector<16xi32>
        %xor3A_583 = arith.xori %add3A_570, %add3A_567 : vector<16xi32>
        %and3A_584 = arith.constant 16383 : i32
        %and3A_585 = vector.broadcast %and3A_584 : i32 to vector<16xi32>
        %and3A_586 = arith.andi %xor3A_583, %and3A_585 : vector<16xi32>
        %sub3A_587 = arith.subf %gather3A_357, %gather3A_356 : vector<16xf32>
        %mul3A_588 = arith.mulf %sub3A_587, %sub3A_328 : vector<16xf32>
        %add3A_589 = arith.addf %gather3A_356, %mul3A_588 : vector<16xf32>
        %sub3A_590 = arith.subf %gather3A_359, %gather3A_358 : vector<16xf32>
        %mul3A_591 = arith.mulf %sub3A_590, %sub3A_328 : vector<16xf32>
        %add3A_592 = arith.addf %gather3A_358, %mul3A_591 : vector<16xf32>
        %sub3A_593 = arith.subf %add3A_592, %add3A_589 : vector<16xf32>
        %mul3A_594 = arith.mulf %sub3A_593, %sub3A_330 : vector<16xf32>
        %add3A_595 = arith.addf %add3A_589, %mul3A_594 : vector<16xf32>
        %swap3A_596 = arith.constant 0 : i32
        %swap3A_597 = arith.index_cast %scan3A_206 : i32 to index
        %swap3A_598 = arith.index_cast %swap3A_596 : i32 to index
        %swap3A_599 = arith.constant 32 : index
        %swap3A_600 = tpu.vector_load %arg16[%swap3A_597, %swap3A_598, %swap3A_599] {strides = array<i32>} : memref<64x1x128xf32, #tpu.memory_space<vmem>>, vector<16xf32>,
        tpu.vector_store %arg16[%swap3A_597, %swap3A_598, %swap3A_599], %add3A_595 {strides = array<i32>} : memref<64x1x128xf32, #tpu.memory_space<vmem>>, vector<16xf32>,
        %gather3A_601 = tpu.vector_load_idx %arg7[%and3A_574] : memref<16384xf32, #tpu.memory_space<vmem>>[vector<16xi32>], vector<16xf32>,
        %gather3A_602 = tpu.vector_load_idx %arg7[%and3A_578] : memref<16384xf32, #tpu.memory_space<vmem>>[vector<16xi32>], vector<16xf32>,
        %gather3A_603 = tpu.vector_load_idx %arg7[%and3A_582] : memref<16384xf32, #tpu.memory_space<vmem>>[vector<16xi32>], vector<16xf32>,
        %gather3A_604 = tpu.vector_load_idx %arg7[%and3A_586] : memref<16384xf32, #tpu.memory_space<vmem>>[vector<16xi32>], vector<16xf32>,
        %add3A_605 = arith.constant 112 : i32
        %add3A_606 = arith.addi %mul3A_208, %add3A_605 : i32
        %get3A_607 = arith.index_cast %add3A_606 : i32 to index
        %get3A_608 = tpu.vector_load %arg14[%get3A_607] {strides = array<i32>} : memref<16384xf32, #tpu.memory_space<vmem>>, vector<16xf32>,
        %add3A_609 = arith.constant 128 : i32
        %add3A_610 = arith.addi %add3A_606, %add3A_609 : i32
        %get3A_611 = arith.index_cast %add3A_610 : i32 to index
        %get3A_612 = tpu.vector_load %arg14[%get3A_611] {strides = array<i32>} : memref<16384xf32, #tpu.memory_space<vmem>>, vector<16xf32>,
        %mul3A_613 = arith.mulf %get3A_608, %get3A_49 : vector<16xf32>
        %add3A_614 = arith.constant 5.000000e-01 : f32
        %add3A_615 = vector.broadcast %add3A_614 : f32 to vector<16xf32>
        %add3A_616 = arith.addf %mul3A_613, %add3A_615 : vector<16xf32>
        %mul3A_617 = arith.mulf %get3A_612, %get3A_49 : vector<16xf32>
        %add3A_618 = arith.constant 5.000000e-01 : f32
        %add3A_619 = vector.broadcast %add3A_618 : f32 to vector<16xf32>
        %add3A_620 = arith.addf %mul3A_617, %add3A_619 : vector<16xf32>
        %convert_element_type3A_621 = arith.fptosi %add3A_616 : vector<16xf32> to vector<16xi32>
        %convert_element_type3A_622 = arith.fptosi %add3A_620 : vector<16xf32> to vector<16xi32>
        %convert_element_type3A_623 = arith.sitofp %convert_element_type3A_621 : vector<16xi32> to vector<16xf32>
        %sub3A_624 = arith.subf %add3A_616, %convert_element_type3A_623 : vector<16xf32>
        %convert_element_type3A_625 = arith.sitofp %convert_element_type3A_622 : vector<16xi32> to vector<16xf32>
        %sub3A_626 = arith.subf %add3A_620, %convert_element_type3A_625 : vector<16xf32>
        %mul3A_627 = arith.constant -1640531535 : i32
        %mul3A_628 = vector.broadcast %mul3A_627 : i32 to vector<16xi32>
        %mul3A_629 = arith.muli %convert_element_type3A_622, %mul3A_628 : vector<16xi32>
        %add3A_630 = arith.constant -1640531535 : i32
        %add3A_631 = vector.broadcast %add3A_630 : i32 to vector<16xi32>
        %add3A_632 = arith.addi %mul3A_629, %add3A_631 : vector<16xi32>
        %add3A_633 = arith.constant 1 : i32
        %add3A_634 = vector.broadcast %add3A_633 : i32 to vector<16xi32>
        %add3A_635 = arith.addi %convert_element_type3A_621, %add3A_634 : vector<16xi32>
        %xor3A_636 = arith.xori %convert_element_type3A_621, %mul3A_629 : vector<16xi32>
        %and3A_637 = arith.constant 16383 : i32
        %and3A_638 = vector.broadcast %and3A_637 : i32 to vector<16xi32>
        %and3A_639 = arith.andi %xor3A_636, %and3A_638 : vector<16xi32>
        %xor3A_640 = arith.xori %add3A_635, %mul3A_629 : vector<16xi32>
        %and3A_641 = arith.constant 16383 : i32
        %and3A_642 = vector.broadcast %and3A_641 : i32 to vector<16xi32>
        %and3A_643 = arith.andi %xor3A_640, %and3A_642 : vector<16xi32>
        %xor3A_644 = arith.xori %convert_element_type3A_621, %add3A_632 : vector<16xi32>
        %and3A_645 = arith.constant 16383 : i32
        %and3A_646 = vector.broadcast %and3A_645 : i32 to vector<16xi32>
        %and3A_647 = arith.andi %xor3A_644, %and3A_646 : vector<16xi32>
        %xor3A_648 = arith.xori %add3A_635, %add3A_632 : vector<16xi32>
        %and3A_649 = arith.constant 16383 : i32
        %and3A_650 = vector.broadcast %and3A_649 : i32 to vector<16xi32>
        %and3A_651 = arith.andi %xor3A_648, %and3A_650 : vector<16xi32>
        %sub3A_652 = arith.subf %gather3A_408, %gather3A_407 : vector<16xf32>
        %mul3A_653 = arith.mulf %sub3A_652, %sub3A_379 : vector<16xf32>
        %add3A_654 = arith.addf %gather3A_407, %mul3A_653 : vector<16xf32>
        %sub3A_655 = arith.subf %gather3A_410, %gather3A_409 : vector<16xf32>
        %mul3A_656 = arith.mulf %sub3A_655, %sub3A_379 : vector<16xf32>
        %add3A_657 = arith.addf %gather3A_409, %mul3A_656 : vector<16xf32>
        %sub3A_658 = arith.subf %add3A_657, %add3A_654 : vector<16xf32>
        %mul3A_659 = arith.mulf %sub3A_658, %sub3A_381 : vector<16xf32>
        %add3A_660 = arith.addf %add3A_654, %mul3A_659 : vector<16xf32>
        %swap3A_661 = arith.constant 0 : i32
        %swap3A_662 = arith.index_cast %scan3A_206 : i32 to index
        %swap3A_663 = arith.index_cast %swap3A_661 : i32 to index
        %swap3A_664 = arith.constant 48 : index
        %swap3A_665 = tpu.vector_load %arg16[%swap3A_662, %swap3A_663, %swap3A_664] {strides = array<i32>} : memref<64x1x128xf32, #tpu.memory_space<vmem>>, vector<16xf32>,
        tpu.vector_store %arg16[%swap3A_662, %swap3A_663, %swap3A_664], %add3A_660 {strides = array<i32>} : memref<64x1x128xf32, #tpu.memory_space<vmem>>, vector<16xf32>,
        %gather3A_666 = tpu.vector_load_idx %arg7[%and3A_639] : memref<16384xf32, #tpu.memory_space<vmem>>[vector<16xi32>], vector<16xf32>,
        %gather3A_667 = tpu.vector_load_idx %arg7[%and3A_643] : memref<16384xf32, #tpu.memory_space<vmem>>[vector<16xi32>], vector<16xf32>,
        %gather3A_668 = tpu.vector_load_idx %arg7[%and3A_647] : memref<16384xf32, #tpu.memory_space<vmem>>[vector<16xi32>], vector<16xf32>,
        %gather3A_669 = tpu.vector_load_idx %arg7[%and3A_651] : memref<16384xf32, #tpu.memory_space<vmem>>[vector<16xi32>], vector<16xf32>,
        %sub3A_670 = arith.subf %gather3A_472, %gather3A_471 : vector<16xf32>
        %mul3A_671 = arith.mulf %sub3A_670, %sub3A_430 : vector<16xf32>
        %add3A_672 = arith.addf %gather3A_471, %mul3A_671 : vector<16xf32>
        %sub3A_673 = arith.subf %gather3A_474, %gather3A_473 : vector<16xf32>
        %mul3A_674 = arith.mulf %sub3A_673, %sub3A_430 : vector<16xf32>
        %add3A_675 = arith.addf %gather3A_473, %mul3A_674 : vector<16xf32>
        %sub3A_676 = arith.subf %add3A_675, %add3A_672 : vector<16xf32>
        %mul3A_677 = arith.mulf %sub3A_676, %sub3A_432 : vector<16xf32>
        %add3A_678 = arith.addf %add3A_672, %mul3A_677 : vector<16xf32>
        %swap3A_679 = arith.constant 0 : i32
        %swap3A_680 = arith.index_cast %scan3A_206 : i32 to index
        %swap3A_681 = arith.index_cast %swap3A_679 : i32 to index
        %swap3A_682 = arith.constant 64 : index
        %swap3A_683 = tpu.vector_load %arg16[%swap3A_680, %swap3A_681, %swap3A_682] {strides = array<i32>} : memref<64x1x128xf32, #tpu.memory_space<vmem>>, vector<16xf32>,
        tpu.vector_store %arg16[%swap3A_680, %swap3A_681, %swap3A_682], %add3A_678 {strides = array<i32>} : memref<64x1x128xf32, #tpu.memory_space<vmem>>, vector<16xf32>,
        %sub3A_684 = arith.subf %gather3A_537, %gather3A_536 : vector<16xf32>
        %mul3A_685 = arith.mulf %sub3A_684, %sub3A_494 : vector<16xf32>
        %add3A_686 = arith.addf %gather3A_536, %mul3A_685 : vector<16xf32>
        %sub3A_687 = arith.subf %gather3A_539, %gather3A_538 : vector<16xf32>
        %mul3A_688 = arith.mulf %sub3A_687, %sub3A_494 : vector<16xf32>
        %add3A_689 = arith.addf %gather3A_538, %mul3A_688 : vector<16xf32>
        %sub3A_690 = arith.subf %add3A_689, %add3A_686 : vector<16xf32>
        %mul3A_691 = arith.mulf %sub3A_690, %sub3A_496 : vector<16xf32>
        %add3A_692 = arith.addf %add3A_686, %mul3A_691 : vector<16xf32>
        %swap3A_693 = arith.constant 0 : i32
        %swap3A_694 = arith.index_cast %scan3A_206 : i32 to index
        %swap3A_695 = arith.index_cast %swap3A_693 : i32 to index
        %swap3A_696 = arith.constant 80 : index
        %swap3A_697 = tpu.vector_load %arg16[%swap3A_694, %swap3A_695, %swap3A_696] {strides = array<i32>} : memref<64x1x128xf32, #tpu.memory_space<vmem>>, vector<16xf32>,
        tpu.vector_store %arg16[%swap3A_694, %swap3A_695, %swap3A_696], %add3A_692 {strides = array<i32>} : memref<64x1x128xf32, #tpu.memory_space<vmem>>, vector<16xf32>,
        %sub3A_698 = arith.subf %gather3A_602, %gather3A_601 : vector<16xf32>
        %mul3A_699 = arith.mulf %sub3A_698, %sub3A_559 : vector<16xf32>
        %add3A_700 = arith.addf %gather3A_601, %mul3A_699 : vector<16xf32>
        %sub3A_701 = arith.subf %gather3A_604, %gather3A_603 : vector<16xf32>
        %mul3A_702 = arith.mulf %sub3A_701, %sub3A_559 : vector<16xf32>
        %add3A_703 = arith.addf %gather3A_603, %mul3A_702 : vector<16xf32>
        %sub3A_704 = arith.subf %add3A_703, %add3A_700 : vector<16xf32>
        %mul3A_705 = arith.mulf %sub3A_704, %sub3A_561 : vector<16xf32>
        %add3A_706 = arith.addf %add3A_700, %mul3A_705 : vector<16xf32>
        %swap3A_707 = arith.constant 0 : i32
        %swap3A_708 = arith.index_cast %scan3A_206 : i32 to index
        %swap3A_709 = arith.index_cast %swap3A_707 : i32 to index
        %swap3A_710 = arith.constant 96 : index
        %swap3A_711 = tpu.vector_load %arg16[%swap3A_708, %swap3A_709, %swap3A_710] {strides = array<i32>} : memref<64x1x128xf32, #tpu.memory_space<vmem>>, vector<16xf32>,
        tpu.vector_store %arg16[%swap3A_708, %swap3A_709, %swap3A_710], %add3A_706 {strides = array<i32>} : memref<64x1x128xf32, #tpu.memory_space<vmem>>, vector<16xf32>,
        %sub3A_712 = arith.subf %gather3A_667, %gather3A_666 : vector<16xf32>
        %mul3A_713 = arith.mulf %sub3A_712, %sub3A_624 : vector<16xf32>
        %add3A_714 = arith.addf %gather3A_666, %mul3A_713 : vector<16xf32>
        %sub3A_715 = arith.subf %gather3A_669, %gather3A_668 : vector<16xf32>
        %mul3A_716 = arith.mulf %sub3A_715, %sub3A_624 : vector<16xf32>
        %add3A_717 = arith.addf %gather3A_668, %mul3A_716 : vector<16xf32>
        %sub3A_718 = arith.subf %add3A_717, %add3A_714 : vector<16xf32>
        %mul3A_719 = arith.mulf %sub3A_718, %sub3A_626 : vector<16xf32>
        %add3A_720 = arith.addf %add3A_714, %mul3A_719 : vector<16xf32>
        %swap3A_721 = arith.constant 0 : i32
        %swap3A_722 = arith.index_cast %scan3A_206 : i32 to index
        %swap3A_723 = arith.index_cast %swap3A_721 : i32 to index
        %swap3A_724 = arith.constant 112 : index
        %swap3A_725 = tpu.vector_load %arg16[%swap3A_722, %swap3A_723, %swap3A_724] {strides = array<i32>} : memref<64x1x128xf32, #tpu.memory_space<vmem>>, vector<16xf32>,
        tpu.vector_store %arg16[%swap3A_722, %swap3A_723, %swap3A_724], %add3A_720 {strides = array<i32>} : memref<64x1x128xf32, #tpu.memory_space<vmem>>, vector<16xf32>,
      }
      %scan3A_171 = arith.constant 64 : i32
      %add3A_172 = arith.constant 1 : i32
      %add3A_173 = arith.addi %mul3A_93, %add3A_172 : i32
      %mul3A_174 = arith.constant 8192 : i32
      %mul3A_175 = arith.muli %add3A_173, %mul3A_174 : i32
      %add3A_176 = arith.addi %mul3A_63, %mul3A_175 : i32
      %jit3A_177 = arith.constant 128 : i32
      %div3A_178 = arith.divsi %add3A_176, %jit3A_177 : i32
      %sign3A_179 = arith.constant 0 : i32
      %sign3A_180 = arith.cmpi sgt, %add3A_176, %sign3A_179 : i32
      %sign3A_181 = arith.extui %sign3A_180 : i1 to i32
      %sign3A_182 = arith.constant 0 : i32
      %sign3A_183 = arith.cmpi slt, %add3A_176, %sign3A_182 : i32
      %sign3A_184 = arith.extui %sign3A_183 : i1 to i32
      %sign3A_185 = arith.subi %sign3A_181, %sign3A_184 : i32
      %sign3A_186 = arith.constant 0 : i32
      %sign3A_187 = arith.cmpi sgt, %jit3A_177, %sign3A_186 : i32
      %sign3A_188 = arith.extui %sign3A_187 : i1 to i32
      %sign3A_189 = arith.constant 0 : i32
      %sign3A_190 = arith.cmpi slt, %jit3A_177, %sign3A_189 : i32
      %sign3A_191 = arith.extui %sign3A_190 : i1 to i32
      %sign3A_192 = arith.subi %sign3A_188, %sign3A_191 : i32
      %ne3A_193 = arith.cmpi ne, %sign3A_185, %sign3A_192 : i32
      %rem3A_194 = arith.remsi %add3A_176, %jit3A_177 : i32
      %ne3A_195 = arith.constant 0 : i32
      %ne3A_196 = arith.cmpi ne, %rem3A_194, %ne3A_195 : i32
      %and3A_197 = arith.andi %ne3A_193, %ne3A_196 : i1
      %sub3A_198 = arith.constant 1 : i32
      %sub3A_199 = arith.subi %div3A_178, %sub3A_198 : i32
      %select_n3A_200 = arith.select %and3A_197, %sub3A_199, %div3A_178 : i32
      %multiple_of3A_201 = tpu.assume_multiple %select_n3A_200, 64 : i32
      %dma_start3A_202 = arith.constant 0 : i32
      %dma_start3A_203 = tpu.memref_slice %arg6[%multiple_of3A_201, %select_n3A_9, %dma_start3A_202] : memref<8192x8x128xf32, #tpu.memory_space<hbm>> -> memref<64x1x128xf32, #tpu.memory_space<hbm>>
      %dma_start3A_204 = arith.constant 0 : i32
      %dma_start3A_205 = tpu.memref_slice %arg6[%multiple_of3A_201, %select_n3A_9, %dma_start3A_204] : memref<8192x8x128xf32, #tpu.memory_space<hbm>> -> memref<64x1x128xf32, #tpu.memory_space<hbm>>
      tpu.enqueue_dma source(%arg16 : memref<64x1x128xf32, #tpu.memory_space<vmem>>) target(%dma_start3A_205 : memref<64x1x128xf32, #tpu.memory_space<hbm>>) target_semaphore(%arg20 : memref<!tpu.dma_semaphore, #tpu.memory_space<semaphore_mem>>)
    }
    %scan3A_75 = arith.constant 16 : i32
    %dma_wait3A = arith.constant 0 : i32
    %dma_wait3A_76 = arith.constant 0 : i32
    %dma_wait3A_77 = arith.constant 0 : i32
    %dma_wait3A_78 = tpu.memref_slice %arg6[%dma_wait3A, %dma_wait3A_76, %dma_wait3A_77] : memref<8192x8x128xf32, #tpu.memory_space<hbm>> -> memref<64x1x128xf32, #tpu.memory_space<hbm>>
    %dma_wait3A_79 = arith.constant 0 : i32
    %dma_wait3A_80 = arith.constant 0 : i32
    %dma_wait3A_81 = arith.constant 0 : i32
    %dma_wait3A_82 = tpu.memref_slice %arg6[%dma_wait3A_79, %dma_wait3A_80, %dma_wait3A_81] : memref<8192x8x128xf32, #tpu.memory_space<hbm>> -> memref<64x1x128xf32, #tpu.memory_space<hbm>>
    tpu.wait_dma2 semaphore(%arg19 : memref<!tpu.dma_semaphore, #tpu.memory_space<semaphore_mem>>) src(%arg15 : memref<64x1x128xf32, #tpu.memory_space<vmem>>) dst(%dma_wait3A_82 : memref<64x1x128xf32, #tpu.memory_space<hbm>>)
    %dma_wait3A_83 = arith.constant 0 : i32
    %dma_wait3A_84 = arith.constant 0 : i32
    %dma_wait3A_85 = arith.constant 0 : i32
    %dma_wait3A_86 = tpu.memref_slice %arg6[%dma_wait3A_83, %dma_wait3A_84, %dma_wait3A_85] : memref<8192x8x128xf32, #tpu.memory_space<hbm>> -> memref<64x1x128xf32, #tpu.memory_space<hbm>>
    %dma_wait3A_87 = arith.constant 0 : i32
    %dma_wait3A_88 = arith.constant 0 : i32
    %dma_wait3A_89 = arith.constant 0 : i32
    %dma_wait3A_90 = tpu.memref_slice %arg6[%dma_wait3A_87, %dma_wait3A_88, %dma_wait3A_89] : memref<8192x8x128xf32, #tpu.memory_space<hbm>> -> memref<64x1x128xf32, #tpu.memory_space<hbm>>
    tpu.wait_dma2 semaphore(%arg20 : memref<!tpu.dma_semaphore, #tpu.memory_space<semaphore_mem>>) src(%arg16 : memref<64x1x128xf32, #tpu.memory_space<vmem>>) dst(%dma_wait3A_90 : memref<64x1x128xf32, #tpu.memory_space<hbm>>)
    return
  }
}

</mosaic_0001>

<sc_bundles>
// kernel: kernel.3.cloned.1.call-start
scs
__scs_entry_jumppad:
0x0: {  	(pc) =	sbr.rel $0x88, $3  }
0x1: {  	(tag) =	ssettag $0x0;
	lr =	simm.s32 $0x1  }
0x2: {  	[smem:$0x3F9E] =	sst lr;
	_ =	strace $0xD0000000  }
0x3: {  	_ = 	snop  }
0x4: {  	_ = 	snop  }
0x5: {  	_ = 	snop  }
0x6: {  	_ = 	snop  }
0x7: {  	_ = 	snop  }
__scs_overlays_trampoline_lowered:
0x8: {  	[smem:$0x3FAD] =	sst s0  }
0x9: {  	[smem:$0x3FAE] =	sst s1  }
0xa: {  	[smem:$0x3FAF] =	sst s2  }
0xb: {  	[smem:$0x3FB0] =	sst s3  }
0xc: {  	[smem:$0x3FB1] =	sst s4  }
0xd: {  	[smem:$0x3FB2] =	sst s5  }
0xe: {  	[smem:$0x3FB3] =	sst s6  }
0xf: {  	[smem:$0x3FB4] =	sst s7  }
0x10: {  	[smem:$0x3FB5] =	sst s8  }
0x11: {  	[smem:$0x3FB6] =	sst s9;
	s0 =	simm.s32 @!p0 $0x0  }
0x12: {  	s1 =	sld [smem:$0x3F9C];
	s0 =	simm.s32 @p0 $0x1  }
0x13: {  	[smem:$0x3FB7] =	sst s0;
	s0 =	simm.s32 @!p1 $0x0  }
0x14: {  	s2 =	sld [smem:$0x3F9B];
	s0 =	simm.s32 @p1 $0x1  }
0x15: {  	[smem:$0x3FB8] =	sst s0;
	s0 =	simm.s32 @!p2 $0x0  }
0x16: {  	s3 =	sld [smem:$0x3FDB];
	s0 =	simm.s32 @p2 $0x1  }
0x17: {  	s4 =	simm.s32 $0x1BF5;
	[smem:$0x3FBA] =	sst s0  }
0x18: {  	s0 =	sld [smem:$0x3F9D];
	_ =	swait.ge [sflag:s4], $0x0  }
0x19: {  	s7 =	sld [smem:$0x3F9E]  }
0x1a: {  	s8 =	sadd.s32 $0xFFFFE003, lr  }
0x1b: {  	s9 =	sadd.s32 $0xFFFFFEF7, lr;
	s5 =	simm.s32 $0xFFFFFFFF;
	p2 =	slt.u32 s8, $0xFFFFF086  }
0x1c: {  	p1 =	slt.u32 s9, $0xF7A;
	s5 =	simm.s32 @!p2 $0x0  }
0x1d: {  	s5 =	simm.s32 @p1 $0x1;
	p0 =	seq.s32 s7, s2  }
0x1e: {  	s7 =	smul.u32 @!p0 $0xF7A, s2;
	p2 =	seq.s32 @!p0 s5, $0x0  }
0x1f: {  	s9 =	smul.u32 $0xF7A, s1;
	s8 =	simm.s32 @!p0 $0x1BF5;
	p2 =	por !p2, p0  }
0x20: {  	[sflag:s8] =	ssyncset.s32 @!p0 $0xFFFFF086;
	s6 =	sadd.s32 @!p0 s3, s7;
	s7 =	simm.s32 @!p0 $0x108  }
0x21: {  	s3 =	sadd.s32 s3, s9;
	s6 =	sadd.s32 @!p0 $0x88, s6;
	s7 =	simm.s32 @p2 $0x1082  }
0x22: {  	[simem:s7], [sflag:s8] =	dma.local @!p0 [hbm:s6], $0xF7A  }
0x23: {  	s9 =	sor.u32 $0xD0000000, s2;
	s6 =	simm.s32 $0x108;
	_ =	swait.ge @!p0 [sflag:s8], $0x0  }
0x24: {  	s3 =	sadd.s32 $0x88, s3;
	s6 =	simm.s32 @!p1 $0x1082;
	[sflag:s4] =	ssyncset.s32 $0xFFFFF086  }
0x25: {  	[simem:s6], [sflag:s4] =	dma.local [hbm:s3], $0xF7A  }
0x26: {  	[smem:$0x3F9E] =	sst s1;
	(tag) =	ssettag s2;
	_ =	strace s9  }
0x27: {  	s1 =	sld [smem:$0x3FAE]  }
0x28: {  	s2 =	sld [smem:$0x3FAF]  }
0x29: {  	s4 =	sld [smem:$0x3FB1]  }
0x2a: {  	p0 =	seq.s32 s5, $0x0;
	s5 =	sld [smem:$0x3FB2]  }
0x2b: {  	s6 =	sld [smem:$0x3FB3]  }
0x2c: {  	s7 =	sld [smem:$0x3FB4]  }
0x2d: {  	s3 =	simm.s32 $0x108;
	s8 =	sld [smem:$0x3FB5]  }
0x2e: {  	s3 =	simm.s32 @!p0 $0x1082;
	s9 =	sld [smem:$0x3FB6]  }
0x2f: {  	lr =	sadd.s32 s0, s3;
	s0 =	sld [smem:$0x3FAD]  }
0x30: {  	s3 =	sld [smem:$0x3FB0]  }
0x31: {  	[smem:$0x3FB9] =	sst s10  }
0x32: {  	s10 =	sld [smem:$0x3FB7];
	_ =	sdelay $0x3  }
0x33: {  	p0 =	seq.s32 s10, $0x1;
	s10 =	sld [smem:$0x3FB9];
	_ =	sdelay $0x3  }
0x34: {  	[smem:$0x3FB9] =	sst s10  }
0x35: {  	s10 =	sld [smem:$0x3FB8];
	_ =	sdelay $0x3  }
0x36: {  	p1 =	seq.s32 s10, $0x1;
	s10 =	sld [smem:$0x3FB9];
	_ =	sdelay $0x3  }
0x37: {  	[smem:$0x3FB9] =	sst s10  }
0x38: {  	s10 =	sld [smem:$0x3FBA]  }
0x39: {  	_ = 	snop;
	(pc) =	sbr.ind lr, $3  }
0x3a: {  	_ = 	snop  }
0x3b: {  	_ = 	snop  }
0x3c: {  	p2 =	seq.s32 s10, $0x1;
	s10 =	sld [smem:$0x3FB9]  }
0x3d: {  	_ =	shalt  }
0x3e: {  	_ =	shalt  }
0x3f: {  	_ =	shalt  }
0x40: {  	_ =	shalt  }
0x41: {  	_ =	shalt  }
0x42: {  	_ =	shalt  }
0x43: {  	_ =	shalt  }
0x44: {  	_ =	shalt  }
0x45: {  	_ =	shalt  }
0x46: {  	_ =	shalt  }
0x47: {  	_ =	shalt  }
0x48: {  	_ =	shalt  }
0x49: {  	_ =	shalt  }
0x4a: {  	_ =	shalt  }
0x4b: {  	_ =	shalt  }
0x4c: {  	_ =	shalt  }
0x4d: {  	_ =	shalt  }
0x4e: {  	_ =	shalt  }
0x4f: {  	_ =	shalt  }
0x50: {  	_ =	shalt  }
0x51: {  	_ =	shalt  }
0x52: {  	_ =	shalt  }
0x53: {  	_ =	shalt  }
0x54: {  	_ =	shalt  }
0x55: {  	_ =	shalt  }
0x56: {  	_ =	shalt  }
0x57: {  	_ =	shalt  }
0x58: {  	_ =	shalt  }
0x59: {  	_ =	shalt  }
0x5a: {  	_ =	shalt  }
0x5b: {  	_ =	shalt  }
0x5c: {  	_ =	shalt  }
0x5d: {  	_ =	shalt  }
0x5e: {  	_ =	shalt  }
0x5f: {  	_ =	shalt  }
0x60: {  	_ =	shalt  }
0x61: {  	_ =	shalt  }
0x62: {  	_ =	shalt  }
0x63: {  	_ =	shalt  }
0x64: {  	_ =	shalt  }
0x65: {  	_ =	shalt  }
0x66: {  	_ =	shalt  }
0x67: {  	_ =	shalt  }
0x68: {  	_ =	shalt  }
0x69: {  	_ =	shalt  }
0x6a: {  	_ =	shalt  }
0x6b: {  	_ =	shalt  }
0x6c: {  	_ =	shalt  }
0x6d: {  	_ =	shalt  }
0x6e: {  	_ =	shalt  }
0x6f: {  	_ =	shalt  }
0x70: {  	_ =	shalt  }
0x71: {  	_ =	shalt  }
0x72: {  	_ =	shalt  }
0x73: {  	_ =	shalt  }
0x74: {  	_ =	shalt  }
0x75: {  	_ =	shalt  }
0x76: {  	_ =	shalt  }
0x77: {  	_ =	shalt  }
0x78: {  	_ =	shalt  }
0x79: {  	_ =	shalt  }
0x7a: {  	_ =	shalt  }
0x7b: {  	_ =	shalt  }
0x7c: {  	_ =	shalt  }
0x7d: {  	_ =	shalt  }
0x7e: {  	_ =	shalt  }
0x7f: {  	_ =	shalt  }
0x80: {  	_ =	shalt  }
0x81: {  	_ =	shalt  }
0x82: {  	_ =	shalt  }
0x83: {  	_ =	shalt  }
0x84: {  	_ =	shalt  }
0x85: {  	_ =	shalt  }
0x86: {  	_ =	shalt  }
0x87: {  	_ =	shalt  }
.Lfunc_end0:
.L_simem_size_0:
called_computation_lowered:
.L_overlay_start_0:
0x88: {  	s2 =	sld [smem:$0x3FD9]  }
0x89: {  	s3 =	sld [smem:$0x3FFE];
	_ =	sdelay $0x1  }
0x8a: {  	s1 =	srdreg.scid  }
0x8b: {  	s0 =	sand.u32 $0x1, s1  }
0x8c: {  	s17 =	sshll.u32 s0, $0xA;
	s2 =	sadd.s32 s3, s2  }
0x8d: {  	s2 =	sadd.s32 s2, s17  }
0x8e: {  	[smem:$0x3FC5] =	sst s2  }
0x8f: {  	_ = 	snop  }
0x90: {  	s2 =	sld [smem:$0x3FC9]  }
0x91: {  	s18 =	sld [smem:$0x3FD0];
	(tm) =	ssettm $0x1  }
0x92: {  	s4 =	sld [smem:$0x3FFB];
	_ =	sdelay $0x3  }
0x93: {  	_ =	strace s4  }
0x94: {  	s4 =	sld [smem:$0x3FFC];
	_ =	sdelay $0x3  }
0x95: {  	_ =	strace s4  }
0x96: {  	s4 =	sld [smem:$0x3FFD];
	_ =	sdelay $0x3  }
0x97: {  	_ =	strace s4  }
0x98: {  	_ =	strace $0x8FFFFFFF  }
0x99: {  	s19 =	sld [smem:$0x3FDB];
	_ =	sdelay $0x1  }
0x9a: {  	s5 =	simm.s32 $_scs_section_size  }
0x9b: {  	s6 =	simm.s32 $_size__tile_overlayer_lowered;
	s7 =	simm.s32 $_tile_overlayer_lowered  }
0x9c: {  	s22 =	simm.s32 $0x1BFF;
	s21 =	sshll.u32 s7, $0x1;
	s4 =	sadd.s32 s5, s19  }
0x9d: {  	s8 =	simm.s32 $0x0;
	s20 =	sshll.u32 s6, $0x1;
	s6 =	sadd.s32 s21, s4  }
0x9e: {  	[timem:s8], [sflag:s22] =	dma.local [hbm:s6], s20  }
0x9f: {  	_ =	swait.ge [sflag:s22], s20  }
0xa0: {  	s5 =	ssub.s32 $0x0, s20;
	[sflag:s22] =	ssyncset.done $0x0  }
0xa1: {  	[sflag:s22] =	ssyncadd.s32 s5;
	_ =	sdelay $0x1  }
0xa2: {  	s23 =	simm.s32 $0x1B8B  }
0xa3: {  	_ =	swait.ge [sflag:s23], $0x1  }
0xa4: {  	[sflag:s23] =	ssyncset.done $0x0  }
0xa5: {  	s25 =	simm.s32 $0x1B8E;
	s24 =	sld [smem:$0x3FFE];
	[sflag:s23] =	ssyncadd.s32 $0xFFFFFFFF  }
0xa6: {  	s26 =	simm.s32 $execute0_lowered;
	[smem:$0x3FD2] =	sst s25  }
0xa7: {  	s6 =	sshll.u32 s26, $0x1;
	_ =	strace $0x80000046;
	[dreg:$0x1] =	wrdreg $0xFFFFFFFF  }
0xa8: {  	s28 =	simm.s32 $_size_execute0_lowered;
	s4 =	sadd.s32 s4, s6;
	[dreg:$0x0] =	wrdreg $0x0  }
0xa9: {  	s6 =	sshll.u32 s28, $0x1;
	[dreg:$0x2] =	wrdreg s4  }
0xaa: {  	[dreg:$0x3] =	wrdreg s6  }
0xab: {  	[dreg:$0x4] =	wrdreg $0xC0  }
0xac: {  	_ =	task [dreg:s8], $0x5FFFF  }
0xad: {  	[dreg:$0x1] =	wrdreg $0xFFFFFFFF  }
0xae: {  	[dreg:$0x0] =	wrdreg $0x60  }
0xaf: {  	[dreg:$0x2] =	wrdreg s24  }
0xb0: {  	[dreg:$0x3] =	wrdreg s2  }
0xb1: {  	[dreg:$0x4] =	wrdreg s18  }
0xb2: {  	[dreg:$0x5] =	wrdreg $0x9  }
0xb3: {  	_ =	task.clear_ibuf [dreg:s8], $0x6FFFF;
	_ =	strace $0x90000046  }
0xb4: {  	s29 =	simm.s32 $0x9;
	_ =	strace $0x80000048  }
0xb5: {  	_ =	swait.ge [sflag:s29], $0x1  }
0xb6: {  	[sflag:s29] =	ssyncadd.s32 $0xFFFFFFFF  }
0xb7: {  	_ =	strace $0x90000048  }
0xb8: {  	_ =	sfence  }
0xb9: {  	s30 =	sld [smem:$0x0];
	_ =	sdelay $0x2  }
0xba: {  	s31 =	sshll.u32 s1, $0xD;
	s1 =	sshrl.u32 s1, $0x2  }
0xbb: {  	s3 =	sand.u32 $0x4000, s31;
	s1 =	sadd.s32 s1, s30  }
0xbc: {  	s0 =	sor.u32 s3, s0;
	s1 =	sshll.u32 s1, $0x11  }
0xbd: {  	s0 =	sor.u32 s1, s0  }
0xbe: {  	s0 =	sadd.s32 $0x8F2B, s0  }
0xbf: {  	[sflag:s0] =	ssyncadd.remote.s32 $0x1  }
0xc0: {  	_ =	sfence.sel $0xFFFF  }
0xc1: {  	[dreg:$0x0] =	wrdreg $0xFFFFFFFF;
	(pc) =	sbr.abs _section_cstart, $3  }
0xc2: {  	[dreg:$0x1] =	wrdreg $0xFFFFFFFF  }
0xc3: {  	_ =	task.clear_ibuf [dreg:s8], $0x2FFFF;
	_ =	strace $0x9FFFFFFF  }
0xc4: {  	(tm) =	ssettm $0x7FFFFFFF  }
0xc5: {  	_ =	shalt  }
tec
execute0_lowered:
.L_overlay_start_1:
0x0: {  	(tag) =	ssettag $0x1  }
0x1: {  	s0 =	rddreg [dreg:$0x0]  }
0x2: {  	s2 =	rddreg [dreg:$0x1]  }
0x3: {  	s1 =	srdreg.scid;
	s9 =	stileid.u32  }
0x4: {  	s6 =	rddreg [dreg:$0x2];
	s3 =	simm.s32 $0x0;
	s18 =	simm.s32 $0x5  }
0x5: {  	s28 =	simm.s32 $0x80;
	s29 =	simm.s32 $0x400;
	s30 =	simm.s32 $0x140A0  }
0x6: {  	s31 =	simm.s32 $0x4;
	s17 =	simm.s32 $0x0;
	s1 =	sand.u32 $0x1, s1  }
0x7: {  	s4 =	sshll.u32 s9, $0x1;
	[smem:$0x7FF] =	sst s3;
	s5 =	sadd.s32 $0xC00, s0  }
0x8: {  	s9 =	sshrl.u32 s9, $0x2;
	s7 =	sor.u32 s1, s4;
	_ =	strace $0x80000047  }
0x9: {  	s4 =	sadd.s32 $0x10C00, s0;
	s1 =	ssub.s32 $0x2, s1;
	s23 =	sshll.u32 s9, $0x10  }
0xa: {  	s9 =	sshll.u32 s9, $0x12;
	s8 =	smul.u32 $0x14, s7;
	s20 =	sshrl.u32 s1, $0x1  }
0xb: {  	s21 =	sand.u32 $0x7, s7;
	s11 =	sadd.s32 s2, s23;
	s12 =	sor.u32 $0x2000, s9  }
0xc: {  	s25 =	sadd.s32 s6, s9;
	s23 =	simm.s32 $0x1;
	s1 =	ssub.s32 s1, s20  }
0xd: {  	s7 =	sshll.u32 s21, $0x10;
	s22 =	sshll.u32 s21, $0xD;
	s24 =	sshll.u32 s21, $0x4  }
0xe: {  	[dreg:$0x7] =	wrdreg s11;
	s14 =	sadd.s32 $0x1000, s11;
	s21 =	simm.s32 $0x8000  }
0xf: {  	s0 =	sadd.s32 s8, s0;
	s10 =	sadd.s32 s4, s22;
	s13 =	sadd.s32 s24, s25  }
0x10: {  	s15 =	sadd.s32 s6, s24;
	s26 =	smax.u32 s1, $0x1;
	s24 =	simm.s32 $0x2  }
0x11: {  	s25 =	simm.s32 $0xC0A0;
	s1 =	simm.s32 $0x160A0;
	[dreg:$0x5] =	wrdreg s10  }
0x12: {  	s0 =	sadd.s32 $0x800, s0;
	s10 =	sor.u32 $0x4000, s7;
	[dreg:$0x8] =	wrdreg s26  }
0x13: {  	s26 =	simm.s32 $0x100A0;
	[dreg:$0x4] =	wrdreg s0;
	s0 =	sadd.s32 s5, s22  }
0x14: {  	s22 =	simm.s32 $0xA000;
	[dreg:$0x6] =	wrdreg s0;
	s0 =	simm.s32 $0x3  }
.LBB2_1:
0x15: {  	s6 =	rddreg [dreg:$0x4];
	s8 =	simm.s32 $0xC000  }
0x16: {  	[tilespmem:s8], [sflag:$0x5] =	stream.linear.gather [hbm4b:s6+s3], $0xA0, $0x38;
	[tilespmem:$0x180A0] =	vst v63  }
0x17: {  	_ =	swait.ge [sflag:s18], $0xA0  }
0x18: {  	[sflag:s18] =	ssyncset.done $0x0  }
0x19: {  	[sflag:s18] =	ssyncadd.s32 $0xFFFFFF60  }
0x1a: {  	v1 =	vld [tilespmem:$0xC000]  }
0x1b: {  	v2 =	vld [tilespmem:$0xC010]  }
0x1c: {  	v3 =	vld [tilespmem:$0xC020]  }
0x1d: {  	v4 =	vld [tilespmem:$0xC030]  }
0x1e: {  	v5 =	vld [tilespmem:$0xC040]  }
0x1f: {  	v6 =	vld [tilespmem:$0xC050]  }
0x20: {  	v7 =	vld [tilespmem:$0xC060]  }
0x21: {  	s16 =	simm.s32 $0x4000;
	s11 =	rddreg [dreg:$0x5];
	v8 =	vld [tilespmem:$0xC070]  }
0x22: {  	v0 =	vld [tilespmem:$0xC080];
	[tilespmem:s16], [sflag:$0x1] =	stream.linear.gather [hbm4b:s11+s3], $0x2000, $0x38  }
0x23: {  	s20 =	simm.s32 $0x6000;
	s19 =	rddreg [dreg:$0x6]  }
0x24: {  	[tilespmem:s20], [sflag:$0x1] =	stream.linear.gather [hbm4b:s19+s3], $0x2000, $0x38;
	[tilespmem:$0x180A0] =	vst v63  }
0x25: {  	s6 =	simm.s32 $0x0;
	s19 =	simm.s32 $0x40;
	s20 =	simm.s32 $0x870  }
.LBB2_2:
0x26: {  	s8 =	sshll.u32 s6, $0xE  }
0x27: {  	s9 =	sadd.s32 s8, s7  }
0x28: {  	s9 =	sadd.s32 $0x2000, s9  }
0x29: {  	s11 =	sshrl.u32 s9, $0x3  }
0x2a: {  	s9 =	simm.s32 $0x0;
	s16 =	sadd.s32 s4, s11  }
0x2b: {  	[tilespmem:s21], [sflag:$0x2] =	stream.linear.gather [hbm4b:s16+s9], $0x2000, $0x38;
	[tilespmem:$0x180A0] =	vst v63  }
0x2c: {  	s11 =	sadd.s32 s5, s11  }
0x2d: {  	[tilespmem:s22], [sflag:$0x2] =	stream.linear.gather [hbm4b:s11+s9], $0x2000, $0x38;
	[tilespmem:$0x180A0] =	vst v63  }
0x2e: {  	_ =	swait.ge [sflag:s23], $0x2000  }
0x2f: {  	[sflag:s23] =	ssyncset.done $0x0  }
0x30: {  	[sflag:s23] =	ssyncadd.s32 $0xFFFFE000  }
0x31: {  	_ =	swait.ge [sflag:s23], $0x2000  }
0x32: {  	[sflag:s23] =	ssyncset.done $0x0  }
0x33: {  	s16 =	smov.u32 s19;
	[sflag:s23] =	ssyncadd.s32 $0xFFFFE000  }
.LBB2_3:
0x34: {  	s11 =	sshra.s32 s9, $0x2  }
0x35: {  	v9 =	vld [tilespmem:s11+$0x4000]  }
0x36: {  	v10 =	vld [tilespmem:s11+$0x4080]  }
0x37: {  	v11 =	vld [tilespmem:s11+$0x4100]  }
0x38: {  	v12 =	vld [tilespmem:s11+$0x4180]  }
0x39: {  	v13 =	vld [tilespmem:s11+$0x6000]  }
0x3a: {  	v14 =	vld [tilespmem:s11+$0x6080]  }
0x3b: {  	v15 =	vld [tilespmem:s11+$0x6100]  }
0x3c: {  	v16 =	vld [tilespmem:s11+$0x6180];
	_ =	sdelay $0x1  }
0x3d: {  	v9 =	vmul.f32 v9, v1;
	v10 =	vmul.f32 v10, v2  }
0x3e: {  	v11 =	vmul.f32 v11, v3;
	v12 =	vmul.f32 v12, v4  }
0x3f: {  	v13 =	vmul.f32 v13, v5;
	v14 =	vmul.f32 v14, v6  }
0x40: {  	v15 =	vmul.f32 v15, v7;
	v16 =	vmul.f32 v16, v8  }
0x41: {  	v9 =	vadd.f32 v10, v9;
	v10 =	vadd.f32 v12, v11  }
0x42: {  	v11 =	vadd.f32 v14, v13;
	v21 =	vadd.f32 v16, v15;
	_ =	sdelay $0x1  }
0x43: {  	v9 =	vadd.f32 v10, v9;
	v10 =	vadd.f32 v21, v11;
	_ =	sdelay $0x1  }
0x44: {  	v9 =	vadd.f32 v10, v9;
	_ =	sdelay $0x1  }
0x45: {  	[tilespmem:s16+$0xFFFFFFC0] =	vst v9  }
0x46: {  	v9 =	vld [tilespmem:s11+$0x4010]  }
0x47: {  	v10 =	vld [tilespmem:s11+$0x4090]  }
0x48: {  	v11 =	vld [tilespmem:s11+$0x4110]  }
0x49: {  	v22 =	vld [tilespmem:s11+$0x4190]  }
0x4a: {  	v23 =	vld [tilespmem:s11+$0x6010]  }
0x4b: {  	v24 =	vld [tilespmem:s11+$0x6090]  }
0x4c: {  	v25 =	vld [tilespmem:s11+$0x6110]  }
0x4d: {  	v26 =	vld [tilespmem:s11+$0x6190];
	_ =	sdelay $0x1  }
0x4e: {  	v9 =	vmul.f32 v9, v1;
	v10 =	vmul.f32 v10, v2  }
0x4f: {  	v11 =	vmul.f32 v11, v3;
	v12 =	vmul.f32 v22, v4  }
0x50: {  	v13 =	vmul.f32 v23, v5;
	v14 =	vmul.f32 v24, v6  }
0x51: {  	v15 =	vmul.f32 v25, v7;
	v16 =	vmul.f32 v26, v8  }
0x52: {  	v9 =	vadd.f32 v10, v9;
	v10 =	vadd.f32 v12, v11  }
0x53: {  	v11 =	vadd.f32 v14, v13;
	v27 =	vadd.f32 v16, v15;
	_ =	sdelay $0x1  }
0x54: {  	v9 =	vadd.f32 v10, v9;
	v10 =	vadd.f32 v27, v11;
	_ =	sdelay $0x1  }
0x55: {  	v9 =	vadd.f32 v10, v9;
	_ =	sdelay $0x1  }
0x56: {  	[tilespmem:s16+$0xFFFFFFD0] =	vst v9  }
0x57: {  	v9 =	vld [tilespmem:s11+$0x4020]  }
0x58: {  	v10 =	vld [tilespmem:s11+$0x40A0]  }
0x59: {  	v11 =	vld [tilespmem:s11+$0x4120]  }
0x5a: {  	v28 =	vld [tilespmem:s11+$0x41A0]  }
0x5b: {  	v29 =	vld [tilespmem:s11+$0x6020]  }
0x5c: {  	v30 =	vld [tilespmem:s11+$0x60A0]  }
0x5d: {  	v31 =	vld [tilespmem:s11+$0x6120]  }
0x5e: {  	v32 =	vld [tilespmem:s11+$0x61A0];
	_ =	sdelay $0x1  }
0x5f: {  	v9 =	vmul.f32 v9, v1;
	v10 =	vmul.f32 v10, v2  }
0x60: {  	v11 =	vmul.f32 v11, v3;
	v12 =	vmul.f32 v28, v4  }
0x61: {  	v13 =	vmul.f32 v29, v5;
	v14 =	vmul.f32 v30, v6  }
0x62: {  	v15 =	vmul.f32 v31, v7;
	v16 =	vmul.f32 v32, v8  }
0x63: {  	v9 =	vadd.f32 v10, v9;
	v10 =	vadd.f32 v12, v11  }
0x64: {  	v11 =	vadd.f32 v14, v13;
	v33 =	vadd.f32 v16, v15;
	_ =	sdelay $0x1  }
0x65: {  	v9 =	vadd.f32 v10, v9;
	v10 =	vadd.f32 v33, v11;
	_ =	sdelay $0x1  }
0x66: {  	v9 =	vadd.f32 v10, v9;
	_ =	sdelay $0x1  }
0x67: {  	[tilespmem:s16+$0xFFFFFFE0] =	vst v9  }
0x68: {  	v9 =	vld [tilespmem:s11+$0x4030]  }
0x69: {  	v10 =	vld [tilespmem:s11+$0x40B0]  }
0x6a: {  	v11 =	vld [tilespmem:s11+$0x4130]  }
0x6b: {  	v34 =	vld [tilespmem:s11+$0x41B0]  }
0x6c: {  	v35 =	vld [tilespmem:s11+$0x6030]  }
0x6d: {  	v36 =	vld [tilespmem:s11+$0x60B0]  }
0x6e: {  	v37 =	vld [tilespmem:s11+$0x6130]  }
0x6f: {  	v38 =	vld [tilespmem:s11+$0x61B0];
	_ =	sdelay $0x1  }
0x70: {  	v9 =	vmul.f32 v9, v1;
	v10 =	vmul.f32 v10, v2  }
0x71: {  	v11 =	vmul.f32 v11, v3;
	v12 =	vmul.f32 v34, v4  }
0x72: {  	v13 =	vmul.f32 v35, v5;
	v14 =	vmul.f32 v36, v6  }
0x73: {  	v15 =	vmul.f32 v37, v7;
	v16 =	vmul.f32 v38, v8  }
0x74: {  	v9 =	vadd.f32 v10, v9;
	v10 =	vadd.f32 v12, v11  }
0x75: {  	v11 =	vadd.f32 v14, v13;
	v39 =	vadd.f32 v16, v15;
	_ =	sdelay $0x1  }
0x76: {  	v9 =	vadd.f32 v10, v9;
	v10 =	vadd.f32 v39, v11;
	_ =	sdelay $0x1  }
0x77: {  	v9 =	vadd.f32 v10, v9;
	_ =	sdelay $0x1  }
0x78: {  	[tilespmem:s16+$0xFFFFFFF0] =	vst v9  }
0x79: {  	v9 =	vld [tilespmem:s11+$0x4040]  }
0x7a: {  	v10 =	vld [tilespmem:s11+$0x40C0]  }
0x7b: {  	v11 =	vld [tilespmem:s11+$0x4140]  }
0x7c: {  	v40 =	vld [tilespmem:s11+$0x41C0]  }
0x7d: {  	v41 =	vld [tilespmem:s11+$0x6040]  }
0x7e: {  	v42 =	vld [tilespmem:s11+$0x60C0]  }
0x7f: {  	v43 =	vld [tilespmem:s11+$0x6140]  }
0x80: {  	v44 =	vld [tilespmem:s11+$0x61C0];
	_ =	sdelay $0x1  }
0x81: {  	v9 =	vmul.f32 v9, v1;
	v10 =	vmul.f32 v10, v2  }
0x82: {  	v11 =	vmul.f32 v11, v3;
	v12 =	vmul.f32 v40, v4  }
0x83: {  	v13 =	vmul.f32 v41, v5;
	v14 =	vmul.f32 v42, v6  }
0x84: {  	v15 =	vmul.f32 v43, v7;
	v16 =	vmul.f32 v44, v8  }
0x85: {  	v9 =	vadd.f32 v10, v9;
	v10 =	vadd.f32 v12, v11  }
0x86: {  	v11 =	vadd.f32 v14, v13;
	v45 =	vadd.f32 v16, v15;
	_ =	sdelay $0x1  }
0x87: {  	v9 =	vadd.f32 v10, v9;
	v10 =	vadd.f32 v45, v11;
	_ =	sdelay $0x1  }
0x88: {  	v9 =	vadd.f32 v10, v9;
	_ =	sdelay $0x1  }
0x89: {  	[tilespmem:s16+$0x0] =	vst v9  }
0x8a: {  	v9 =	vld [tilespmem:s11+$0x4050]  }
0x8b: {  	v10 =	vld [tilespmem:s11+$0x40D0]  }
0x8c: {  	v11 =	vld [tilespmem:s11+$0x4150]  }
0x8d: {  	v46 =	vld [tilespmem:s11+$0x41D0]  }
0x8e: {  	v47 =	vld [tilespmem:s11+$0x6050]  }
0x8f: {  	v48 =	vld [tilespmem:s11+$0x60D0]  }
0x90: {  	v49 =	vld [tilespmem:s11+$0x6150]  }
0x91: {  	v50 =	vld [tilespmem:s11+$0x61D0];
	_ =	sdelay $0x1  }
0x92: {  	v9 =	vmul.f32 v9, v1;
	v10 =	vmul.f32 v10, v2  }
0x93: {  	v11 =	vmul.f32 v11, v3;
	v12 =	vmul.f32 v46, v4  }
0x94: {  	v13 =	vmul.f32 v47, v5;
	v14 =	vmul.f32 v48, v6  }
0x95: {  	v15 =	vmul.f32 v49, v7;
	v16 =	vmul.f32 v50, v8  }
0x96: {  	v9 =	vadd.f32 v10, v9;
	v10 =	vadd.f32 v12, v11  }
0x97: {  	v11 =	vadd.f32 v14, v13;
	v51 =	vadd.f32 v16, v15;
	_ =	sdelay $0x1  }
0x98: {  	v9 =	vadd.f32 v10, v9;
	v10 =	vadd.f32 v51, v11;
	_ =	sdelay $0x1  }
0x99: {  	v9 =	vadd.f32 v10, v9;
	_ =	sdelay $0x1  }
0x9a: {  	[tilespmem:s16+$0x10] =	vst v9  }
0x9b: {  	v9 =	vld [tilespmem:s11+$0x4060]  }
0x9c: {  	v10 =	vld [tilespmem:s11+$0x40E0]  }
0x9d: {  	v11 =	vld [tilespmem:s11+$0x4160]  }
0x9e: {  	v52 =	vld [tilespmem:s11+$0x41E0]  }
0x9f: {  	v53 =	vld [tilespmem:s11+$0x6060]  }
0xa0: {  	v54 =	vld [tilespmem:s11+$0x60E0]  }
0xa1: {  	v55 =	vld [tilespmem:s11+$0x6160]  }
0xa2: {  	v56 =	vld [tilespmem:s11+$0x61E0];
	_ =	sdelay $0x1  }
0xa3: {  	v9 =	vmul.f32 v9, v1;
	v10 =	vmul.f32 v10, v2  }
0xa4: {  	v11 =	vmul.f32 v11, v3;
	v12 =	vmul.f32 v52, v4  }
0xa5: {  	v13 =	vmul.f32 v53, v5;
	v14 =	vmul.f32 v54, v6  }
0xa6: {  	v15 =	vmul.f32 v55, v7;
	v16 =	vmul.f32 v56, v8  }
0xa7: {  	v9 =	vadd.f32 v10, v9;
	v10 =	vadd.f32 v12, v11  }
0xa8: {  	v11 =	vadd.f32 v14, v13;
	v57 =	vadd.f32 v16, v15;
	_ =	sdelay $0x1  }
0xa9: {  	v9 =	vadd.f32 v10, v9;
	v10 =	vadd.f32 v57, v11;
	_ =	sdelay $0x1  }
0xaa: {  	v9 =	vadd.f32 v10, v9;
	_ =	sdelay $0x1  }
0xab: {  	[tilespmem:s16+$0x20] =	vst v9  }
0xac: {  	v9 =	vld [tilespmem:s11+$0x4070]  }
0xad: {  	v10 =	vld [tilespmem:s11+$0x40F0]  }
0xae: {  	v11 =	vld [tilespmem:s11+$0x4170]  }
0xaf: {  	v58 =	vld [tilespmem:s11+$0x41F0]  }
0xb0: {  	v59 =	vld [tilespmem:s11+$0x6070]  }
0xb1: {  	v60 =	vld [tilespmem:s11+$0x60F0]  }
0xb2: {  	v61 =	vld [tilespmem:s11+$0x6170]  }
0xb3: {  	v62 =	vld [tilespmem:s11+$0x61F0];
	_ =	sdelay $0x1  }
0xb4: {  	v9 =	vmul.f32 v9, v1;
	v10 =	vmul.f32 v10, v2  }
0xb5: {  	v11 =	vmul.f32 v11, v3;
	v12 =	vmul.f32 v58, v4  }
0xb6: {  	v13 =	vmul.f32 v59, v5;
	v14 =	vmul.f32 v60, v6  }
0xb7: {  	v15 =	vmul.f32 v61, v7;
	v16 =	vmul.f32 v62, v8  }
0xb8: {  	v9 =	vadd.f32 v10, v9;
	v10 =	vadd.f32 v12, v11  }
0xb9: {  	v11 =	vadd.f32 v14, v13;
	v63 =	vadd.f32 v16, v15  }
0xba: {  	p0 =	sne.s32 s9, $0x7800  }
.Ltmp0:
0xbb: {  	v9 =	vadd.f32 v10, v9;
	v10 =	vadd.f32 v63, v11;
	(pc) =	sbr.rel @p0 .LBB2_3-.Ltmp0, $3  }
0xbc: {  	_ = 	snop  }
0xbd: {  	v9 =	vadd.f32 v10, v9;
	_ =	sdelay $0x1  }
0xbe: {  	s9 =	sadd.s32 $0x800, s9;
	[tilespmem:s16+$0x30] =	vst v9;
	s16 =	sadd.s32 $0x80, s16  }
0xbf: {  	p0 =	seq.s32 s6, $0x3  }
0xc0: {  	s8 =	sadd.s32 @!p0 s8, s10  }
0xc1: {  	s8 =	sshrl.u32 @!p0 s8, $0x3  }
0xc2: {  	s11 =	simm.s32 @!p0 $0x0;
	s16 =	simm.s32 @!p0 $0x4000;
	s9 =	sadd.s32 @!p0 s4, s8  }
0xc3: {  	[tilespmem:s16], [sflag:$0x1] =	stream.linear.gather @!p0 [hbm4b:s9+s11], $0x2000, $0x38;
	[tilespmem:$0x180A0] =	vst v63  }
0xc4: {  	s8 =	sadd.s32 @!p0 s5, s8;
	s9 =	simm.s32 @!p0 $0x6000  }
0xc5: {  	[tilespmem:s9], [sflag:$0x1] =	stream.linear.gather @!p0 [hbm4b:s8+s11], $0x2000, $0x38;
	[tilespmem:$0x180A0] =	vst v63  }
0xc6: {  	_ =	swait.ge [sflag:s24], $0x2000  }
0xc7: {  	[sflag:s24] =	ssyncset.done $0x0  }
0xc8: {  	[sflag:s24] =	ssyncadd.s32 $0xFFFFE000  }
0xc9: {  	_ =	swait.ge [sflag:s24], $0x2000  }
0xca: {  	[sflag:s24] =	ssyncset.done $0x0  }
0xcb: {  	s8 =	simm.s32 $0x0;
	s9 =	smov.u32 s20;
	[sflag:s24] =	ssyncadd.s32 $0xFFFFE000  }
.LBB2_5:
0xcc: {  	s11 =	sshra.s32 s8, $0x2  }
0xcd: {  	v9 =	vld [tilespmem:s11+$0x8000]  }
0xce: {  	v10 =	vld [tilespmem:s11+$0x8080]  }
0xcf: {  	v11 =	vld [tilespmem:s11+$0x8100]  }
0xd0: {  	v12 =	vld [tilespmem:s11+$0x8180]  }
0xd1: {  	v13 =	vld [tilespmem:s11+$0xA000]  }
0xd2: {  	v14 =	vld [tilespmem:s11+$0xA080]  }
0xd3: {  	v15 =	vld [tilespmem:s11+$0xA100]  }
0xd4: {  	v16 =	vld [tilespmem:s11+$0xA180];
	_ =	sdelay $0x1  }
0xd5: {  	v9 =	vmul.f32 v9, v1;
	v10 =	vmul.f32 v10, v2  }
0xd6: {  	v11 =	vmul.f32 v11, v3;
	v12 =	vmul.f32 v12, v4  }
0xd7: {  	v13 =	vmul.f32 v13, v5;
	v14 =	vmul.f32 v14, v6  }
0xd8: {  	v15 =	vmul.f32 v15, v7;
	v16 =	vmul.f32 v16, v8  }
0xd9: {  	v9 =	vadd.f32 v10, v9;
	v10 =	vadd.f32 v12, v11  }
0xda: {  	v11 =	vadd.f32 v14, v13;
	v21 =	vadd.f32 v16, v15;
	_ =	sdelay $0x1  }
0xdb: {  	v9 =	vadd.f32 v10, v9;
	v10 =	vadd.f32 v21, v11;
	_ =	sdelay $0x1  }
0xdc: {  	v9 =	vadd.f32 v10, v9;
	_ =	sdelay $0x1  }
0xdd: {  	[tilespmem:s9+$0xFFFFFF90] =	vst v9  }
0xde: {  	v9 =	vld [tilespmem:s11+$0x8010]  }
0xdf: {  	v10 =	vld [tilespmem:s11+$0x8090]  }
0xe0: {  	v11 =	vld [tilespmem:s11+$0x8110]  }
0xe1: {  	v22 =	vld [tilespmem:s11+$0x8190]  }
0xe2: {  	v23 =	vld [tilespmem:s11+$0xA010]  }
0xe3: {  	v24 =	vld [tilespmem:s11+$0xA090]  }
0xe4: {  	v25 =	vld [tilespmem:s11+$0xA110]  }
0xe5: {  	v26 =	vld [tilespmem:s11+$0xA190];
	_ =	sdelay $0x1  }
0xe6: {  	v9 =	vmul.f32 v9, v1;
	v10 =	vmul.f32 v10, v2  }
0xe7: {  	v11 =	vmul.f32 v11, v3;
	v12 =	vmul.f32 v22, v4  }
0xe8: {  	v13 =	vmul.f32 v23, v5;
	v14 =	vmul.f32 v24, v6  }
0xe9: {  	v15 =	vmul.f32 v25, v7;
	v16 =	vmul.f32 v26, v8  }
0xea: {  	v9 =	vadd.f32 v10, v9;
	v10 =	vadd.f32 v12, v11  }
0xeb: {  	v11 =	vadd.f32 v14, v13;
	v27 =	vadd.f32 v16, v15;
	_ =	sdelay $0x1  }
0xec: {  	v9 =	vadd.f32 v10, v9;
	v10 =	vadd.f32 v27, v11;
	_ =	sdelay $0x1  }
0xed: {  	v9 =	vadd.f32 v10, v9;
	_ =	sdelay $0x1  }
0xee: {  	[tilespmem:s9+$0xFFFFFFA0] =	vst v9  }
0xef: {  	v9 =	vld [tilespmem:s11+$0x8020]  }
0xf0: {  	v10 =	vld [tilespmem:s11+$0x80A0]  }
0xf1: {  	v11 =	vld [tilespmem:s11+$0x8120]  }
0xf2: {  	v28 =	vld [tilespmem:s11+$0x81A0]  }
0xf3: {  	v29 =	vld [tilespmem:s11+$0xA020]  }
0xf4: {  	v30 =	vld [tilespmem:s11+$0xA0A0]  }
0xf5: {  	v31 =	vld [tilespmem:s11+$0xA120]  }
0xf6: {  	v32 =	vld [tilespmem:s11+$0xA1A0];
	_ =	sdelay $0x1  }
0xf7: {  	v9 =	vmul.f32 v9, v1;
	v10 =	vmul.f32 v10, v2  }
0xf8: {  	v11 =	vmul.f32 v11, v3;
	v12 =	vmul.f32 v28, v4  }
0xf9: {  	v13 =	vmul.f32 v29, v5;
	v14 =	vmul.f32 v30, v6  }
0xfa: {  	v15 =	vmul.f32 v31, v7;
	v16 =	vmul.f32 v32, v8  }
0xfb: {  	v9 =	vadd.f32 v10, v9;
	v10 =	vadd.f32 v12, v11  }
0xfc: {  	v11 =	vadd.f32 v14, v13;
	v33 =	vadd.f32 v16, v15;
	_ =	sdelay $0x1  }
0xfd: {  	v9 =	vadd.f32 v10, v9;
	v10 =	vadd.f32 v33, v11;
	_ =	sdelay $0x1  }
0xfe: {  	v9 =	vadd.f32 v10, v9;
	_ =	sdelay $0x1  }
0xff: {  	[tilespmem:s9+$0xFFFFFFB0] =	vst v9  }
0x100: {  	v9 =	vld [tilespmem:s11+$0x8030]  }
0x101: {  	v10 =	vld [tilespmem:s11+$0x80B0]  }
0x102: {  	v11 =	vld [tilespmem:s11+$0x8130]  }
0x103: {  	v34 =	vld [tilespmem:s11+$0x81B0]  }
0x104: {  	v35 =	vld [tilespmem:s11+$0xA030]  }
0x105: {  	v36 =	vld [tilespmem:s11+$0xA0B0]  }
0x106: {  	v37 =	vld [tilespmem:s11+$0xA130]  }
0x107: {  	v38 =	vld [tilespmem:s11+$0xA1B0];
	_ =	sdelay $0x1  }
0x108: {  	v9 =	vmul.f32 v9, v1;
	v10 =	vmul.f32 v10, v2  }
0x109: {  	v11 =	vmul.f32 v11, v3;
	v12 =	vmul.f32 v34, v4  }
0x10a: {  	v13 =	vmul.f32 v35, v5;
	v14 =	vmul.f32 v36, v6  }
0x10b: {  	v15 =	vmul.f32 v37, v7;
	v16 =	vmul.f32 v38, v8  }
0x10c: {  	v9 =	vadd.f32 v10, v9;
	v10 =	vadd.f32 v12, v11  }
0x10d: {  	v11 =	vadd.f32 v14, v13;
	v39 =	vadd.f32 v16, v15;
	_ =	sdelay $0x1  }
0x10e: {  	v9 =	vadd.f32 v10, v9;
	v10 =	vadd.f32 v39, v11;
	_ =	sdelay $0x1  }
0x10f: {  	v9 =	vadd.f32 v10, v9;
	_ =	sdelay $0x1  }
0x110: {  	[tilespmem:s9+$0xFFFFFFC0] =	vst v9  }
0x111: {  	v9 =	vld [tilespmem:s11+$0x8040]  }
0x112: {  	v10 =	vld [tilespmem:s11+$0x80C0]  }
0x113: {  	v11 =	vld [tilespmem:s11+$0x8140]  }
0x114: {  	v40 =	vld [tilespmem:s11+$0x81C0]  }
0x115: {  	v41 =	vld [tilespmem:s11+$0xA040]  }
0x116: {  	v42 =	vld [tilespmem:s11+$0xA0C0]  }
0x117: {  	v43 =	vld [tilespmem:s11+$0xA140]  }
0x118: {  	v44 =	vld [tilespmem:s11+$0xA1C0];
	_ =	sdelay $0x1  }
0x119: {  	v9 =	vmul.f32 v9, v1;
	v10 =	vmul.f32 v10, v2  }
0x11a: {  	v11 =	vmul.f32 v11, v3;
	v12 =	vmul.f32 v40, v4  }
0x11b: {  	v13 =	vmul.f32 v41, v5;
	v14 =	vmul.f32 v42, v6  }
0x11c: {  	v15 =	vmul.f32 v43, v7;
	v16 =	vmul.f32 v44, v8  }
0x11d: {  	v9 =	vadd.f32 v10, v9;
	v10 =	vadd.f32 v12, v11  }
0x11e: {  	v11 =	vadd.f32 v14, v13;
	v45 =	vadd.f32 v16, v15;
	_ =	sdelay $0x1  }
0x11f: {  	v9 =	vadd.f32 v10, v9;
	v10 =	vadd.f32 v45, v11;
	_ =	sdelay $0x1  }
0x120: {  	v9 =	vadd.f32 v10, v9;
	_ =	sdelay $0x1  }
0x121: {  	[tilespmem:s9+$0xFFFFFFD0] =	vst v9  }
0x122: {  	v9 =	vld [tilespmem:s11+$0x8050]  }
0x123: {  	v10 =	vld [tilespmem:s11+$0x80D0]  }
0x124: {  	v11 =	vld [tilespmem:s11+$0x8150]  }
0x125: {  	v46 =	vld [tilespmem:s11+$0x81D0]  }
0x126: {  	v47 =	vld [tilespmem:s11+$0xA050]  }
0x127: {  	v48 =	vld [tilespmem:s11+$0xA0D0]  }
0x128: {  	v49 =	vld [tilespmem:s11+$0xA150]  }
0x129: {  	v50 =	vld [tilespmem:s11+$0xA1D0];
	_ =	sdelay $0x1  }
0x12a: {  	v9 =	vmul.f32 v9, v1;
	v10 =	vmul.f32 v10, v2  }
0x12b: {  	v11 =	vmul.f32 v11, v3;
	v12 =	vmul.f32 v46, v4  }
0x12c: {  	v13 =	vmul.f32 v47, v5;
	v14 =	vmul.f32 v48, v6  }
0x12d: {  	v15 =	vmul.f32 v49, v7;
	v16 =	vmul.f32 v50, v8  }
0x12e: {  	v9 =	vadd.f32 v10, v9;
	v10 =	vadd.f32 v12, v11  }
0x12f: {  	v11 =	vadd.f32 v14, v13;
	v51 =	vadd.f32 v16, v15;
	_ =	sdelay $0x1  }
0x130: {  	v9 =	vadd.f32 v10, v9;
	v10 =	vadd.f32 v51, v11;
	_ =	sdelay $0x1  }
0x131: {  	v9 =	vadd.f32 v10, v9;
	_ =	sdelay $0x1  }
0x132: {  	[tilespmem:s9+$0xFFFFFFE0] =	vst v9  }
0x133: {  	v9 =	vld [tilespmem:s11+$0x8060]  }
0x134: {  	v10 =	vld [tilespmem:s11+$0x80E0]  }
0x135: {  	v11 =	vld [tilespmem:s11+$0x8160]  }
0x136: {  	v52 =	vld [tilespmem:s11+$0x81E0]  }
0x137: {  	v53 =	vld [tilespmem:s11+$0xA060]  }
0x138: {  	v54 =	vld [tilespmem:s11+$0xA0E0]  }
0x139: {  	v55 =	vld [tilespmem:s11+$0xA160]  }
0x13a: {  	v56 =	vld [tilespmem:s11+$0xA1E0];
	_ =	sdelay $0x1  }
0x13b: {  	v9 =	vmul.f32 v9, v1;
	v10 =	vmul.f32 v10, v2  }
0x13c: {  	v11 =	vmul.f32 v11, v3;
	v12 =	vmul.f32 v52, v4  }
0x13d: {  	v13 =	vmul.f32 v53, v5;
	v14 =	vmul.f32 v54, v6  }
0x13e: {  	v15 =	vmul.f32 v55, v7;
	v16 =	vmul.f32 v56, v8  }
0x13f: {  	v9 =	vadd.f32 v10, v9;
	v10 =	vadd.f32 v12, v11  }
0x140: {  	v11 =	vadd.f32 v14, v13;
	v57 =	vadd.f32 v16, v15;
	_ =	sdelay $0x1  }
0x141: {  	v9 =	vadd.f32 v10, v9;
	v10 =	vadd.f32 v57, v11;
	_ =	sdelay $0x1  }
0x142: {  	v9 =	vadd.f32 v10, v9;
	_ =	sdelay $0x1  }
0x143: {  	[tilespmem:s9+$0xFFFFFFF0] =	vst v9  }
0x144: {  	v9 =	vld [tilespmem:s11+$0x8070]  }
0x145: {  	v10 =	vld [tilespmem:s11+$0x80F0]  }
0x146: {  	v11 =	vld [tilespmem:s11+$0x8170]  }
0x147: {  	v58 =	vld [tilespmem:s11+$0x81F0]  }
0x148: {  	v59 =	vld [tilespmem:s11+$0xA070]  }
0x149: {  	v60 =	vld [tilespmem:s11+$0xA0F0]  }
0x14a: {  	v61 =	vld [tilespmem:s11+$0xA170]  }
0x14b: {  	v62 =	vld [tilespmem:s11+$0xA1F0];
	_ =	sdelay $0x1  }
0x14c: {  	v9 =	vmul.f32 v9, v1;
	v10 =	vmul.f32 v10, v2  }
0x14d: {  	v11 =	vmul.f32 v11, v3;
	v12 =	vmul.f32 v58, v4  }
0x14e: {  	v13 =	vmul.f32 v59, v5;
	v14 =	vmul.f32 v60, v6  }
0x14f: {  	v15 =	vmul.f32 v61, v7;
	v16 =	vmul.f32 v62, v8  }
0x150: {  	v9 =	vadd.f32 v10, v9;
	v10 =	vadd.f32 v12, v11  }
0x151: {  	v11 =	vadd.f32 v14, v13;
	v63 =	vadd.f32 v16, v15  }
0x152: {  	p0 =	sne.s32 s8, $0x7800  }
.Ltmp1:
0x153: {  	v9 =	vadd.f32 v10, v9;
	v10 =	vadd.f32 v63, v11;
	(pc) =	sbr.rel @p0 .LBB2_5-.Ltmp1, $3  }
0x154: {  	_ = 	snop  }
0x155: {  	v9 =	vadd.f32 v10, v9;
	_ =	sdelay $0x1  }
0x156: {  	s8 =	sadd.s32 $0x800, s8;
	[tilespmem:s9+$0x0] =	vst v9;
	s9 =	sadd.s32 $0x80, s9  }
0x157: {  	s6 =	sadd.s32 $0x1, s6  }
0x158: {  	p0 =	sne.s32 s6, $0x4  }
.Ltmp2:
0x159: {  	_ = 	snop;
	(pc) =	sbr.rel @p0 .LBB2_2-.Ltmp2, $2  }
0x15a: {  	_ =	sdelay $0x2  }
0x15b: {  	s19 =	sadd.s32 $0x1000, s19;
	s20 =	sadd.s32 $0x1000, s20  }
0x15c: {  	s19 =	simm.s32 $0x0;
	s6 =	rddreg [dreg:$0x7]  }
0x15d: {  	[tilespmem:s25], [sflag:$0x1] =	stream.linear.gather [hbm4b:s6+s19], $0x4000, $0x38;
	[tilespmem:$0x180A0] =	vst v63  }
.LBB2_8:
0x15e: {  	s6 =	sshll.u32 s19, $0xE  }
0x15f: {  	s20 =	sadd.s32 s12, s6  }
0x160: {  	s8 =	sshrl.u32 s20, $0x2  }
0x161: {  	s8 =	sadd.s32 s2, s8  }
0x162: {  	[tilespmem:s26], [sflag:$0x2] =	stream.linear.gather [hbm4b:s8+s3], $0x4000, $0x38;
	[tilespmem:$0x180A0] =	vst v63  }
0x163: {  	_ =	swait.ge [sflag:s23], $0x4000  }
0x164: {  	p0 =	seq.s32 s19, $0x0;
	[sflag:s23] =	ssyncset.done $0x0  }
0x165: {  	s9 =	simm.s32 @!p0 $0x3;
	[sflag:s23] =	ssyncadd.s32 $0xFFFFC000  }
0x166: {  	_ =	swait.ge @!p0 [sflag:s9], $0x2000  }
0x167: {  	s16 =	simm.s32 $0x0;
	[sflag:s9] =	ssyncset.done @!p0 $0x0  }
0x168: {  	s8 =	sshll.u32 s19, $0xC;
	[sflag:s9] =	ssyncadd.s32 @!p0 $0xFFFFE000;
	s9 =	simm.s32 $0xC120  }
.LBB2_9:
0x169: {  	v1 =	vld [tilespmem:s9+$0xFFFFFF80];
	_ =	sdelay $0x1  }
0x16a: {  	v2 =	vld [tilespmem:s9+$0x0]  }
0x16b: {  	v3 =	vld [tilespmem:s9+$0x10]  }
0x16c: {  	v5 =	vld [tilespmem:s9+$0xFFFFFF90]  }
0x16d: {  	v12 =	vld [tilespmem:s9+$0xFFFFFFA0];
	v1 =	vmul.f32 v1, v0  }
0x16e: {  	v16 =	vld [tilespmem:s9+$0x30]  }
0x16f: {  	v2 =	vmul.f32 v2, v0;
	v1 =	vadd.f32 $5.000000000e-01, v1  }
0x170: {  	v19 =	vld [tilespmem:s9+$0xFFFFFFB0];
	v3 =	vmul.f32 v3, v0  }
0x171: {  	v5 =	vmul.f32 v5, v0;
	v4 =	vadd.f32 $5.000000000e-01, v2;
	v2 =	vtrunc.f32 v1  }
0x172: {  	v12 =	vmul.f32 v12, v0;
	v2 =	vcvt.f32.s32 v2  }
0x173: {  	v16 =	vmul.f32 v16, v0;
	v10 =	vadd.f32 $5.000000000e-01, v3;
	v6 =	vtrunc.f32 v4  }
0x174: {  	v13 =	vadd.f32 $5.000000000e-01, v5;
	v6 =	vcvt.f32.s32 v6;
	v7 =	vcvt.s32.f32 v2  }
0x175: {  	v35 =	vld [tilespmem:s9+$0x20];
	v43 =	vmul.f32 v19, v0;
	v36 =	vtrunc.f32 v10  }
0x176: {  	v39 =	vtrunc.f32 v13;
	v7 =	vsub.f32 v1, v7;
	v1 =	vmul.u32 $0x9E3779B1, v6  }
0x177: {  	v12 =	vadd.f32 $5.000000000e-01, v12;
	v38 =	vcvt.f32.s32 v36;
	v15 =	vcvt.f32.s32 v39  }
0x178: {  	v8 =	vcvt.s32.f32 v6;
	v9 =	vadd.s32 $0x1, v2;
	v11 =	vxor.u32 v2, v1  }
0x179: {  	v3 =	vadd.s32 $0x9E3779B1, v1;
	v1 =	vxor.u32 v9, v1;
	v37 =	vand.u32 $0x3FFF, v11  }
0x17a: {  	v6 =	vmul.f32 v35, v0;
	v2 =	vxor.u32 v2, v3;
	v1 =	vand.u32 $0x3FFF, v1  }
0x17b: {  	v40 =	vmul.u32 $0x9E3779B1, v38;
	v3 =	vxor.u32 v9, v3;
	v14 =	vand.u32 $0x3FFF, v2  }
0x17c: {  	v42 =	vtrunc.f32 v12;
	v3 =	vand.u32 $0x3FFF, v3;
	v2 =	vadd.f32 $5.000000000e-01, v6  }
0x17d: {  	v17 =	vadd.s32 $0x1, v15;
	v41 =	vadd.s32 $0x9E3779B1, v40;
	v18 =	vxor.u32 v15, v40  }
0x17e: {  	v5 =	vxor.u32 v17, v40;
	v21 =	vxor.u32 v15, v41;
	v20 =	vtrunc.f32 v2;
	v9 =	vld.idx.msk [tilespmem:v37+s3+$0x0], $0xffff  }
0x17f: {  	v18 =	vand.u32 $0x3FFF, v18;
	v6 =	vxor.u32 v17, v41;
	v17 =	vcvt.f32.s32 v20;
	v22 =	vld.idx.msk [tilespmem:v1+s3+$0x0], $0xffff  }
0x180: {  	v23 =	vand.u32 $0x3FFF, v5;
	v5 =	vadd.f32 $5.000000000e-01, v43;
	v20 =	vcvt.f32.s32 v42;
	v14 =	vld.idx.msk [tilespmem:v14+s3+$0x0], $0xffff  }
0x181: {  	v21 =	vand.u32 $0x3FFF, v21;
	v1 =	vadd.f32 $5.000000000e-01, v16;
	v24 =	vmul.u32 $0x9E3779B1, v17;
	v3 =	vld.idx.msk [tilespmem:v3+s3+$0x0], $0xffff  }
0x182: {  	v48 =	vtrunc.f32 v5;
	v44 =	vand.u32 $0x3FFF, v6;
	v25 =	vadd.s32 $0x1, v20  }
0x183: {  	v46 =	vtrunc.f32 v1;
	v45 =	vadd.s32 $0x9E3779B1, v24;
	v26 =	vxor.u32 v20, v24  }
0x184: {  	v24 =	vxor.u32 v25, v24;
	v6 =	vcvt.f32.s32 v46;
	v27 =	vxor.u32 v20, v45  }
0x185: {  	v32 =	vld [tilespmem:s9+$0x40];
	v19 =	vxor.u32 v25, v45;
	v47 =	vand.u32 $0x3FFF, v26;
	v24 =	vand.u32 $0x3FFF, v24  }
0x186: {  	v33 =	vld [tilespmem:s9+$0xFFFFFFC0];
	v26 =	vcvt.f32.s32 v48;
	v22 =	vsub.f32 v22, v9;
	v3 =	vsub.f32 v3, v14  }
0x187: {  	v18 =	vld.idx.msk [tilespmem:v18+s3+$0x0], $0xffff;
	v28 =	vmul.u32 $0x9E3779B1, v6;
	v27 =	vand.u32 $0x3FFF, v27;
	v19 =	vand.u32 $0x3FFF, v19  }
0x188: {  	v23 =	vld.idx.msk [tilespmem:v23+s3+$0x0], $0xffff;
	v30 =	vadd.s32 $0x1, v26;
	v22 =	vmul.f32 v7, v22;
	v3 =	vmul.f32 v3, v7  }
0x189: {  	v21 =	vld.idx.msk [tilespmem:v21+s3+$0x0], $0xffff;
	v29 =	vadd.s32 $0x9E3779B1, v28;
	v31 =	vxor.u32 v26, v28;
	v49 =	vxor.u32 v30, v28  }
0x18a: {  	v16 =	vld.idx.msk [tilespmem:v44+s3+$0x0], $0xffff;
	v31 =	vand.u32 $0x3FFF, v31;
	v9 =	vadd.f32 v22, v9;
	v3 =	vadd.f32 v3, v14  }
0x18b: {  	v4 =	vsub.f32 v4, v8;
	v50 =	vxor.u32 v26, v29;
	v25 =	vand.u32 $0x3FFF, v49;
	v7 =	vld.idx.msk [tilespmem:v47+s3+$0x0], $0xffff  }
0x18c: {  	v52 =	vxor.u32 v30, v29;
	v51 =	vld.idx.msk [tilespmem:v24+s3+$0x0], $0xffff;
	v53 =	vand.u32 $0x3FFF, v50;
	v3 =	vsub.f32 v3, v9  }
0x18d: {  	v15 =	vcvt.s32.f32 v15;
	v22 =	vand.u32 $0x3FFF, v52;
	v54 =	vld.idx.msk [tilespmem:v27+s3+$0x0], $0xffff  }
0x18e: {  	v19 =	vld.idx.msk [tilespmem:v19+s3+$0x0], $0xffff;
	v4 =	vmul.f32 v3, v4  }
0x18f: {  	v13 =	vsub.f32 v13, v15;
	v23 =	vsub.f32 v23, v18;
	v28 =	vld.idx.msk [tilespmem:v31+s3+$0x0], $0xffff  }
0x190: {  	v55 =	vmul.f32 v32, v0;
	v16 =	vsub.f32 v16, v21;
	v25 =	vld.idx.msk [tilespmem:v25+s3+$0x0], $0xffff;
	v9 =	vadd.f32 v4, v9  }
0x191: {  	s11 =	sshra.s32 s16, $0x2;
	v56 =	vmul.f32 v33, v0;
	v24 =	vld.idx.msk [tilespmem:v53+s3+$0x0], $0xffff  }
0x192: {  	v23 =	vmul.f32 v13, v23;
	v13 =	vmul.f32 v16, v13;
	v3 =	vadd.f32 $5.000000000e-01, v55;
	v22 =	vld.idx.msk [tilespmem:v22+s3+$0x0], $0xffff;
	[tilespmem:s11+$0x140A0] =	vst v9  }
0x193: {  	v57 =	vcvt.s32.f32 v38;
	v62 =	vcvt.s32.f32 v20;
	v4 =	vadd.f32 $5.000000000e-01, v56;
	v59 =	vld [tilespmem:s9+$0x50]  }
0x194: {  	v18 =	vadd.f32 v23, v18;
	v13 =	vadd.f32 v13, v21;
	v27 =	vtrunc.f32 v3  }
0x195: {  	v27 =	vcvt.f32.s32 v27;
	v58 =	vtrunc.f32 v4;
	v61 =	vld [tilespmem:s9+$0xFFFFFFD0]  }
0x196: {  	v12 =	vsub.f32 v12, v62;
	v13 =	vsub.f32 v13, v18;
	v11 =	vcvt.f32.s32 v58  }
0x197: {  	v14 =	vsub.f32 v51, v7;
	v19 =	vsub.f32 v19, v54;
	v60 =	vmul.u32 $0x9E3779B1, v27  }
0x198: {  	v9 =	vsub.f32 v10, v57;
	v36 =	vadd.s32 $0x1, v11;
	v29 =	vmul.f32 v59, v0  }
0x199: {  	v63 =	vadd.s32 $0x9E3779B1, v60;
	v37 =	vxor.u32 v11, v60;
	v30 =	vxor.u32 v36, v60  }
0x19a: {  	v39 =	vand.u32 $0x3FFF, v37;
	v10 =	vmul.f32 v61, v0;
	v29 =	vadd.f32 $5.000000000e-01, v29  }
0x19b: {  	v38 =	vxor.u32 v11, v63;
	v20 =	vxor.u32 v36, v63;
	v30 =	vand.u32 $0x3FFF, v30  }
0x19c: {  	v40 =	vand.u32 $0x3FFF, v38;
	v10 =	vadd.f32 $5.000000000e-01, v10;
	v41 =	vtrunc.f32 v29  }
0x19d: {  	v14 =	vmul.f32 v12, v14;
	v20 =	vand.u32 $0x3FFF, v20;
	v23 =	vcvt.f32.s32 v41  }
0x19e: {  	v9 =	vmul.f32 v13, v9;
	v42 =	vtrunc.f32 v10  }
0x19f: {  	v12 =	vmul.f32 v19, v12;
	v16 =	vld.idx.msk [tilespmem:v39+s3+$0x0], $0xffff;
	v15 =	vcvt.f32.s32 v42;
	v43 =	vmul.u32 $0x9E3779B1, v23  }
0x1a0: {  	v44 =	vcvt.s32.f32 v17;
	v7 =	vadd.f32 v14, v7;
	v9 =	vadd.f32 v9, v18;
	v17 =	vld.idx.msk [tilespmem:v30+s3+$0x0], $0xffff  }
0x1a1: {  	v8 =	vadd.f32 v12, v54;
	v21 =	vld.idx.msk [tilespmem:v40+s3+$0x0], $0xffff;
	v46 =	vadd.s32 $0x1, v15;
	v47 =	vxor.u32 v15, v43  }
0x1a2: {  	v18 =	vld.idx.msk [tilespmem:v20+s3+$0x0], $0xffff;
	[tilespmem:s11+$0x140B0] =	vst v9;
	v45 =	vadd.s32 $0x9E3779B1, v43;
	v48 =	vxor.u32 v46, v43;
	v50 =	vand.u32 $0x3FFF, v47  }
0x1a3: {  	v2 =	vsub.f32 v2, v44;
	v51 =	vld [tilespmem:s9+$0x60];
	v49 =	vxor.u32 v15, v45;
	v19 =	vand.u32 $0x3FFF, v48  }
0x1a4: {  	v8 =	vsub.f32 v8, v7;
	v52 =	vxor.u32 v46, v45;
	v53 =	vand.u32 $0x3FFF, v49  }
0x1a5: {  	v12 =	vand.u32 $0x3FFF, v52  }
0x1a6: {  	v2 =	vmul.f32 v8, v2;
	v54 =	vld [tilespmem:s9+$0xFFFFFFE0]  }
0x1a7: {  	v9 =	vld.idx.msk [tilespmem:v50+s3+$0x0], $0xffff  }
0x1a8: {  	v2 =	vadd.f32 v2, v7;
	v56 =	vmul.f32 v51, v0;
	v55 =	vld.idx.msk [tilespmem:v19+s3+$0x0], $0xffff  }
0x1a9: {  	v14 =	vld.idx.msk [tilespmem:v53+s3+$0x0], $0xffff  }
0x1aa: {  	v13 =	vadd.f32 $5.000000000e-01, v56;
	v57 =	vld.idx.msk [tilespmem:v12+s3+$0x0], $0xffff;
	[tilespmem:s11+$0x140C0] =	vst v2  }
0x1ab: {  	v6 =	vcvt.s32.f32 v6;
	v59 =	vld [tilespmem:s9+$0x70]  }
0x1ac: {  	v58 =	vmul.f32 v54, v0;
	v19 =	vtrunc.f32 v13  }
0x1ad: {  	v2 =	vcvt.s32.f32 v26;
	v19 =	vcvt.f32.s32 v19;
	v61 =	vld [tilespmem:s9+$0xFFFFFFF0]  }
0x1ae: {  	v1 =	vsub.f32 v1, v6;
	v12 =	vadd.f32 $5.000000000e-01, v58  }
0x1af: {  	v25 =	vsub.f32 v25, v28;
	v2 =	vsub.f32 v5, v2;
	v62 =	vmul.u32 $0x9E3779B1, v19  }
0x1b0: {  	v22 =	vsub.f32 v22, v24;
	v60 =	vtrunc.f32 v12;
	v20 =	vmul.f32 v59, v0  }
0x1b1: {  	v5 =	vcvt.f32.s32 v60;
	v63 =	vadd.s32 $0x9E3779B1, v62;
	v25 =	vmul.f32 v2, v25  }
0x1b2: {  	v2 =	vmul.f32 v22, v2;
	v38 =	vmul.f32 v61, v0;
	v20 =	vadd.f32 $5.000000000e-01, v20  }
0x1b3: {  	v36 =	vadd.s32 $0x1, v5;
	v37 =	vxor.u32 v5, v62;
	v25 =	vadd.f32 v25, v28  }
0x1b4: {  	v2 =	vadd.f32 v2, v24;
	v22 =	vadd.f32 $5.000000000e-01, v38;
	v41 =	vtrunc.f32 v20  }
0x1b5: {  	v39 =	vxor.u32 v5, v63;
	v6 =	vxor.u32 v36, v62;
	v28 =	vcvt.f32.s32 v41  }
0x1b6: {  	v42 =	vand.u32 $0x3FFF, v37;
	v2 =	vsub.f32 v2, v25;
	v43 =	vtrunc.f32 v22  }
0x1b7: {  	v26 =	vand.u32 $0x3FFF, v39;
	v31 =	vcvt.f32.s32 v43;
	v44 =	vmul.u32 $0x9E3779B1, v28  }
0x1b8: {  	v40 =	vxor.u32 v36, v63;
	v6 =	vand.u32 $0x3FFF, v6;
	v1 =	vmul.f32 v2, v1  }
0x1b9: {  	v2 =	vand.u32 $0x3FFF, v40;
	v45 =	vadd.s32 $0x1, v31;
	v46 =	vxor.u32 v31, v44  }
0x1ba: {  	v48 =	vadd.s32 $0x9E3779B1, v44;
	v32 =	vxor.u32 v45, v44;
	v33 =	vand.u32 $0x3FFF, v46  }
0x1bb: {  	v11 =	vcvt.s32.f32 v11;
	v47 =	vld.idx.msk [tilespmem:v42+s3+$0x0], $0xffff;
	v30 =	vxor.u32 v31, v48;
	v32 =	vand.u32 $0x3FFF, v32  }
0x1bc: {  	v26 =	vld.idx.msk [tilespmem:v26+s3+$0x0], $0xffff;
	v1 =	vadd.f32 v1, v25;
	v24 =	vxor.u32 v45, v48;
	v30 =	vand.u32 $0x3FFF, v30  }
0x1bd: {  	v27 =	vcvt.s32.f32 v27;
	v6 =	vld.idx.msk [tilespmem:v6+s3+$0x0], $0xffff;
	v24 =	vand.u32 $0x3FFF, v24  }
0x1be: {  	v4 =	vsub.f32 v4, v11;
	v23 =	vcvt.s32.f32 v23;
	v17 =	vsub.f32 v17, v16;
	v2 =	vld.idx.msk [tilespmem:v2+s3+$0x0], $0xffff;
	[tilespmem:s11+$0x140D0] =	vst v1  }
0x1bf: {  	v18 =	vsub.f32 v18, v21;
	v15 =	vcvt.s32.f32 v15;
	v50 =	vld.idx.msk [tilespmem:v33+s3+$0x0], $0xffff  }
0x1c0: {  	v3 =	vsub.f32 v3, v27;
	v49 =	vsub.f32 v29, v23;
	v17 =	vmul.f32 v4, v17;
	v51 =	vld.idx.msk [tilespmem:v32+s3+$0x0], $0xffff  }
0x1c1: {  	v4 =	vmul.f32 v18, v4;
	v8 =	vsub.f32 v55, v9;
	v1 =	vsub.f32 v10, v15;
	v53 =	vld.idx.msk [tilespmem:v30+s3+$0x0], $0xffff  }
0x1c2: {  	v5 =	vcvt.s32.f32 v5;
	v7 =	vsub.f32 v57, v14;
	v52 =	vcvt.s32.f32 v31;
	v54 =	vld.idx.msk [tilespmem:v24+s3+$0x0], $0xffff  }
0x1c3: {  	v56 =	vadd.f32 v17, v16;
	v4 =	vadd.f32 v4, v21;
	v8 =	vmul.f32 v1, v8  }
0x1c4: {  	v5 =	vsub.f32 v12, v5;
	v55 =	vsub.f32 v22, v52;
	v1 =	vmul.f32 v7, v1  }
0x1c5: {  	v6 =	vsub.f32 v6, v47;
	v8 =	vadd.f32 v8, v9  }
0x1c6: {  	v1 =	vadd.f32 v1, v14;
	v2 =	vsub.f32 v2, v26  }
0x1c7: {  	v57 =	vsub.f32 v51, v50;
	v12 =	vsub.f32 v54, v53  }
0x1c8: {  	v4 =	vsub.f32 v4, v56;
	v6 =	vmul.f32 v5, v6;
	v2 =	vmul.f32 v2, v5  }
0x1c9: {  	v1 =	vsub.f32 v1, v8;
	v58 =	vmul.f32 v55, v57;
	v59 =	vmul.f32 v12, v55  }
0x1ca: {  	v60 =	vcvt.s32.f32 v19;
	v6 =	vadd.f32 v6, v47;
	v2 =	vadd.f32 v2, v26  }
0x1cb: {  	v61 =	vcvt.s32.f32 v28;
	v5 =	vadd.f32 v58, v50;
	v9 =	vadd.f32 v59, v53  }
0x1cc: {  	v3 =	vmul.f32 v4, v3;
	v62 =	vsub.f32 v13, v60;
	v2 =	vsub.f32 v2, v6  }
0x1cd: {  	v63 =	vsub.f32 v20, v61;
	v1 =	vmul.f32 v1, v49;
	v9 =	vsub.f32 v9, v5  }
0x1ce: {  	p1 =	sne.s32 s16, $0x7E00;
	v3 =	vadd.f32 v3, v56;
	v2 =	vmul.f32 v2, v62  }
.Ltmp3:
0x1cf: {  	v1 =	vadd.f32 v1, v8;
	v4 =	vmul.f32 v9, v63;
	(pc) =	sbr.rel @p1 .LBB2_9-.Ltmp3, $4  }
0x1d0: {  	[tilespmem:s11+$0x140E0] =	vst v3;
	v2 =	vadd.f32 v2, v6  }
0x1d1: {  	[tilespmem:s11+$0x140F0] =	vst v1;
	v1 =	vadd.f32 v4, v5  }
0x1d2: {  	[tilespmem:s11+$0x14100] =	vst v2  }
0x1d3: {  	s16 =	sadd.s32 $0x200, s16;
	s9 =	sadd.s32 $0x100, s9;
	[tilespmem:s11+$0x14110] =	vst v1  }
0x1d4: {  	p1 =	sne.s32 s19, $0xF  }
.Ltmp4:
0x1d5: {  	_ = 	snop;
	(pc) =	sbr.rel @p1 .LBB2_12-.Ltmp4, $3  }
0x1d6: {  	_ =	sdelay $0x1  }
0x1d7: {  	s6 =	sadd.s32 s6, s13  }
0x1d8: {  	[hbm4b:s6+s28] =	stream.strided.scatter [tilespmem:s30], [sflag:$0x3], $0x2000, s29, s28, $0x38;
	[tilespmem:$0x180A0] =	vst v63  }
.Ltmp5:
0x1d9: {  	(pc) =	sbr.rel .LBB2_13-.Ltmp5, $4  }
0x1da: {  	_ = 	snop  }
0x1db: {  	_ =	swait.ge [sflag:s24], $0x4000  }
0x1dc: {  	[sflag:s24] =	ssyncset.done $0x0  }
0x1dd: {  	[sflag:s24] =	ssyncadd.s32 $0xFFFFC000  }
.LBB2_12:
.Ltmp6:
0x1de: {  	s6 =	sadd.s32 s8, s14;
	(pc) =	sbr.rel @p0 .LBB2_14-.Ltmp6, $4  }
0x1df: {  	[tilespmem:s25], [sflag:$0x1] =	stream.linear.gather [hbm4b:s6+s3], $0x4000, $0x38;
	[tilespmem:$0x180A0] =	vst v63  }
0x1e0: {  	_ =	swait.ge [sflag:s24], $0x4000  }
0x1e1: {  	[sflag:s24] =	ssyncset.done $0x0  }
0x1e2: {  	[sflag:s24] =	ssyncadd.s32 $0xFFFFC000  }
.LBB2_13:
0x1e3: {  	_ =	swait.ge [sflag:s31], $0x2000  }
0x1e4: {  	[sflag:s31] =	ssyncset.done $0x0  }
0x1e5: {  	[sflag:s31] =	ssyncadd.s32 $0xFFFFE000  }
.LBB2_14:
0x1e6: {  	s6 =	simm.s32 $0x0;
	s8 =	simm.s32 $0x10120  }
.LBB2_15:
0x1e7: {  	v1 =	vld [tilespmem:s8+$0xFFFFFF80];
	_ =	sdelay $0x1  }
0x1e8: {  	v2 =	vld [tilespmem:s8+$0x0]  }
0x1e9: {  	v3 =	vld [tilespmem:s8+$0x10]  }
0x1ea: {  	v5 =	vld [tilespmem:s8+$0xFFFFFF90]  }
0x1eb: {  	v12 =	vld [tilespmem:s8+$0xFFFFFFA0];
	v1 =	vmul.f32 v1, v0  }
0x1ec: {  	v16 =	vld [tilespmem:s8+$0x30]  }
0x1ed: {  	v2 =	vmul.f32 v2, v0;
	v1 =	vadd.f32 $5.000000000e-01, v1  }
0x1ee: {  	v19 =	vld [tilespmem:s8+$0xFFFFFFB0];
	v3 =	vmul.f32 v3, v0  }
0x1ef: {  	v5 =	vmul.f32 v5, v0;
	v4 =	vadd.f32 $5.000000000e-01, v2;
	v2 =	vtrunc.f32 v1  }
0x1f0: {  	v12 =	vmul.f32 v12, v0;
	v2 =	vcvt.f32.s32 v2  }
0x1f1: {  	v16 =	vmul.f32 v16, v0;
	v10 =	vadd.f32 $5.000000000e-01, v3;
	v6 =	vtrunc.f32 v4  }
0x1f2: {  	v13 =	vadd.f32 $5.000000000e-01, v5;
	v6 =	vcvt.f32.s32 v6;
	v7 =	vcvt.s32.f32 v2  }
0x1f3: {  	v35 =	vld [tilespmem:s8+$0x20];
	v43 =	vmul.f32 v19, v0;
	v36 =	vtrunc.f32 v10  }
0x1f4: {  	v39 =	vtrunc.f32 v13;
	v7 =	vsub.f32 v1, v7;
	v1 =	vmul.u32 $0x9E3779B1, v6  }
0x1f5: {  	v12 =	vadd.f32 $5.000000000e-01, v12;
	v38 =	vcvt.f32.s32 v36;
	v15 =	vcvt.f32.s32 v39  }
0x1f6: {  	v8 =	vcvt.s32.f32 v6;
	v9 =	vadd.s32 $0x1, v2;
	v11 =	vxor.u32 v2, v1  }
0x1f7: {  	v3 =	vadd.s32 $0x9E3779B1, v1;
	v1 =	vxor.u32 v9, v1;
	v37 =	vand.u32 $0x3FFF, v11  }
0x1f8: {  	v6 =	vmul.f32 v35, v0;
	v2 =	vxor.u32 v2, v3;
	v1 =	vand.u32 $0x3FFF, v1  }
0x1f9: {  	v40 =	vmul.u32 $0x9E3779B1, v38;
	v3 =	vxor.u32 v9, v3;
	v14 =	vand.u32 $0x3FFF, v2  }
0x1fa: {  	v42 =	vtrunc.f32 v12;
	v3 =	vand.u32 $0x3FFF, v3;
	v2 =	vadd.f32 $5.000000000e-01, v6  }
0x1fb: {  	v17 =	vadd.s32 $0x1, v15;
	v41 =	vadd.s32 $0x9E3779B1, v40;
	v18 =	vxor.u32 v15, v40  }
0x1fc: {  	v5 =	vxor.u32 v17, v40;
	v21 =	vxor.u32 v15, v41;
	v20 =	vtrunc.f32 v2;
	v9 =	vld.idx.msk [tilespmem:v37+s3+$0x0], $0xffff  }
0x1fd: {  	v18 =	vand.u32 $0x3FFF, v18;
	v6 =	vxor.u32 v17, v41;
	v17 =	vcvt.f32.s32 v20;
	v22 =	vld.idx.msk [tilespmem:v1+s3+$0x0], $0xffff  }
0x1fe: {  	v23 =	vand.u32 $0x3FFF, v5;
	v5 =	vadd.f32 $5.000000000e-01, v43;
	v20 =	vcvt.f32.s32 v42;
	v14 =	vld.idx.msk [tilespmem:v14+s3+$0x0], $0xffff  }
0x1ff: {  	v21 =	vand.u32 $0x3FFF, v21;
	v1 =	vadd.f32 $5.000000000e-01, v16;
	v24 =	vmul.u32 $0x9E3779B1, v17;
	v3 =	vld.idx.msk [tilespmem:v3+s3+$0x0], $0xffff  }
0x200: {  	v48 =	vtrunc.f32 v5;
	v44 =	vand.u32 $0x3FFF, v6;
	v25 =	vadd.s32 $0x1, v20  }
0x201: {  	v46 =	vtrunc.f32 v1;
	v45 =	vadd.s32 $0x9E3779B1, v24;
	v26 =	vxor.u32 v20, v24  }
0x202: {  	v24 =	vxor.u32 v25, v24;
	v6 =	vcvt.f32.s32 v46;
	v27 =	vxor.u32 v20, v45  }
0x203: {  	v32 =	vld [tilespmem:s8+$0x40];
	v19 =	vxor.u32 v25, v45;
	v47 =	vand.u32 $0x3FFF, v26;
	v24 =	vand.u32 $0x3FFF, v24  }
0x204: {  	v33 =	vld [tilespmem:s8+$0xFFFFFFC0];
	v26 =	vcvt.f32.s32 v48;
	v22 =	vsub.f32 v22, v9;
	v3 =	vsub.f32 v3, v14  }
0x205: {  	v18 =	vld.idx.msk [tilespmem:v18+s3+$0x0], $0xffff;
	v28 =	vmul.u32 $0x9E3779B1, v6;
	v27 =	vand.u32 $0x3FFF, v27;
	v19 =	vand.u32 $0x3FFF, v19  }
0x206: {  	v23 =	vld.idx.msk [tilespmem:v23+s3+$0x0], $0xffff;
	v30 =	vadd.s32 $0x1, v26;
	v22 =	vmul.f32 v7, v22;
	v3 =	vmul.f32 v3, v7  }
0x207: {  	v21 =	vld.idx.msk [tilespmem:v21+s3+$0x0], $0xffff;
	v29 =	vadd.s32 $0x9E3779B1, v28;
	v31 =	vxor.u32 v26, v28;
	v49 =	vxor.u32 v30, v28  }
0x208: {  	v16 =	vld.idx.msk [tilespmem:v44+s3+$0x0], $0xffff;
	v31 =	vand.u32 $0x3FFF, v31;
	v9 =	vadd.f32 v22, v9;
	v3 =	vadd.f32 v3, v14  }
0x209: {  	v4 =	vsub.f32 v4, v8;
	v50 =	vxor.u32 v26, v29;
	v25 =	vand.u32 $0x3FFF, v49;
	v7 =	vld.idx.msk [tilespmem:v47+s3+$0x0], $0xffff  }
0x20a: {  	v52 =	vxor.u32 v30, v29;
	v51 =	vld.idx.msk [tilespmem:v24+s3+$0x0], $0xffff;
	v53 =	vand.u32 $0x3FFF, v50;
	v3 =	vsub.f32 v3, v9  }
0x20b: {  	v15 =	vcvt.s32.f32 v15;
	v22 =	vand.u32 $0x3FFF, v52;
	v54 =	vld.idx.msk [tilespmem:v27+s3+$0x0], $0xffff  }
0x20c: {  	v19 =	vld.idx.msk [tilespmem:v19+s3+$0x0], $0xffff;
	v4 =	vmul.f32 v3, v4  }
0x20d: {  	v13 =	vsub.f32 v13, v15;
	v23 =	vsub.f32 v23, v18;
	v28 =	vld.idx.msk [tilespmem:v31+s3+$0x0], $0xffff  }
0x20e: {  	v55 =	vmul.f32 v32, v0;
	v16 =	vsub.f32 v16, v21;
	v25 =	vld.idx.msk [tilespmem:v25+s3+$0x0], $0xffff;
	v9 =	vadd.f32 v4, v9  }
0x20f: {  	s9 =	sshra.s32 s6, $0x2;
	v56 =	vmul.f32 v33, v0;
	v24 =	vld.idx.msk [tilespmem:v53+s3+$0x0], $0xffff  }
0x210: {  	v23 =	vmul.f32 v13, v23;
	v13 =	vmul.f32 v16, v13;
	v3 =	vadd.f32 $5.000000000e-01, v55;
	v22 =	vld.idx.msk [tilespmem:v22+s3+$0x0], $0xffff;
	[tilespmem:s9+$0x160A0] =	vst v9  }
0x211: {  	v57 =	vcvt.s32.f32 v38;
	v62 =	vcvt.s32.f32 v20;
	v4 =	vadd.f32 $5.000000000e-01, v56;
	v59 =	vld [tilespmem:s8+$0x50]  }
0x212: {  	v18 =	vadd.f32 v23, v18;
	v13 =	vadd.f32 v13, v21;
	v27 =	vtrunc.f32 v3  }
0x213: {  	v27 =	vcvt.f32.s32 v27;
	v58 =	vtrunc.f32 v4;
	v61 =	vld [tilespmem:s8+$0xFFFFFFD0]  }
0x214: {  	v12 =	vsub.f32 v12, v62;
	v13 =	vsub.f32 v13, v18;
	v11 =	vcvt.f32.s32 v58  }
0x215: {  	v14 =	vsub.f32 v51, v7;
	v19 =	vsub.f32 v19, v54;
	v60 =	vmul.u32 $0x9E3779B1, v27  }
0x216: {  	v9 =	vsub.f32 v10, v57;
	v36 =	vadd.s32 $0x1, v11;
	v29 =	vmul.f32 v59, v0  }
0x217: {  	v63 =	vadd.s32 $0x9E3779B1, v60;
	v37 =	vxor.u32 v11, v60;
	v30 =	vxor.u32 v36, v60  }
0x218: {  	v39 =	vand.u32 $0x3FFF, v37;
	v10 =	vmul.f32 v61, v0;
	v29 =	vadd.f32 $5.000000000e-01, v29  }
0x219: {  	v38 =	vxor.u32 v11, v63;
	v20 =	vxor.u32 v36, v63;
	v30 =	vand.u32 $0x3FFF, v30  }
0x21a: {  	v40 =	vand.u32 $0x3FFF, v38;
	v10 =	vadd.f32 $5.000000000e-01, v10;
	v41 =	vtrunc.f32 v29  }
0x21b: {  	v14 =	vmul.f32 v12, v14;
	v20 =	vand.u32 $0x3FFF, v20;
	v23 =	vcvt.f32.s32 v41  }
0x21c: {  	v9 =	vmul.f32 v13, v9;
	v42 =	vtrunc.f32 v10  }
0x21d: {  	v12 =	vmul.f32 v19, v12;
	v16 =	vld.idx.msk [tilespmem:v39+s3+$0x0], $0xffff;
	v15 =	vcvt.f32.s32 v42;
	v43 =	vmul.u32 $0x9E3779B1, v23  }
0x21e: {  	v44 =	vcvt.s32.f32 v17;
	v7 =	vadd.f32 v14, v7;
	v9 =	vadd.f32 v9, v18;
	v17 =	vld.idx.msk [tilespmem:v30+s3+$0x0], $0xffff  }
0x21f: {  	v8 =	vadd.f32 v12, v54;
	v21 =	vld.idx.msk [tilespmem:v40+s3+$0x0], $0xffff;
	v46 =	vadd.s32 $0x1, v15;
	v47 =	vxor.u32 v15, v43  }
0x220: {  	v18 =	vld.idx.msk [tilespmem:v20+s3+$0x0], $0xffff;
	[tilespmem:s9+$0x160B0] =	vst v9;
	v45 =	vadd.s32 $0x9E3779B1, v43;
	v48 =	vxor.u32 v46, v43;
	v50 =	vand.u32 $0x3FFF, v47  }
0x221: {  	v2 =	vsub.f32 v2, v44;
	v51 =	vld [tilespmem:s8+$0x60];
	v49 =	vxor.u32 v15, v45;
	v19 =	vand.u32 $0x3FFF, v48  }
0x222: {  	v8 =	vsub.f32 v8, v7;
	v52 =	vxor.u32 v46, v45;
	v53 =	vand.u32 $0x3FFF, v49  }
0x223: {  	v12 =	vand.u32 $0x3FFF, v52  }
0x224: {  	v2 =	vmul.f32 v8, v2;
	v54 =	vld [tilespmem:s8+$0xFFFFFFE0]  }
0x225: {  	v9 =	vld.idx.msk [tilespmem:v50+s3+$0x0], $0xffff  }
0x226: {  	v2 =	vadd.f32 v2, v7;
	v56 =	vmul.f32 v51, v0;
	v55 =	vld.idx.msk [tilespmem:v19+s3+$0x0], $0xffff  }
0x227: {  	v14 =	vld.idx.msk [tilespmem:v53+s3+$0x0], $0xffff  }
0x228: {  	v13 =	vadd.f32 $5.000000000e-01, v56;
	v57 =	vld.idx.msk [tilespmem:v12+s3+$0x0], $0xffff;
	[tilespmem:s9+$0x160C0] =	vst v2  }
0x229: {  	v6 =	vcvt.s32.f32 v6;
	v59 =	vld [tilespmem:s8+$0x70]  }
0x22a: {  	v58 =	vmul.f32 v54, v0;
	v19 =	vtrunc.f32 v13  }
0x22b: {  	v2 =	vcvt.s32.f32 v26;
	v19 =	vcvt.f32.s32 v19;
	v61 =	vld [tilespmem:s8+$0xFFFFFFF0]  }
0x22c: {  	v1 =	vsub.f32 v1, v6;
	v12 =	vadd.f32 $5.000000000e-01, v58  }
0x22d: {  	v25 =	vsub.f32 v25, v28;
	v2 =	vsub.f32 v5, v2;
	v62 =	vmul.u32 $0x9E3779B1, v19  }
0x22e: {  	v22 =	vsub.f32 v22, v24;
	v60 =	vtrunc.f32 v12;
	v20 =	vmul.f32 v59, v0  }
0x22f: {  	v5 =	vcvt.f32.s32 v60;
	v63 =	vadd.s32 $0x9E3779B1, v62;
	v25 =	vmul.f32 v2, v25  }
0x230: {  	v2 =	vmul.f32 v22, v2;
	v38 =	vmul.f32 v61, v0;
	v20 =	vadd.f32 $5.000000000e-01, v20  }
0x231: {  	v36 =	vadd.s32 $0x1, v5;
	v37 =	vxor.u32 v5, v62;
	v25 =	vadd.f32 v25, v28  }
0x232: {  	v2 =	vadd.f32 v2, v24;
	v22 =	vadd.f32 $5.000000000e-01, v38;
	v41 =	vtrunc.f32 v20  }
0x233: {  	v39 =	vxor.u32 v5, v63;
	v6 =	vxor.u32 v36, v62;
	v28 =	vcvt.f32.s32 v41  }
0x234: {  	v42 =	vand.u32 $0x3FFF, v37;
	v2 =	vsub.f32 v2, v25;
	v43 =	vtrunc.f32 v22  }
0x235: {  	v26 =	vand.u32 $0x3FFF, v39;
	v31 =	vcvt.f32.s32 v43;
	v44 =	vmul.u32 $0x9E3779B1, v28  }
0x236: {  	v40 =	vxor.u32 v36, v63;
	v6 =	vand.u32 $0x3FFF, v6;
	v1 =	vmul.f32 v2, v1  }
0x237: {  	v2 =	vand.u32 $0x3FFF, v40;
	v45 =	vadd.s32 $0x1, v31;
	v46 =	vxor.u32 v31, v44  }
0x238: {  	v48 =	vadd.s32 $0x9E3779B1, v44;
	v32 =	vxor.u32 v45, v44;
	v33 =	vand.u32 $0x3FFF, v46  }
0x239: {  	v11 =	vcvt.s32.f32 v11;
	v47 =	vld.idx.msk [tilespmem:v42+s3+$0x0], $0xffff;
	v30 =	vxor.u32 v31, v48;
	v32 =	vand.u32 $0x3FFF, v32  }
0x23a: {  	v26 =	vld.idx.msk [tilespmem:v26+s3+$0x0], $0xffff;
	v1 =	vadd.f32 v1, v25;
	v24 =	vxor.u32 v45, v48;
	v30 =	vand.u32 $0x3FFF, v30  }
0x23b: {  	v27 =	vcvt.s32.f32 v27;
	v6 =	vld.idx.msk [tilespmem:v6+s3+$0x0], $0xffff;
	v24 =	vand.u32 $0x3FFF, v24  }
0x23c: {  	v4 =	vsub.f32 v4, v11;
	v23 =	vcvt.s32.f32 v23;
	v17 =	vsub.f32 v17, v16;
	v2 =	vld.idx.msk [tilespmem:v2+s3+$0x0], $0xffff;
	[tilespmem:s9+$0x160D0] =	vst v1  }
0x23d: {  	v18 =	vsub.f32 v18, v21;
	v15 =	vcvt.s32.f32 v15;
	v50 =	vld.idx.msk [tilespmem:v33+s3+$0x0], $0xffff  }
0x23e: {  	v3 =	vsub.f32 v3, v27;
	v49 =	vsub.f32 v29, v23;
	v17 =	vmul.f32 v4, v17;
	v51 =	vld.idx.msk [tilespmem:v32+s3+$0x0], $0xffff  }
0x23f: {  	v4 =	vmul.f32 v18, v4;
	v8 =	vsub.f32 v55, v9;
	v1 =	vsub.f32 v10, v15;
	v53 =	vld.idx.msk [tilespmem:v30+s3+$0x0], $0xffff  }
0x240: {  	v5 =	vcvt.s32.f32 v5;
	v7 =	vsub.f32 v57, v14;
	v52 =	vcvt.s32.f32 v31;
	v54 =	vld.idx.msk [tilespmem:v24+s3+$0x0], $0xffff  }
0x241: {  	v56 =	vadd.f32 v17, v16;
	v4 =	vadd.f32 v4, v21;
	v8 =	vmul.f32 v1, v8  }
0x242: {  	v5 =	vsub.f32 v12, v5;
	v55 =	vsub.f32 v22, v52;
	v1 =	vmul.f32 v7, v1  }
0x243: {  	v6 =	vsub.f32 v6, v47;
	v8 =	vadd.f32 v8, v9  }
0x244: {  	v1 =	vadd.f32 v1, v14;
	v2 =	vsub.f32 v2, v26  }
0x245: {  	v57 =	vsub.f32 v51, v50;
	v12 =	vsub.f32 v54, v53  }
0x246: {  	v4 =	vsub.f32 v4, v56;
	v6 =	vmul.f32 v5, v6;
	v2 =	vmul.f32 v2, v5  }
0x247: {  	v1 =	vsub.f32 v1, v8;
	v58 =	vmul.f32 v55, v57;
	v59 =	vmul.f32 v12, v55  }
0x248: {  	v60 =	vcvt.s32.f32 v19;
	v6 =	vadd.f32 v6, v47;
	v2 =	vadd.f32 v2, v26  }
0x249: {  	v61 =	vcvt.s32.f32 v28;
	v5 =	vadd.f32 v58, v50;
	v9 =	vadd.f32 v59, v53  }
0x24a: {  	v3 =	vmul.f32 v4, v3;
	v62 =	vsub.f32 v13, v60;
	v2 =	vsub.f32 v2, v6  }
0x24b: {  	v63 =	vsub.f32 v20, v61;
	v1 =	vmul.f32 v1, v49;
	v9 =	vsub.f32 v9, v5  }
0x24c: {  	p0 =	sne.s32 s6, $0x7E00;
	v3 =	vadd.f32 v3, v56;
	v2 =	vmul.f32 v2, v62  }
.Ltmp7:
0x24d: {  	v1 =	vadd.f32 v1, v8;
	v4 =	vmul.f32 v9, v63;
	(pc) =	sbr.rel @p0 .LBB2_15-.Ltmp7, $4  }
0x24e: {  	[tilespmem:s9+$0x160E0] =	vst v3;
	v2 =	vadd.f32 v2, v6  }
0x24f: {  	[tilespmem:s9+$0x160F0] =	vst v1;
	v1 =	vadd.f32 v4, v5  }
0x250: {  	[tilespmem:s9+$0x16100] =	vst v2  }
0x251: {  	s6 =	sadd.s32 $0x200, s6;
	s8 =	sadd.s32 $0x100, s8;
	[tilespmem:s9+$0x16110] =	vst v1  }
0x252: {  	s19 =	sadd.s32 $0x1, s19  }
0x253: {  	p0 =	sne.s32 s19, $0x10  }
.Ltmp8:
0x254: {  	_ = 	snop;
	(pc) =	sbr.rel @p0 .LBB2_8-.Ltmp8, $3  }
0x255: {  	_ =	sdelay $0x1  }
0x256: {  	s6 =	sadd.s32 s20, s15  }
0x257: {  	[hbm4b:s6+s28] =	stream.strided.scatter [tilespmem:s1], [sflag:$0x4], $0x2000, s29, s28, $0x38;
	[tilespmem:$0x180A0] =	vst v63  }
0x258: {  	_ =	swait.ge [sflag:s0], $0x2000  }
0x259: {  	[sflag:s0] =	ssyncset.done $0x0  }
0x25a: {  	[sflag:s0] =	ssyncadd.s32 $0xFFFFE000  }
0x25b: {  	_ =	swait.ge [sflag:s31], $0x2000  }
0x25c: {  	s17 =	sadd.s32 $0x1, s17;
	s6 =	rddreg [dreg:$0x8]  }
0x25d: {  	p0 =	sne.s32 s17, s6  }
.Ltmp9:
0x25e: {  	_ = 	snop;
	(pc) =	sbr.rel @p0 .LBB2_1-.Ltmp9, $3  }
0x25f: {  	_ =	sdelay $0x1  }
0x260: {  	[sflag:s31] =	ssyncset.done $0x0  }
0x261: {  	[sflag:s31] =	ssyncadd.s32 $0xFFFFE000  }
0x262: {  	_ =	sfence.sel $0x180000  }
0x263: {  	[bflag:$0x0] =	sbarrier.arrive $0xFFFF  }
0x264: {  	_ =	strace $0x90000047  }
0x265: {  	s0 =	stileid.u32;
	[bflag:$0x2] =	sbarrier.arrive $0xFFFF  }
0x266: {  	p0 =	sne.s32 s0, $0x0;
	s0 =	rddreg [dreg:$0x3]  }
0x267: {  	s0 =	sadd.s32 @!p0 $0x100000, s0  }
0x268: {  	[sflag:s0] =	ssyncadd.tile.s32 @!p0 $0x1;
	_ =	shalt  }
.Lfunc_end2:
_tile_overlayer_lowered:
.L_overlay_start_2:
0x269: {  	(tag) =	ssettag $0x2  }
0x26a: {  	s0 =	rddreg [dreg:$0x0];
	s2 =	stileid.u32  }
0x26b: {  	s1 =	rddreg [dreg:$0x1];
	p0 =	sne.s32 s2, $0x0  }
0x26c: {  	s3 =	rddreg [dreg:$0x2];
	[bflag:$0x3] =	sbarrier.arrive $0xFFFF;
	s2 =	simm.s32 @!p0 $0x1C05  }
0x26d: {  	[timem:s3], [sflag:s2] =	dma.local @!p0 [hbm:s0], s1  }
0x26e: {  	s0 =	simm.s32 @!p0 $0x5  }
0x26f: {  	_ =	swait.ge @!p0 [sflag:s0], s1  }
0x270: {  	s1 =	ssub.s32 @!p0 $0x0, s1;
	[sflag:s0] =	ssyncset.done @!p0 $0x0  }
0x271: {  	[sflag:s0] =	ssyncadd.s32 @!p0 s1  }
0x272: {  	[bflag:$0x3] =	sbarrier.arrive $0xFFFF  }
0x273: {  	_ =	shalt  }

</sc_bundles>
